<compile_context>
chip_gen: v7x
topology: tpu7x:2x2x1
jax: 0.10.2.dev20260603
libtpu: 0.0.44.dev20260713+nightly
codegen_flags: <defaults>
</compile_context>

<pallas_src>
import functools

import jax
import jax.numpy as jnp
from jax import lax
from jax.experimental import pallas as pl
from jax.experimental.pallas import tpu as pltpu
from jax.experimental.pallas import tpu_sc as plsc

VOCAB = 100000
SENT_LEN = 200
BATCH = 4096
PAD_ID = 0

_NC = 2
_NS = 16
_L = 16

_NACT = 16
_COLS = BATCH // _NACT
_CB = 128
_NV = _CB // _L
_H0 = 104
_H1 = SENT_LEN - _H0

_NROT = 31
_CSZ = 3224
_TAIL_OFF = _NROT * _CSZ
_TAIL_SZ = VOCAB - _TAIL_OFF


def _sc_body(sent_hbm, w_hbm, bias_hbm, out_hbm, table_v, idx_a, idx_b,
             bias_v, out_v, sem):
  wid = lax.axis_index("s") * _NC + lax.axis_index("c")

  @pl.when(wid < _NACT)
  def _work():
    base = wid * _COLS
    zero_i = jnp.zeros((_L,), jnp.int32)
    zero = jnp.zeros((_L,), jnp.float32)
    one = jnp.ones((_L,), jnp.float32)

    bufs = (idx_a, idx_b)
    def idx_copy(c, h):
      off, n = (0, _H0) if h == 0 else (_H0, _H1)
      return pltpu.async_copy(
          sent_hbm.at[pl.ds(off, n), pl.ds(base + c * _CB, _CB)],
          bufs[(2 * c + h) % 2].at[pl.ds(0, n)], sem)

    cp_bias = pltpu.async_copy(bias_hbm.at[zero_i], bias_v, sem)
    cp_cur = idx_copy(0, 0)

    copies = []
    rot = lax.rem(wid, _NROT)
    for k in range(_NROT):
      j = lax.rem(rot + k, _NROT)
      off = j * _CSZ
      copies.append(pltpu.async_copy(
          w_hbm.at[pl.ds(off, _CSZ)], table_v.at[pl.ds(off, _CSZ)], sem))
    copies.append(pltpu.async_copy(
        w_hbm.at[pl.ds(_TAIL_OFF, _TAIL_SZ)],
        table_v.at[pl.ds(_TAIL_OFF, _TAIL_SZ)], sem))
    cp_bias.wait()
    for cp in copies:
      cp.wait()

    bias = bias_v[...]

    for c in range(2):
      acc = tuple(zero for _ in range(_NV))
      for h in range(2):
        cp_cur.wait()
        if 2 * c + h < 3:
          nc, nh = (c, 1) if h == 0 else (c + 1, 0)
          cp_cur = idx_copy(nc, nh)
        buf = bufs[(2 * c + h) % 2]

        def step(t, a, buf=buf):
          new = []
          for j in range(_NV):
            idx = buf[t, pl.ds(j * _L, _L)]
            vals = plsc.load_gather(table_v, [idx])
            new.append(a[j] + jnp.where(idx != PAD_ID, vals + bias, zero))
          return tuple(new)

        acc = plsc.parallel_loop(0, _H0 if h == 0 else _H1, carry=acc)(step)

      for j in range(_NV):
        prob_neg = one / (one + jnp.exp(-acc[j]))
        out_v[0, pl.ds(c * _CB + j * _L, _L)] = prob_neg
        out_v[1, pl.ds(c * _CB + j * _L, _L)] = one - prob_neg

    pltpu.async_copy(out_v, out_hbm.at[:, pl.ds(base, _COLS)], sem).wait()


@jax.jit
def _run(sentences, weights, bias):
  mesh = plsc.VectorSubcoreMesh(core_axis_name="c", subcore_axis_name="s")
  f = functools.partial(
      pl.kernel,
      out_type=jax.ShapeDtypeStruct((2, BATCH), jnp.float32),
      mesh=mesh,
      scratch_types=[
          pltpu.VMEM((VOCAB,), jnp.float32),
          pltpu.VMEM((_H0, _CB), jnp.int32),
          pltpu.VMEM((_H0, _CB), jnp.int32),
          pltpu.VMEM((_L,), jnp.float32),
          pltpu.VMEM((2, _COLS), jnp.float32),
          pltpu.SemaphoreType.DMA,
      ],
      compiler_params=pltpu.CompilerParams(needs_layout_passes=False,
                                           skip_device_barrier=True),
  )(_sc_body)
  return f(sentences, weights.reshape(-1), bias)


def kernel(sentences, weights, bias):
  return _run(sentences, weights, bias)

# --- scband reference (transcript-rebuilt; emitter-appended) ---
"""Pipeline reference for scband-logistic-regression-7181185319158 (READ-ONLY COPY).

The authoritative reference and input builder live on the scoring server;
editing this copy changes nothing except your own understanding.
"""

import jax, jax.numpy as jnp
import numpy as np

VOCAB = 100000
SENT_LEN = 200
BATCH = 4096
PAD_ID = 0

def setup_inputs(seed: int = 0) -> dict:
    key = jax.random.key(seed)
    k1, k2 = jax.random.split(key)
    sentences = jax.random.randint(k1, (SENT_LEN, BATCH), 0, VOCAB, dtype=jnp.int64 if jax.config.jax_enable_x64 else jnp.int32).astype(jnp.int32)
    # xavier_normal_ for shape (VOCAB, 1): std = sqrt(2 / (fan_in + fan_out)) = sqrt(2 / (VOCAB + 1))
    std = float(np.sqrt(2.0 / (VOCAB + 1)))
    weights = jax.random.normal(k2, (VOCAB, 1), dtype=jnp.float32) * std
    bias = jnp.zeros((1,), dtype=jnp.float32)
    return {"sentences": sentences, "weights": weights, "bias": bias}

def reference(sentences, weights, bias):
    sent_length, batch_size = sentences.shape
    flat = sentences.reshape(-1)
    # gather: index_select over the vocab-sized weight table (SparseCore gather)
    selected = jnp.take(weights, flat, axis=0)  # [sent_length*batch, 1]
    padding = (flat == PAD_ID).astype(jnp.float32)[:, None]
    all_scores = ((selected + bias) * (1.0 - padding)).reshape(sent_length, batch_size)
    example_scores = jnp.sum(all_scores, axis=0).reshape(1, batch_size)
    prob_neg = jax.nn.sigmoid(example_scores)
    class_probs = jnp.concatenate([prob_neg, 1.0 - prob_neg], axis=0)  # [2, batch]
    return class_probs

if __name__ == "__main__":
    import jax
    _d = setup_inputs()
    print(jax.jit(kernel)(*tuple(_d.values())))

</pallas_src>

<mosaic_0001>
#map = affine_map<(d0, d1) -> (0, 0)>
#map1 = affine_map<(d0, d1) -> (0)>
module attributes {stable_mosaic.version = 14 : i64} {
  func.func @_sc_body(%arg0: i32, %arg1: i32, %arg2: memref<200x4096xi32, #tpu.memory_space<hbm>>, %arg3: memref<100000xf32, #tpu.memory_space<hbm>>, %arg4: memref<1xf32, #tpu.memory_space<hbm>>, %arg5: memref<2x4096xf32, #tpu.memory_space<hbm>>, %arg6: memref<100000xf32, #tpu.memory_space<vmem>>, %arg7: memref<104x128xi32, #tpu.memory_space<vmem>>, %arg8: memref<104x128xi32, #tpu.memory_space<vmem>>, %arg9: memref<16xf32, #tpu.memory_space<vmem>>, %arg10: memref<2x256xf32, #tpu.memory_space<vmem>>, %arg11: memref<!tpu.dma_semaphore, #tpu.memory_space<semaphore_mem>>) attributes {dimension_semantics = [#tpu.dimension_semantics<core_parallel>, #tpu.dimension_semantics<subcore_parallel>], iteration_bounds = array<i64: 2, 16>, scalar_prefetch = 0 : i64, scratch_operands = 6 : i64, tpu.core_type = #tpu.core_type<sc_vector_subcore>, window_params = [{transform_indices = #map}, {transform_indices = #map1}, {transform_indices = #map1}, {transform_indices = #map}]} {
    %mul3A = arith.constant 2 : i32
    %mul3A_0 = arith.muli %arg1, %mul3A : i32
    %add3A = arith.addi %mul3A_0, %arg0 : i32
    %lt3A = arith.constant 16 : i32
    %lt3A_1 = arith.cmpi slt, %add3A, %lt3A : i32
    %convert_element_type3A = arith.extui %lt3A_1 : i1 to i32
    %cond3A = arith.constant 0 : i32
    %cond3A_2 = arith.cmpi ne, %convert_element_type3A, %cond3A : i32
    scf.if %cond3A_2 {
      %mul3A_3 = arith.constant 256 : i32
      %mul3A_4 = arith.muli %add3A, %mul3A_3 : i32
      %broadcast_in_dim3A = arith.constant 0 : i32
      %broadcast_in_dim3A_5 = vector.broadcast %broadcast_in_dim3A : i32 to vector<16xi32>
      %broadcast_in_dim3A_6 = arith.constant 0.000000e+00 : f32
      %broadcast_in_dim3A_7 = vector.broadcast %broadcast_in_dim3A_6 : f32 to vector<16xf32>
      %broadcast_in_dim3A_8 = arith.constant 1.000000e+00 : f32
      %broadcast_in_dim3A_9 = vector.broadcast %broadcast_in_dim3A_8 : f32 to vector<16xf32>
      %dma_start3A = arith.constant 0 : i32
      %dma_start3A_10 = tpu.memref_slice %arg4[%dma_start3A] : memref<1xf32, #tpu.memory_space<hbm>> -> memref<1xf32, #tpu.memory_space<hbm>>
      tpu.enqueue_indirect_dma source(%dma_start3A_10 : memref<1xf32, #tpu.memory_space<hbm>>) target(%arg9 : memref<16xf32, #tpu.memory_space<vmem>>) offsets(%broadcast_in_dim3A_5 : vector<16xi32>) semaphore(%arg11 : memref<!tpu.dma_semaphore, #tpu.memory_space<semaphore_mem>>)
      %add3A_11 = arith.constant 0 : i32
      %add3A_12 = arith.addi %mul3A_4, %add3A_11 : i32
      %dma_start3A_13 = arith.constant 0 : i32
      %dma_start3A_14 = arith.constant 0 : i32
      %dma_start3A_15 = tpu.memref_slice %arg7[%dma_start3A_13, %dma_start3A_14] : memref<104x128xi32, #tpu.memory_space<vmem>> -> memref<104x128xi32, #tpu.memory_space<vmem>>
      %dma_start3A_16 = arith.constant 0 : i32
      %dma_start3A_17 = tpu.memref_slice %arg2[%dma_start3A_16, %add3A_12] : memref<200x4096xi32, #tpu.memory_space<hbm>> -> memref<104x128xi32, #tpu.memory_space<hbm>>
      %dma_start3A_18 = arith.constant 0 : i32
      %dma_start3A_19 = arith.constant 0 : i32
      %dma_start3A_20 = tpu.memref_slice %arg7[%dma_start3A_18, %dma_start3A_19] : memref<104x128xi32, #tpu.memory_space<vmem>> -> memref<104x128xi32, #tpu.memory_space<vmem>>
      %dma_start3A_21 = arith.constant 0 : i32
      %dma_start3A_22 = tpu.memref_slice %arg2[%dma_start3A_21, %add3A_12] : memref<200x4096xi32, #tpu.memory_space<hbm>> -> memref<104x128xi32, #tpu.memory_space<hbm>>
      tpu.enqueue_dma source(%dma_start3A_22 : memref<104x128xi32, #tpu.memory_space<hbm>>) target(%dma_start3A_20 : memref<104x128xi32, #tpu.memory_space<vmem>>) target_semaphore(%arg11 : memref<!tpu.dma_semaphore, #tpu.memory_space<semaphore_mem>>)
      %rem3A = arith.constant 31 : i32
      %rem3A_23 = arith.remsi %add3A, %rem3A : i32
      %add3A_24 = arith.constant 0 : i32
      %add3A_25 = arith.addi %rem3A_23, %add3A_24 : i32
      %rem3A_26 = arith.constant 31 : i32
      %rem3A_27 = arith.remsi %add3A_25, %rem3A_26 : i32
      %mul3A_28 = arith.constant 3224 : i32
      %mul3A_29 = arith.muli %rem3A_27, %mul3A_28 : i32
      %dma_start3A_30 = tpu.memref_slice %arg6[%mul3A_29] : memref<100000xf32, #tpu.memory_space<vmem>> -> memref<3224xf32, #tpu.memory_space<vmem>>
      %dma_start3A_31 = tpu.memref_slice %arg3[%mul3A_29] : memref<100000xf32, #tpu.memory_space<hbm>> -> memref<3224xf32, #tpu.memory_space<hbm>>
      %dma_start3A_32 = tpu.memref_slice %arg6[%mul3A_29] : memref<100000xf32, #tpu.memory_space<vmem>> -> memref<3224xf32, #tpu.memory_space<vmem>>
      %dma_start3A_33 = tpu.memref_slice %arg3[%mul3A_29] : memref<100000xf32, #tpu.memory_space<hbm>> -> memref<3224xf32, #tpu.memory_space<hbm>>
      tpu.enqueue_dma source(%dma_start3A_33 : memref<3224xf32, #tpu.memory_space<hbm>>) target(%dma_start3A_32 : memref<3224xf32, #tpu.memory_space<vmem>>) target_semaphore(%arg11 : memref<!tpu.dma_semaphore, #tpu.memory_space<semaphore_mem>>)
      %add3A_34 = arith.constant 1 : i32
      %add3A_35 = arith.addi %rem3A_23, %add3A_34 : i32
      %rem3A_36 = arith.constant 31 : i32
      %rem3A_37 = arith.remsi %add3A_35, %rem3A_36 : i32
      %mul3A_38 = arith.constant 3224 : i32
      %mul3A_39 = arith.muli %rem3A_37, %mul3A_38 : i32
      %dma_start3A_40 = tpu.memref_slice %arg6[%mul3A_39] : memref<100000xf32, #tpu.memory_space<vmem>> -> memref<3224xf32, #tpu.memory_space<vmem>>
      %dma_start3A_41 = tpu.memref_slice %arg3[%mul3A_39] : memref<100000xf32, #tpu.memory_space<hbm>> -> memref<3224xf32, #tpu.memory_space<hbm>>
      %dma_start3A_42 = tpu.memref_slice %arg6[%mul3A_39] : memref<100000xf32, #tpu.memory_space<vmem>> -> memref<3224xf32, #tpu.memory_space<vmem>>
      %dma_start3A_43 = tpu.memref_slice %arg3[%mul3A_39] : memref<100000xf32, #tpu.memory_space<hbm>> -> memref<3224xf32, #tpu.memory_space<hbm>>
      tpu.enqueue_dma source(%dma_start3A_43 : memref<3224xf32, #tpu.memory_space<hbm>>) target(%dma_start3A_42 : memref<3224xf32, #tpu.memory_space<vmem>>) target_semaphore(%arg11 : memref<!tpu.dma_semaphore, #tpu.memory_space<semaphore_mem>>)
      %add3A_44 = arith.constant 2 : i32
      %add3A_45 = arith.addi %rem3A_23, %add3A_44 : i32
      %rem3A_46 = arith.constant 31 : i32
      %rem3A_47 = arith.remsi %add3A_45, %rem3A_46 : i32
      %mul3A_48 = arith.constant 3224 : i32
      %mul3A_49 = arith.muli %rem3A_47, %mul3A_48 : i32
      %dma_start3A_50 = tpu.memref_slice %arg6[%mul3A_49] : memref<100000xf32, #tpu.memory_space<vmem>> -> memref<3224xf32, #tpu.memory_space<vmem>>
      %dma_start3A_51 = tpu.memref_slice %arg3[%mul3A_49] : memref<100000xf32, #tpu.memory_space<hbm>> -> memref<3224xf32, #tpu.memory_space<hbm>>
      %dma_start3A_52 = tpu.memref_slice %arg6[%mul3A_49] : memref<100000xf32, #tpu.memory_space<vmem>> -> memref<3224xf32, #tpu.memory_space<vmem>>
      %dma_start3A_53 = tpu.memref_slice %arg3[%mul3A_49] : memref<100000xf32, #tpu.memory_space<hbm>> -> memref<3224xf32, #tpu.memory_space<hbm>>
      tpu.enqueue_dma source(%dma_start3A_53 : memref<3224xf32, #tpu.memory_space<hbm>>) target(%dma_start3A_52 : memref<3224xf32, #tpu.memory_space<vmem>>) target_semaphore(%arg11 : memref<!tpu.dma_semaphore, #tpu.memory_space<semaphore_mem>>)
      %add3A_54 = arith.constant 3 : i32
      %add3A_55 = arith.addi %rem3A_23, %add3A_54 : i32
      %rem3A_56 = arith.constant 31 : i32
      %rem3A_57 = arith.remsi %add3A_55, %rem3A_56 : i32
      %mul3A_58 = arith.constant 3224 : i32
      %mul3A_59 = arith.muli %rem3A_57, %mul3A_58 : i32
      %dma_start3A_60 = tpu.memref_slice %arg6[%mul3A_59] : memref<100000xf32, #tpu.memory_space<vmem>> -> memref<3224xf32, #tpu.memory_space<vmem>>
      %dma_start3A_61 = tpu.memref_slice %arg3[%mul3A_59] : memref<100000xf32, #tpu.memory_space<hbm>> -> memref<3224xf32, #tpu.memory_space<hbm>>
      %dma_start3A_62 = tpu.memref_slice %arg6[%mul3A_59] : memref<100000xf32, #tpu.memory_space<vmem>> -> memref<3224xf32, #tpu.memory_space<vmem>>
      %dma_start3A_63 = tpu.memref_slice %arg3[%mul3A_59] : memref<100000xf32, #tpu.memory_space<hbm>> -> memref<3224xf32, #tpu.memory_space<hbm>>
      tpu.enqueue_dma source(%dma_start3A_63 : memref<3224xf32, #tpu.memory_space<hbm>>) target(%dma_start3A_62 : memref<3224xf32, #tpu.memory_space<vmem>>) target_semaphore(%arg11 : memref<!tpu.dma_semaphore, #tpu.memory_space<semaphore_mem>>)
      %add3A_64 = arith.constant 4 : i32
      %add3A_65 = arith.addi %rem3A_23, %add3A_64 : i32
      %rem3A_66 = arith.constant 31 : i32
      %rem3A_67 = arith.remsi %add3A_65, %rem3A_66 : i32
      %mul3A_68 = arith.constant 3224 : i32
      %mul3A_69 = arith.muli %rem3A_67, %mul3A_68 : i32
      %dma_start3A_70 = tpu.memref_slice %arg6[%mul3A_69] : memref<100000xf32, #tpu.memory_space<vmem>> -> memref<3224xf32, #tpu.memory_space<vmem>>
      %dma_start3A_71 = tpu.memref_slice %arg3[%mul3A_69] : memref<100000xf32, #tpu.memory_space<hbm>> -> memref<3224xf32, #tpu.memory_space<hbm>>
      %dma_start3A_72 = tpu.memref_slice %arg6[%mul3A_69] : memref<100000xf32, #tpu.memory_space<vmem>> -> memref<3224xf32, #tpu.memory_space<vmem>>
      %dma_start3A_73 = tpu.memref_slice %arg3[%mul3A_69] : memref<100000xf32, #tpu.memory_space<hbm>> -> memref<3224xf32, #tpu.memory_space<hbm>>
      tpu.enqueue_dma source(%dma_start3A_73 : memref<3224xf32, #tpu.memory_space<hbm>>) target(%dma_start3A_72 : memref<3224xf32, #tpu.memory_space<vmem>>) target_semaphore(%arg11 : memref<!tpu.dma_semaphore, #tpu.memory_space<semaphore_mem>>)
      %add3A_74 = arith.constant 5 : i32
      %add3A_75 = arith.addi %rem3A_23, %add3A_74 : i32
      %rem3A_76 = arith.constant 31 : i32
      %rem3A_77 = arith.remsi %add3A_75, %rem3A_76 : i32
      %mul3A_78 = arith.constant 3224 : i32
      %mul3A_79 = arith.muli %rem3A_77, %mul3A_78 : i32
      %dma_start3A_80 = tpu.memref_slice %arg6[%mul3A_79] : memref<100000xf32, #tpu.memory_space<vmem>> -> memref<3224xf32, #tpu.memory_space<vmem>>
      %dma_start3A_81 = tpu.memref_slice %arg3[%mul3A_79] : memref<100000xf32, #tpu.memory_space<hbm>> -> memref<3224xf32, #tpu.memory_space<hbm>>
      %dma_start3A_82 = tpu.memref_slice %arg6[%mul3A_79] : memref<100000xf32, #tpu.memory_space<vmem>> -> memref<3224xf32, #tpu.memory_space<vmem>>
      %dma_start3A_83 = tpu.memref_slice %arg3[%mul3A_79] : memref<100000xf32, #tpu.memory_space<hbm>> -> memref<3224xf32, #tpu.memory_space<hbm>>
      tpu.enqueue_dma source(%dma_start3A_83 : memref<3224xf32, #tpu.memory_space<hbm>>) target(%dma_start3A_82 : memref<3224xf32, #tpu.memory_space<vmem>>) target_semaphore(%arg11 : memref<!tpu.dma_semaphore, #tpu.memory_space<semaphore_mem>>)
      %add3A_84 = arith.constant 6 : i32
      %add3A_85 = arith.addi %rem3A_23, %add3A_84 : i32
      %rem3A_86 = arith.constant 31 : i32
      %rem3A_87 = arith.remsi %add3A_85, %rem3A_86 : i32
      %mul3A_88 = arith.constant 3224 : i32
      %mul3A_89 = arith.muli %rem3A_87, %mul3A_88 : i32
      %dma_start3A_90 = tpu.memref_slice %arg6[%mul3A_89] : memref<100000xf32, #tpu.memory_space<vmem>> -> memref<3224xf32, #tpu.memory_space<vmem>>
      %dma_start3A_91 = tpu.memref_slice %arg3[%mul3A_89] : memref<100000xf32, #tpu.memory_space<hbm>> -> memref<3224xf32, #tpu.memory_space<hbm>>
      %dma_start3A_92 = tpu.memref_slice %arg6[%mul3A_89] : memref<100000xf32, #tpu.memory_space<vmem>> -> memref<3224xf32, #tpu.memory_space<vmem>>
      %dma_start3A_93 = tpu.memref_slice %arg3[%mul3A_89] : memref<100000xf32, #tpu.memory_space<hbm>> -> memref<3224xf32, #tpu.memory_space<hbm>>
      tpu.enqueue_dma source(%dma_start3A_93 : memref<3224xf32, #tpu.memory_space<hbm>>) target(%dma_start3A_92 : memref<3224xf32, #tpu.memory_space<vmem>>) target_semaphore(%arg11 : memref<!tpu.dma_semaphore, #tpu.memory_space<semaphore_mem>>)
      %add3A_94 = arith.constant 7 : i32
      %add3A_95 = arith.addi %rem3A_23, %add3A_94 : i32
      %rem3A_96 = arith.constant 31 : i32
      %rem3A_97 = arith.remsi %add3A_95, %rem3A_96 : i32
      %mul3A_98 = arith.constant 3224 : i32
      %mul3A_99 = arith.muli %rem3A_97, %mul3A_98 : i32
      %dma_start3A_100 = tpu.memref_slice %arg6[%mul3A_99] : memref<100000xf32, #tpu.memory_space<vmem>> -> memref<3224xf32, #tpu.memory_space<vmem>>
      %dma_start3A_101 = tpu.memref_slice %arg3[%mul3A_99] : memref<100000xf32, #tpu.memory_space<hbm>> -> memref<3224xf32, #tpu.memory_space<hbm>>
      %dma_start3A_102 = tpu.memref_slice %arg6[%mul3A_99] : memref<100000xf32, #tpu.memory_space<vmem>> -> memref<3224xf32, #tpu.memory_space<vmem>>
      %dma_start3A_103 = tpu.memref_slice %arg3[%mul3A_99] : memref<100000xf32, #tpu.memory_space<hbm>> -> memref<3224xf32, #tpu.memory_space<hbm>>
      tpu.enqueue_dma source(%dma_start3A_103 : memref<3224xf32, #tpu.memory_space<hbm>>) target(%dma_start3A_102 : memref<3224xf32, #tpu.memory_space<vmem>>) target_semaphore(%arg11 : memref<!tpu.dma_semaphore, #tpu.memory_space<semaphore_mem>>)
      %add3A_104 = arith.constant 8 : i32
      %add3A_105 = arith.addi %rem3A_23, %add3A_104 : i32
      %rem3A_106 = arith.constant 31 : i32
      %rem3A_107 = arith.remsi %add3A_105, %rem3A_106 : i32
      %mul3A_108 = arith.constant 3224 : i32
      %mul3A_109 = arith.muli %rem3A_107, %mul3A_108 : i32
      %dma_start3A_110 = tpu.memref_slice %arg6[%mul3A_109] : memref<100000xf32, #tpu.memory_space<vmem>> -> memref<3224xf32, #tpu.memory_space<vmem>>
      %dma_start3A_111 = tpu.memref_slice %arg3[%mul3A_109] : memref<100000xf32, #tpu.memory_space<hbm>> -> memref<3224xf32, #tpu.memory_space<hbm>>
      %dma_start3A_112 = tpu.memref_slice %arg6[%mul3A_109] : memref<100000xf32, #tpu.memory_space<vmem>> -> memref<3224xf32, #tpu.memory_space<vmem>>
      %dma_start3A_113 = tpu.memref_slice %arg3[%mul3A_109] : memref<100000xf32, #tpu.memory_space<hbm>> -> memref<3224xf32, #tpu.memory_space<hbm>>
      tpu.enqueue_dma source(%dma_start3A_113 : memref<3224xf32, #tpu.memory_space<hbm>>) target(%dma_start3A_112 : memref<3224xf32, #tpu.memory_space<vmem>>) target_semaphore(%arg11 : memref<!tpu.dma_semaphore, #tpu.memory_space<semaphore_mem>>)
      %add3A_114 = arith.constant 9 : i32
      %add3A_115 = arith.addi %rem3A_23, %add3A_114 : i32
      %rem3A_116 = arith.constant 31 : i32
      %rem3A_117 = arith.remsi %add3A_115, %rem3A_116 : i32
      %mul3A_118 = arith.constant 3224 : i32
      %mul3A_119 = arith.muli %rem3A_117, %mul3A_118 : i32
      %dma_start3A_120 = tpu.memref_slice %arg6[%mul3A_119] : memref<100000xf32, #tpu.memory_space<vmem>> -> memref<3224xf32, #tpu.memory_space<vmem>>
      %dma_start3A_121 = tpu.memref_slice %arg3[%mul3A_119] : memref<100000xf32, #tpu.memory_space<hbm>> -> memref<3224xf32, #tpu.memory_space<hbm>>
      %dma_start3A_122 = tpu.memref_slice %arg6[%mul3A_119] : memref<100000xf32, #tpu.memory_space<vmem>> -> memref<3224xf32, #tpu.memory_space<vmem>>
      %dma_start3A_123 = tpu.memref_slice %arg3[%mul3A_119] : memref<100000xf32, #tpu.memory_space<hbm>> -> memref<3224xf32, #tpu.memory_space<hbm>>
      tpu.enqueue_dma source(%dma_start3A_123 : memref<3224xf32, #tpu.memory_space<hbm>>) target(%dma_start3A_122 : memref<3224xf32, #tpu.memory_space<vmem>>) target_semaphore(%arg11 : memref<!tpu.dma_semaphore, #tpu.memory_space<semaphore_mem>>)
      %add3A_124 = arith.constant 10 : i32
      %add3A_125 = arith.addi %rem3A_23, %add3A_124 : i32
      %rem3A_126 = arith.constant 31 : i32
      %rem3A_127 = arith.remsi %add3A_125, %rem3A_126 : i32
      %mul3A_128 = arith.constant 3224 : i32
      %mul3A_129 = arith.muli %rem3A_127, %mul3A_128 : i32
      %dma_start3A_130 = tpu.memref_slice %arg6[%mul3A_129] : memref<100000xf32, #tpu.memory_space<vmem>> -> memref<3224xf32, #tpu.memory_space<vmem>>
      %dma_start3A_131 = tpu.memref_slice %arg3[%mul3A_129] : memref<100000xf32, #tpu.memory_space<hbm>> -> memref<3224xf32, #tpu.memory_space<hbm>>
      %dma_start3A_132 = tpu.memref_slice %arg6[%mul3A_129] : memref<100000xf32, #tpu.memory_space<vmem>> -> memref<3224xf32, #tpu.memory_space<vmem>>
      %dma_start3A_133 = tpu.memref_slice %arg3[%mul3A_129] : memref<100000xf32, #tpu.memory_space<hbm>> -> memref<3224xf32, #tpu.memory_space<hbm>>
      tpu.enqueue_dma source(%dma_start3A_133 : memref<3224xf32, #tpu.memory_space<hbm>>) target(%dma_start3A_132 : memref<3224xf32, #tpu.memory_space<vmem>>) target_semaphore(%arg11 : memref<!tpu.dma_semaphore, #tpu.memory_space<semaphore_mem>>)
      %add3A_134 = arith.constant 11 : i32
      %add3A_135 = arith.addi %rem3A_23, %add3A_134 : i32
      %rem3A_136 = arith.constant 31 : i32
      %rem3A_137 = arith.remsi %add3A_135, %rem3A_136 : i32
      %mul3A_138 = arith.constant 3224 : i32
      %mul3A_139 = arith.muli %rem3A_137, %mul3A_138 : i32
      %dma_start3A_140 = tpu.memref_slice %arg6[%mul3A_139] : memref<100000xf32, #tpu.memory_space<vmem>> -> memref<3224xf32, #tpu.memory_space<vmem>>
      %dma_start3A_141 = tpu.memref_slice %arg3[%mul3A_139] : memref<100000xf32, #tpu.memory_space<hbm>> -> memref<3224xf32, #tpu.memory_space<hbm>>
      %dma_start3A_142 = tpu.memref_slice %arg6[%mul3A_139] : memref<100000xf32, #tpu.memory_space<vmem>> -> memref<3224xf32, #tpu.memory_space<vmem>>
      %dma_start3A_143 = tpu.memref_slice %arg3[%mul3A_139] : memref<100000xf32, #tpu.memory_space<hbm>> -> memref<3224xf32, #tpu.memory_space<hbm>>
      tpu.enqueue_dma source(%dma_start3A_143 : memref<3224xf32, #tpu.memory_space<hbm>>) target(%dma_start3A_142 : memref<3224xf32, #tpu.memory_space<vmem>>) target_semaphore(%arg11 : memref<!tpu.dma_semaphore, #tpu.memory_space<semaphore_mem>>)
      %add3A_144 = arith.constant 12 : i32
      %add3A_145 = arith.addi %rem3A_23, %add3A_144 : i32
      %rem3A_146 = arith.constant 31 : i32
      %rem3A_147 = arith.remsi %add3A_145, %rem3A_146 : i32
      %mul3A_148 = arith.constant 3224 : i32
      %mul3A_149 = arith.muli %rem3A_147, %mul3A_148 : i32
      %dma_start3A_150 = tpu.memref_slice %arg6[%mul3A_149] : memref<100000xf32, #tpu.memory_space<vmem>> -> memref<3224xf32, #tpu.memory_space<vmem>>
      %dma_start3A_151 = tpu.memref_slice %arg3[%mul3A_149] : memref<100000xf32, #tpu.memory_space<hbm>> -> memref<3224xf32, #tpu.memory_space<hbm>>
      %dma_start3A_152 = tpu.memref_slice %arg6[%mul3A_149] : memref<100000xf32, #tpu.memory_space<vmem>> -> memref<3224xf32, #tpu.memory_space<vmem>>
      %dma_start3A_153 = tpu.memref_slice %arg3[%mul3A_149] : memref<100000xf32, #tpu.memory_space<hbm>> -> memref<3224xf32, #tpu.memory_space<hbm>>
      tpu.enqueue_dma source(%dma_start3A_153 : memref<3224xf32, #tpu.memory_space<hbm>>) target(%dma_start3A_152 : memref<3224xf32, #tpu.memory_space<vmem>>) target_semaphore(%arg11 : memref<!tpu.dma_semaphore, #tpu.memory_space<semaphore_mem>>)
      %add3A_154 = arith.constant 13 : i32
      %add3A_155 = arith.addi %rem3A_23, %add3A_154 : i32
      %rem3A_156 = arith.constant 31 : i32
      %rem3A_157 = arith.remsi %add3A_155, %rem3A_156 : i32
      %mul3A_158 = arith.constant 3224 : i32
      %mul3A_159 = arith.muli %rem3A_157, %mul3A_158 : i32
      %dma_start3A_160 = tpu.memref_slice %arg6[%mul3A_159] : memref<100000xf32, #tpu.memory_space<vmem>> -> memref<3224xf32, #tpu.memory_space<vmem>>
      %dma_start3A_161 = tpu.memref_slice %arg3[%mul3A_159] : memref<100000xf32, #tpu.memory_space<hbm>> -> memref<3224xf32, #tpu.memory_space<hbm>>
      %dma_start3A_162 = tpu.memref_slice %arg6[%mul3A_159] : memref<100000xf32, #tpu.memory_space<vmem>> -> memref<3224xf32, #tpu.memory_space<vmem>>
      %dma_start3A_163 = tpu.memref_slice %arg3[%mul3A_159] : memref<100000xf32, #tpu.memory_space<hbm>> -> memref<3224xf32, #tpu.memory_space<hbm>>
      tpu.enqueue_dma source(%dma_start3A_163 : memref<3224xf32, #tpu.memory_space<hbm>>) target(%dma_start3A_162 : memref<3224xf32, #tpu.memory_space<vmem>>) target_semaphore(%arg11 : memref<!tpu.dma_semaphore, #tpu.memory_space<semaphore_mem>>)
      %add3A_164 = arith.constant 14 : i32
      %add3A_165 = arith.addi %rem3A_23, %add3A_164 : i32
      %rem3A_166 = arith.constant 31 : i32
      %rem3A_167 = arith.remsi %add3A_165, %rem3A_166 : i32
      %mul3A_168 = arith.constant 3224 : i32
      %mul3A_169 = arith.muli %rem3A_167, %mul3A_168 : i32
      %dma_start3A_170 = tpu.memref_slice %arg6[%mul3A_169] : memref<100000xf32, #tpu.memory_space<vmem>> -> memref<3224xf32, #tpu.memory_space<vmem>>
      %dma_start3A_171 = tpu.memref_slice %arg3[%mul3A_169] : memref<100000xf32, #tpu.memory_space<hbm>> -> memref<3224xf32, #tpu.memory_space<hbm>>
      %dma_start3A_172 = tpu.memref_slice %arg6[%mul3A_169] : memref<100000xf32, #tpu.memory_space<vmem>> -> memref<3224xf32, #tpu.memory_space<vmem>>
      %dma_start3A_173 = tpu.memref_slice %arg3[%mul3A_169] : memref<100000xf32, #tpu.memory_space<hbm>> -> memref<3224xf32, #tpu.memory_space<hbm>>
      tpu.enqueue_dma source(%dma_start3A_173 : memref<3224xf32, #tpu.memory_space<hbm>>) target(%dma_start3A_172 : memref<3224xf32, #tpu.memory_space<vmem>>) target_semaphore(%arg11 : memref<!tpu.dma_semaphore, #tpu.memory_space<semaphore_mem>>)
      %add3A_174 = arith.constant 15 : i32
      %add3A_175 = arith.addi %rem3A_23, %add3A_174 : i32
      %rem3A_176 = arith.constant 31 : i32
      %rem3A_177 = arith.remsi %add3A_175, %rem3A_176 : i32
      %mul3A_178 = arith.constant 3224 : i32
      %mul3A_179 = arith.muli %rem3A_177, %mul3A_178 : i32
      %dma_start3A_180 = tpu.memref_slice %arg6[%mul3A_179] : memref<100000xf32, #tpu.memory_space<vmem>> -> memref<3224xf32, #tpu.memory_space<vmem>>
      %dma_start3A_181 = tpu.memref_slice %arg3[%mul3A_179] : memref<100000xf32, #tpu.memory_space<hbm>> -> memref<3224xf32, #tpu.memory_space<hbm>>
      %dma_start3A_182 = tpu.memref_slice %arg6[%mul3A_179] : memref<100000xf32, #tpu.memory_space<vmem>> -> memref<3224xf32, #tpu.memory_space<vmem>>
      %dma_start3A_183 = tpu.memref_slice %arg3[%mul3A_179] : memref<100000xf32, #tpu.memory_space<hbm>> -> memref<3224xf32, #tpu.memory_space<hbm>>
      tpu.enqueue_dma source(%dma_start3A_183 : memref<3224xf32, #tpu.memory_space<hbm>>) target(%dma_start3A_182 : memref<3224xf32, #tpu.memory_space<vmem>>) target_semaphore(%arg11 : memref<!tpu.dma_semaphore, #tpu.memory_space<semaphore_mem>>)
      %add3A_184 = arith.constant 16 : i32
      %add3A_185 = arith.addi %rem3A_23, %add3A_184 : i32
      %rem3A_186 = arith.constant 31 : i32
      %rem3A_187 = arith.remsi %add3A_185, %rem3A_186 : i32
      %mul3A_188 = arith.constant 3224 : i32
      %mul3A_189 = arith.muli %rem3A_187, %mul3A_188 : i32
      %dma_start3A_190 = tpu.memref_slice %arg6[%mul3A_189] : memref<100000xf32, #tpu.memory_space<vmem>> -> memref<3224xf32, #tpu.memory_space<vmem>>
      %dma_start3A_191 = tpu.memref_slice %arg3[%mul3A_189] : memref<100000xf32, #tpu.memory_space<hbm>> -> memref<3224xf32, #tpu.memory_space<hbm>>
      %dma_start3A_192 = tpu.memref_slice %arg6[%mul3A_189] : memref<100000xf32, #tpu.memory_space<vmem>> -> memref<3224xf32, #tpu.memory_space<vmem>>
      %dma_start3A_193 = tpu.memref_slice %arg3[%mul3A_189] : memref<100000xf32, #tpu.memory_space<hbm>> -> memref<3224xf32, #tpu.memory_space<hbm>>
      tpu.enqueue_dma source(%dma_start3A_193 : memref<3224xf32, #tpu.memory_space<hbm>>) target(%dma_start3A_192 : memref<3224xf32, #tpu.memory_space<vmem>>) target_semaphore(%arg11 : memref<!tpu.dma_semaphore, #tpu.memory_space<semaphore_mem>>)
      %add3A_194 = arith.constant 17 : i32
      %add3A_195 = arith.addi %rem3A_23, %add3A_194 : i32
      %rem3A_196 = arith.constant 31 : i32
      %rem3A_197 = arith.remsi %add3A_195, %rem3A_196 : i32
      %mul3A_198 = arith.constant 3224 : i32
      %mul3A_199 = arith.muli %rem3A_197, %mul3A_198 : i32
      %dma_start3A_200 = tpu.memref_slice %arg6[%mul3A_199] : memref<100000xf32, #tpu.memory_space<vmem>> -> memref<3224xf32, #tpu.memory_space<vmem>>
      %dma_start3A_201 = tpu.memref_slice %arg3[%mul3A_199] : memref<100000xf32, #tpu.memory_space<hbm>> -> memref<3224xf32, #tpu.memory_space<hbm>>
      %dma_start3A_202 = tpu.memref_slice %arg6[%mul3A_199] : memref<100000xf32, #tpu.memory_space<vmem>> -> memref<3224xf32, #tpu.memory_space<vmem>>
      %dma_start3A_203 = tpu.memref_slice %arg3[%mul3A_199] : memref<100000xf32, #tpu.memory_space<hbm>> -> memref<3224xf32, #tpu.memory_space<hbm>>
      tpu.enqueue_dma source(%dma_start3A_203 : memref<3224xf32, #tpu.memory_space<hbm>>) target(%dma_start3A_202 : memref<3224xf32, #tpu.memory_space<vmem>>) target_semaphore(%arg11 : memref<!tpu.dma_semaphore, #tpu.memory_space<semaphore_mem>>)
      %add3A_204 = arith.constant 18 : i32
      %add3A_205 = arith.addi %rem3A_23, %add3A_204 : i32
      %rem3A_206 = arith.constant 31 : i32
      %rem3A_207 = arith.remsi %add3A_205, %rem3A_206 : i32
      %mul3A_208 = arith.constant 3224 : i32
      %mul3A_209 = arith.muli %rem3A_207, %mul3A_208 : i32
      %dma_start3A_210 = tpu.memref_slice %arg6[%mul3A_209] : memref<100000xf32, #tpu.memory_space<vmem>> -> memref<3224xf32, #tpu.memory_space<vmem>>
      %dma_start3A_211 = tpu.memref_slice %arg3[%mul3A_209] : memref<100000xf32, #tpu.memory_space<hbm>> -> memref<3224xf32, #tpu.memory_space<hbm>>
      %dma_start3A_212 = tpu.memref_slice %arg6[%mul3A_209] : memref<100000xf32, #tpu.memory_space<vmem>> -> memref<3224xf32, #tpu.memory_space<vmem>>
      %dma_start3A_213 = tpu.memref_slice %arg3[%mul3A_209] : memref<100000xf32, #tpu.memory_space<hbm>> -> memref<3224xf32, #tpu.memory_space<hbm>>
      tpu.enqueue_dma source(%dma_start3A_213 : memref<3224xf32, #tpu.memory_space<hbm>>) target(%dma_start3A_212 : memref<3224xf32, #tpu.memory_space<vmem>>) target_semaphore(%arg11 : memref<!tpu.dma_semaphore, #tpu.memory_space<semaphore_mem>>)
      %add3A_214 = arith.constant 19 : i32
      %add3A_215 = arith.addi %rem3A_23, %add3A_214 : i32
      %rem3A_216 = arith.constant 31 : i32
      %rem3A_217 = arith.remsi %add3A_215, %rem3A_216 : i32
      %mul3A_218 = arith.constant 3224 : i32
      %mul3A_219 = arith.muli %rem3A_217, %mul3A_218 : i32
      %dma_start3A_220 = tpu.memref_slice %arg6[%mul3A_219] : memref<100000xf32, #tpu.memory_space<vmem>> -> memref<3224xf32, #tpu.memory_space<vmem>>
      %dma_start3A_221 = tpu.memref_slice %arg3[%mul3A_219] : memref<100000xf32, #tpu.memory_space<hbm>> -> memref<3224xf32, #tpu.memory_space<hbm>>
      %dma_start3A_222 = tpu.memref_slice %arg6[%mul3A_219] : memref<100000xf32, #tpu.memory_space<vmem>> -> memref<3224xf32, #tpu.memory_space<vmem>>
      %dma_start3A_223 = tpu.memref_slice %arg3[%mul3A_219] : memref<100000xf32, #tpu.memory_space<hbm>> -> memref<3224xf32, #tpu.memory_space<hbm>>
      tpu.enqueue_dma source(%dma_start3A_223 : memref<3224xf32, #tpu.memory_space<hbm>>) target(%dma_start3A_222 : memref<3224xf32, #tpu.memory_space<vmem>>) target_semaphore(%arg11 : memref<!tpu.dma_semaphore, #tpu.memory_space<semaphore_mem>>)
      %add3A_224 = arith.constant 20 : i32
      %add3A_225 = arith.addi %rem3A_23, %add3A_224 : i32
      %rem3A_226 = arith.constant 31 : i32
      %rem3A_227 = arith.remsi %add3A_225, %rem3A_226 : i32
      %mul3A_228 = arith.constant 3224 : i32
      %mul3A_229 = arith.muli %rem3A_227, %mul3A_228 : i32
      %dma_start3A_230 = tpu.memref_slice %arg6[%mul3A_229] : memref<100000xf32, #tpu.memory_space<vmem>> -> memref<3224xf32, #tpu.memory_space<vmem>>
      %dma_start3A_231 = tpu.memref_slice %arg3[%mul3A_229] : memref<100000xf32, #tpu.memory_space<hbm>> -> memref<3224xf32, #tpu.memory_space<hbm>>
      %dma_start3A_232 = tpu.memref_slice %arg6[%mul3A_229] : memref<100000xf32, #tpu.memory_space<vmem>> -> memref<3224xf32, #tpu.memory_space<vmem>>
      %dma_start3A_233 = tpu.memref_slice %arg3[%mul3A_229] : memref<100000xf32, #tpu.memory_space<hbm>> -> memref<3224xf32, #tpu.memory_space<hbm>>
      tpu.enqueue_dma source(%dma_start3A_233 : memref<3224xf32, #tpu.memory_space<hbm>>) target(%dma_start3A_232 : memref<3224xf32, #tpu.memory_space<vmem>>) target_semaphore(%arg11 : memref<!tpu.dma_semaphore, #tpu.memory_space<semaphore_mem>>)
      %add3A_234 = arith.constant 21 : i32
      %add3A_235 = arith.addi %rem3A_23, %add3A_234 : i32
      %rem3A_236 = arith.constant 31 : i32
      %rem3A_237 = arith.remsi %add3A_235, %rem3A_236 : i32
      %mul3A_238 = arith.constant 3224 : i32
      %mul3A_239 = arith.muli %rem3A_237, %mul3A_238 : i32
      %dma_start3A_240 = tpu.memref_slice %arg6[%mul3A_239] : memref<100000xf32, #tpu.memory_space<vmem>> -> memref<3224xf32, #tpu.memory_space<vmem>>
      %dma_start3A_241 = tpu.memref_slice %arg3[%mul3A_239] : memref<100000xf32, #tpu.memory_space<hbm>> -> memref<3224xf32, #tpu.memory_space<hbm>>
      %dma_start3A_242 = tpu.memref_slice %arg6[%mul3A_239] : memref<100000xf32, #tpu.memory_space<vmem>> -> memref<3224xf32, #tpu.memory_space<vmem>>
      %dma_start3A_243 = tpu.memref_slice %arg3[%mul3A_239] : memref<100000xf32, #tpu.memory_space<hbm>> -> memref<3224xf32, #tpu.memory_space<hbm>>
      tpu.enqueue_dma source(%dma_start3A_243 : memref<3224xf32, #tpu.memory_space<hbm>>) target(%dma_start3A_242 : memref<3224xf32, #tpu.memory_space<vmem>>) target_semaphore(%arg11 : memref<!tpu.dma_semaphore, #tpu.memory_space<semaphore_mem>>)
      %add3A_244 = arith.constant 22 : i32
      %add3A_245 = arith.addi %rem3A_23, %add3A_244 : i32
      %rem3A_246 = arith.constant 31 : i32
      %rem3A_247 = arith.remsi %add3A_245, %rem3A_246 : i32
      %mul3A_248 = arith.constant 3224 : i32
      %mul3A_249 = arith.muli %rem3A_247, %mul3A_248 : i32
      %dma_start3A_250 = tpu.memref_slice %arg6[%mul3A_249] : memref<100000xf32, #tpu.memory_space<vmem>> -> memref<3224xf32, #tpu.memory_space<vmem>>
      %dma_start3A_251 = tpu.memref_slice %arg3[%mul3A_249] : memref<100000xf32, #tpu.memory_space<hbm>> -> memref<3224xf32, #tpu.memory_space<hbm>>
      %dma_start3A_252 = tpu.memref_slice %arg6[%mul3A_249] : memref<100000xf32, #tpu.memory_space<vmem>> -> memref<3224xf32, #tpu.memory_space<vmem>>
      %dma_start3A_253 = tpu.memref_slice %arg3[%mul3A_249] : memref<100000xf32, #tpu.memory_space<hbm>> -> memref<3224xf32, #tpu.memory_space<hbm>>
      tpu.enqueue_dma source(%dma_start3A_253 : memref<3224xf32, #tpu.memory_space<hbm>>) target(%dma_start3A_252 : memref<3224xf32, #tpu.memory_space<vmem>>) target_semaphore(%arg11 : memref<!tpu.dma_semaphore, #tpu.memory_space<semaphore_mem>>)
      %add3A_254 = arith.constant 23 : i32
      %add3A_255 = arith.addi %rem3A_23, %add3A_254 : i32
      %rem3A_256 = arith.constant 31 : i32
      %rem3A_257 = arith.remsi %add3A_255, %rem3A_256 : i32
      %mul3A_258 = arith.constant 3224 : i32
      %mul3A_259 = arith.muli %rem3A_257, %mul3A_258 : i32
      %dma_start3A_260 = tpu.memref_slice %arg6[%mul3A_259] : memref<100000xf32, #tpu.memory_space<vmem>> -> memref<3224xf32, #tpu.memory_space<vmem>>
      %dma_start3A_261 = tpu.memref_slice %arg3[%mul3A_259] : memref<100000xf32, #tpu.memory_space<hbm>> -> memref<3224xf32, #tpu.memory_space<hbm>>
      %dma_start3A_262 = tpu.memref_slice %arg6[%mul3A_259] : memref<100000xf32, #tpu.memory_space<vmem>> -> memref<3224xf32, #tpu.memory_space<vmem>>
      %dma_start3A_263 = tpu.memref_slice %arg3[%mul3A_259] : memref<100000xf32, #tpu.memory_space<hbm>> -> memref<3224xf32, #tpu.memory_space<hbm>>
      tpu.enqueue_dma source(%dma_start3A_263 : memref<3224xf32, #tpu.memory_space<hbm>>) target(%dma_start3A_262 : memref<3224xf32, #tpu.memory_space<vmem>>) target_semaphore(%arg11 : memref<!tpu.dma_semaphore, #tpu.memory_space<semaphore_mem>>)
      %add3A_264 = arith.constant 24 : i32
      %add3A_265 = arith.addi %rem3A_23, %add3A_264 : i32
      %rem3A_266 = arith.constant 31 : i32
      %rem3A_267 = arith.remsi %add3A_265, %rem3A_266 : i32
      %mul3A_268 = arith.constant 3224 : i32
      %mul3A_269 = arith.muli %rem3A_267, %mul3A_268 : i32
      %dma_start3A_270 = tpu.memref_slice %arg6[%mul3A_269] : memref<100000xf32, #tpu.memory_space<vmem>> -> memref<3224xf32, #tpu.memory_space<vmem>>
      %dma_start3A_271 = tpu.memref_slice %arg3[%mul3A_269] : memref<100000xf32, #tpu.memory_space<hbm>> -> memref<3224xf32, #tpu.memory_space<hbm>>
      %dma_start3A_272 = tpu.memref_slice %arg6[%mul3A_269] : memref<100000xf32, #tpu.memory_space<vmem>> -> memref<3224xf32, #tpu.memory_space<vmem>>
      %dma_start3A_273 = tpu.memref_slice %arg3[%mul3A_269] : memref<100000xf32, #tpu.memory_space<hbm>> -> memref<3224xf32, #tpu.memory_space<hbm>>
      tpu.enqueue_dma source(%dma_start3A_273 : memref<3224xf32, #tpu.memory_space<hbm>>) target(%dma_start3A_272 : memref<3224xf32, #tpu.memory_space<vmem>>) target_semaphore(%arg11 : memref<!tpu.dma_semaphore, #tpu.memory_space<semaphore_mem>>)
      %add3A_274 = arith.constant 25 : i32
      %add3A_275 = arith.addi %rem3A_23, %add3A_274 : i32
      %rem3A_276 = arith.constant 31 : i32
      %rem3A_277 = arith.remsi %add3A_275, %rem3A_276 : i32
      %mul3A_278 = arith.constant 3224 : i32
      %mul3A_279 = arith.muli %rem3A_277, %mul3A_278 : i32
      %dma_start3A_280 = tpu.memref_slice %arg6[%mul3A_279] : memref<100000xf32, #tpu.memory_space<vmem>> -> memref<3224xf32, #tpu.memory_space<vmem>>
      %dma_start3A_281 = tpu.memref_slice %arg3[%mul3A_279] : memref<100000xf32, #tpu.memory_space<hbm>> -> memref<3224xf32, #tpu.memory_space<hbm>>
      %dma_start3A_282 = tpu.memref_slice %arg6[%mul3A_279] : memref<100000xf32, #tpu.memory_space<vmem>> -> memref<3224xf32, #tpu.memory_space<vmem>>
      %dma_start3A_283 = tpu.memref_slice %arg3[%mul3A_279] : memref<100000xf32, #tpu.memory_space<hbm>> -> memref<3224xf32, #tpu.memory_space<hbm>>
      tpu.enqueue_dma source(%dma_start3A_283 : memref<3224xf32, #tpu.memory_space<hbm>>) target(%dma_start3A_282 : memref<3224xf32, #tpu.memory_space<vmem>>) target_semaphore(%arg11 : memref<!tpu.dma_semaphore, #tpu.memory_space<semaphore_mem>>)
      %add3A_284 = arith.constant 26 : i32
      %add3A_285 = arith.addi %rem3A_23, %add3A_284 : i32
      %rem3A_286 = arith.constant 31 : i32
      %rem3A_287 = arith.remsi %add3A_285, %rem3A_286 : i32
      %mul3A_288 = arith.constant 3224 : i32
      %mul3A_289 = arith.muli %rem3A_287, %mul3A_288 : i32
      %dma_start3A_290 = tpu.memref_slice %arg6[%mul3A_289] : memref<100000xf32, #tpu.memory_space<vmem>> -> memref<3224xf32, #tpu.memory_space<vmem>>
      %dma_start3A_291 = tpu.memref_slice %arg3[%mul3A_289] : memref<100000xf32, #tpu.memory_space<hbm>> -> memref<3224xf32, #tpu.memory_space<hbm>>
      %dma_start3A_292 = tpu.memref_slice %arg6[%mul3A_289] : memref<100000xf32, #tpu.memory_space<vmem>> -> memref<3224xf32, #tpu.memory_space<vmem>>
      %dma_start3A_293 = tpu.memref_slice %arg3[%mul3A_289] : memref<100000xf32, #tpu.memory_space<hbm>> -> memref<3224xf32, #tpu.memory_space<hbm>>
      tpu.enqueue_dma source(%dma_start3A_293 : memref<3224xf32, #tpu.memory_space<hbm>>) target(%dma_start3A_292 : memref<3224xf32, #tpu.memory_space<vmem>>) target_semaphore(%arg11 : memref<!tpu.dma_semaphore, #tpu.memory_space<semaphore_mem>>)
      %add3A_294 = arith.constant 27 : i32
      %add3A_295 = arith.addi %rem3A_23, %add3A_294 : i32
      %rem3A_296 = arith.constant 31 : i32
      %rem3A_297 = arith.remsi %add3A_295, %rem3A_296 : i32
      %mul3A_298 = arith.constant 3224 : i32
      %mul3A_299 = arith.muli %rem3A_297, %mul3A_298 : i32
      %dma_start3A_300 = tpu.memref_slice %arg6[%mul3A_299] : memref<100000xf32, #tpu.memory_space<vmem>> -> memref<3224xf32, #tpu.memory_space<vmem>>
      %dma_start3A_301 = tpu.memref_slice %arg3[%mul3A_299] : memref<100000xf32, #tpu.memory_space<hbm>> -> memref<3224xf32, #tpu.memory_space<hbm>>
      %dma_start3A_302 = tpu.memref_slice %arg6[%mul3A_299] : memref<100000xf32, #tpu.memory_space<vmem>> -> memref<3224xf32, #tpu.memory_space<vmem>>
      %dma_start3A_303 = tpu.memref_slice %arg3[%mul3A_299] : memref<100000xf32, #tpu.memory_space<hbm>> -> memref<3224xf32, #tpu.memory_space<hbm>>
      tpu.enqueue_dma source(%dma_start3A_303 : memref<3224xf32, #tpu.memory_space<hbm>>) target(%dma_start3A_302 : memref<3224xf32, #tpu.memory_space<vmem>>) target_semaphore(%arg11 : memref<!tpu.dma_semaphore, #tpu.memory_space<semaphore_mem>>)
      %add3A_304 = arith.constant 28 : i32
      %add3A_305 = arith.addi %rem3A_23, %add3A_304 : i32
      %rem3A_306 = arith.constant 31 : i32
      %rem3A_307 = arith.remsi %add3A_305, %rem3A_306 : i32
      %mul3A_308 = arith.constant 3224 : i32
      %mul3A_309 = arith.muli %rem3A_307, %mul3A_308 : i32
      %dma_start3A_310 = tpu.memref_slice %arg6[%mul3A_309] : memref<100000xf32, #tpu.memory_space<vmem>> -> memref<3224xf32, #tpu.memory_space<vmem>>
      %dma_start3A_311 = tpu.memref_slice %arg3[%mul3A_309] : memref<100000xf32, #tpu.memory_space<hbm>> -> memref<3224xf32, #tpu.memory_space<hbm>>
      %dma_start3A_312 = tpu.memref_slice %arg6[%mul3A_309] : memref<100000xf32, #tpu.memory_space<vmem>> -> memref<3224xf32, #tpu.memory_space<vmem>>
      %dma_start3A_313 = tpu.memref_slice %arg3[%mul3A_309] : memref<100000xf32, #tpu.memory_space<hbm>> -> memref<3224xf32, #tpu.memory_space<hbm>>
      tpu.enqueue_dma source(%dma_start3A_313 : memref<3224xf32, #tpu.memory_space<hbm>>) target(%dma_start3A_312 : memref<3224xf32, #tpu.memory_space<vmem>>) target_semaphore(%arg11 : memref<!tpu.dma_semaphore, #tpu.memory_space<semaphore_mem>>)
      %add3A_314 = arith.constant 29 : i32
      %add3A_315 = arith.addi %rem3A_23, %add3A_314 : i32
      %rem3A_316 = arith.constant 31 : i32
      %rem3A_317 = arith.remsi %add3A_315, %rem3A_316 : i32
      %mul3A_318 = arith.constant 3224 : i32
      %mul3A_319 = arith.muli %rem3A_317, %mul3A_318 : i32
      %dma_start3A_320 = tpu.memref_slice %arg6[%mul3A_319] : memref<100000xf32, #tpu.memory_space<vmem>> -> memref<3224xf32, #tpu.memory_space<vmem>>
      %dma_start3A_321 = tpu.memref_slice %arg3[%mul3A_319] : memref<100000xf32, #tpu.memory_space<hbm>> -> memref<3224xf32, #tpu.memory_space<hbm>>
      %dma_start3A_322 = tpu.memref_slice %arg6[%mul3A_319] : memref<100000xf32, #tpu.memory_space<vmem>> -> memref<3224xf32, #tpu.memory_space<vmem>>
      %dma_start3A_323 = tpu.memref_slice %arg3[%mul3A_319] : memref<100000xf32, #tpu.memory_space<hbm>> -> memref<3224xf32, #tpu.memory_space<hbm>>
      tpu.enqueue_dma source(%dma_start3A_323 : memref<3224xf32, #tpu.memory_space<hbm>>) target(%dma_start3A_322 : memref<3224xf32, #tpu.memory_space<vmem>>) target_semaphore(%arg11 : memref<!tpu.dma_semaphore, #tpu.memory_space<semaphore_mem>>)
      %add3A_324 = arith.constant 30 : i32
      %add3A_325 = arith.addi %rem3A_23, %add3A_324 : i32
      %rem3A_326 = arith.constant 31 : i32
      %rem3A_327 = arith.remsi %add3A_325, %rem3A_326 : i32
      %mul3A_328 = arith.constant 3224 : i32
      %mul3A_329 = arith.muli %rem3A_327, %mul3A_328 : i32
      %dma_start3A_330 = tpu.memref_slice %arg6[%mul3A_329] : memref<100000xf32, #tpu.memory_space<vmem>> -> memref<3224xf32, #tpu.memory_space<vmem>>
      %dma_start3A_331 = tpu.memref_slice %arg3[%mul3A_329] : memref<100000xf32, #tpu.memory_space<hbm>> -> memref<3224xf32, #tpu.memory_space<hbm>>
      %dma_start3A_332 = tpu.memref_slice %arg6[%mul3A_329] : memref<100000xf32, #tpu.memory_space<vmem>> -> memref<3224xf32, #tpu.memory_space<vmem>>
      %dma_start3A_333 = tpu.memref_slice %arg3[%mul3A_329] : memref<100000xf32, #tpu.memory_space<hbm>> -> memref<3224xf32, #tpu.memory_space<hbm>>
      tpu.enqueue_dma source(%dma_start3A_333 : memref<3224xf32, #tpu.memory_space<hbm>>) target(%dma_start3A_332 : memref<3224xf32, #tpu.memory_space<vmem>>) target_semaphore(%arg11 : memref<!tpu.dma_semaphore, #tpu.memory_space<semaphore_mem>>)
      %dma_start3A_334 = arith.constant 99944 : i32
      %dma_start3A_335 = tpu.memref_slice %arg6[%dma_start3A_334] : memref<100000xf32, #tpu.memory_space<vmem>> -> memref<56xf32, #tpu.memory_space<vmem>>
      %dma_start3A_336 = arith.constant 99944 : i32
      %dma_start3A_337 = tpu.memref_slice %arg3[%dma_start3A_336] : memref<100000xf32, #tpu.memory_space<hbm>> -> memref<56xf32, #tpu.memory_space<hbm>>
      %dma_start3A_338 = arith.constant 99944 : i32
      %dma_start3A_339 = tpu.memref_slice %arg6[%dma_start3A_338] : memref<100000xf32, #tpu.memory_space<vmem>> -> memref<56xf32, #tpu.memory_space<vmem>>
      %dma_start3A_340 = arith.constant 99944 : i32
      %dma_start3A_341 = tpu.memref_slice %arg3[%dma_start3A_340] : memref<100000xf32, #tpu.memory_space<hbm>> -> memref<56xf32, #tpu.memory_space<hbm>>
      tpu.enqueue_dma source(%dma_start3A_341 : memref<56xf32, #tpu.memory_space<hbm>>) target(%dma_start3A_339 : memref<56xf32, #tpu.memory_space<vmem>>) target_semaphore(%arg11 : memref<!tpu.dma_semaphore, #tpu.memory_space<semaphore_mem>>)
      %dma_wait3A = arith.constant 0 : i32
      %dma_wait3A_342 = tpu.memref_slice %arg4[%dma_wait3A] : memref<1xf32, #tpu.memory_space<hbm>> -> memref<1xf32, #tpu.memory_space<hbm>>
      tpu.wait_indirect_dma semaphore(%arg11 : memref<!tpu.dma_semaphore, #tpu.memory_space<semaphore_mem>>) src(%dma_wait3A_342 : memref<1xf32, #tpu.memory_space<hbm>>) dst(%arg9 : memref<16xf32, #tpu.memory_space<vmem>>)
      %dma_wait3A_343 = tpu.memref_slice %arg6[%mul3A_29] : memref<100000xf32, #tpu.memory_space<vmem>> -> memref<3224xf32, #tpu.memory_space<vmem>>
      %dma_wait3A_344 = tpu.memref_slice %arg3[%mul3A_29] : memref<100000xf32, #tpu.memory_space<hbm>> -> memref<3224xf32, #tpu.memory_space<hbm>>
      %dma_wait3A_345 = tpu.memref_slice %arg6[%mul3A_29] : memref<100000xf32, #tpu.memory_space<vmem>> -> memref<3224xf32, #tpu.memory_space<vmem>>
      %dma_wait3A_346 = tpu.memref_slice %arg3[%mul3A_29] : memref<100000xf32, #tpu.memory_space<hbm>> -> memref<3224xf32, #tpu.memory_space<hbm>>
      tpu.wait_dma2 semaphore(%arg11 : memref<!tpu.dma_semaphore, #tpu.memory_space<semaphore_mem>>) src(%dma_wait3A_346 : memref<3224xf32, #tpu.memory_space<hbm>>) dst(%dma_wait3A_345 : memref<3224xf32, #tpu.memory_space<vmem>>)
      %dma_wait3A_347 = tpu.memref_slice %arg6[%mul3A_39] : memref<100000xf32, #tpu.memory_space<vmem>> -> memref<3224xf32, #tpu.memory_space<vmem>>
      %dma_wait3A_348 = tpu.memref_slice %arg3[%mul3A_39] : memref<100000xf32, #tpu.memory_space<hbm>> -> memref<3224xf32, #tpu.memory_space<hbm>>
      %dma_wait3A_349 = tpu.memref_slice %arg6[%mul3A_39] : memref<100000xf32, #tpu.memory_space<vmem>> -> memref<3224xf32, #tpu.memory_space<vmem>>
      %dma_wait3A_350 = tpu.memref_slice %arg3[%mul3A_39] : memref<100000xf32, #tpu.memory_space<hbm>> -> memref<3224xf32, #tpu.memory_space<hbm>>
      tpu.wait_dma2 semaphore(%arg11 : memref<!tpu.dma_semaphore, #tpu.memory_space<semaphore_mem>>) src(%dma_wait3A_350 : memref<3224xf32, #tpu.memory_space<hbm>>) dst(%dma_wait3A_349 : memref<3224xf32, #tpu.memory_space<vmem>>)
      %dma_wait3A_351 = tpu.memref_slice %arg6[%mul3A_49] : memref<100000xf32, #tpu.memory_space<vmem>> -> memref<3224xf32, #tpu.memory_space<vmem>>
      %dma_wait3A_352 = tpu.memref_slice %arg3[%mul3A_49] : memref<100000xf32, #tpu.memory_space<hbm>> -> memref<3224xf32, #tpu.memory_space<hbm>>
      %dma_wait3A_353 = tpu.memref_slice %arg6[%mul3A_49] : memref<100000xf32, #tpu.memory_space<vmem>> -> memref<3224xf32, #tpu.memory_space<vmem>>
      %dma_wait3A_354 = tpu.memref_slice %arg3[%mul3A_49] : memref<100000xf32, #tpu.memory_space<hbm>> -> memref<3224xf32, #tpu.memory_space<hbm>>
      tpu.wait_dma2 semaphore(%arg11 : memref<!tpu.dma_semaphore, #tpu.memory_space<semaphore_mem>>) src(%dma_wait3A_354 : memref<3224xf32, #tpu.memory_space<hbm>>) dst(%dma_wait3A_353 : memref<3224xf32, #tpu.memory_space<vmem>>)
      %dma_wait3A_355 = tpu.memref_slice %arg6[%mul3A_59] : memref<100000xf32, #tpu.memory_space<vmem>> -> memref<3224xf32, #tpu.memory_space<vmem>>
      %dma_wait3A_356 = tpu.memref_slice %arg3[%mul3A_59] : memref<100000xf32, #tpu.memory_space<hbm>> -> memref<3224xf32, #tpu.memory_space<hbm>>
      %dma_wait3A_357 = tpu.memref_slice %arg6[%mul3A_59] : memref<100000xf32, #tpu.memory_space<vmem>> -> memref<3224xf32, #tpu.memory_space<vmem>>
      %dma_wait3A_358 = tpu.memref_slice %arg3[%mul3A_59] : memref<100000xf32, #tpu.memory_space<hbm>> -> memref<3224xf32, #tpu.memory_space<hbm>>
      tpu.wait_dma2 semaphore(%arg11 : memref<!tpu.dma_semaphore, #tpu.memory_space<semaphore_mem>>) src(%dma_wait3A_358 : memref<3224xf32, #tpu.memory_space<hbm>>) dst(%dma_wait3A_357 : memref<3224xf32, #tpu.memory_space<vmem>>)
      %dma_wait3A_359 = tpu.memref_slice %arg6[%mul3A_69] : memref<100000xf32, #tpu.memory_space<vmem>> -> memref<3224xf32, #tpu.memory_space<vmem>>
      %dma_wait3A_360 = tpu.memref_slice %arg3[%mul3A_69] : memref<100000xf32, #tpu.memory_space<hbm>> -> memref<3224xf32, #tpu.memory_space<hbm>>
      %dma_wait3A_361 = tpu.memref_slice %arg6[%mul3A_69] : memref<100000xf32, #tpu.memory_space<vmem>> -> memref<3224xf32, #tpu.memory_space<vmem>>
      %dma_wait3A_362 = tpu.memref_slice %arg3[%mul3A_69] : memref<100000xf32, #tpu.memory_space<hbm>> -> memref<3224xf32, #tpu.memory_space<hbm>>
      tpu.wait_dma2 semaphore(%arg11 : memref<!tpu.dma_semaphore, #tpu.memory_space<semaphore_mem>>) src(%dma_wait3A_362 : memref<3224xf32, #tpu.memory_space<hbm>>) dst(%dma_wait3A_361 : memref<3224xf32, #tpu.memory_space<vmem>>)
      %dma_wait3A_363 = tpu.memref_slice %arg6[%mul3A_79] : memref<100000xf32, #tpu.memory_space<vmem>> -> memref<3224xf32, #tpu.memory_space<vmem>>
      %dma_wait3A_364 = tpu.memref_slice %arg3[%mul3A_79] : memref<100000xf32, #tpu.memory_space<hbm>> -> memref<3224xf32, #tpu.memory_space<hbm>>
      %dma_wait3A_365 = tpu.memref_slice %arg6[%mul3A_79] : memref<100000xf32, #tpu.memory_space<vmem>> -> memref<3224xf32, #tpu.memory_space<vmem>>
      %dma_wait3A_366 = tpu.memref_slice %arg3[%mul3A_79] : memref<100000xf32, #tpu.memory_space<hbm>> -> memref<3224xf32, #tpu.memory_space<hbm>>
      tpu.wait_dma2 semaphore(%arg11 : memref<!tpu.dma_semaphore, #tpu.memory_space<semaphore_mem>>) src(%dma_wait3A_366 : memref<3224xf32, #tpu.memory_space<hbm>>) dst(%dma_wait3A_365 : memref<3224xf32, #tpu.memory_space<vmem>>)
      %dma_wait3A_367 = tpu.memref_slice %arg6[%mul3A_89] : memref<100000xf32, #tpu.memory_space<vmem>> -> memref<3224xf32, #tpu.memory_space<vmem>>
      %dma_wait3A_368 = tpu.memref_slice %arg3[%mul3A_89] : memref<100000xf32, #tpu.memory_space<hbm>> -> memref<3224xf32, #tpu.memory_space<hbm>>
      %dma_wait3A_369 = tpu.memref_slice %arg6[%mul3A_89] : memref<100000xf32, #tpu.memory_space<vmem>> -> memref<3224xf32, #tpu.memory_space<vmem>>
      %dma_wait3A_370 = tpu.memref_slice %arg3[%mul3A_89] : memref<100000xf32, #tpu.memory_space<hbm>> -> memref<3224xf32, #tpu.memory_space<hbm>>
      tpu.wait_dma2 semaphore(%arg11 : memref<!tpu.dma_semaphore, #tpu.memory_space<semaphore_mem>>) src(%dma_wait3A_370 : memref<3224xf32, #tpu.memory_space<hbm>>) dst(%dma_wait3A_369 : memref<3224xf32, #tpu.memory_space<vmem>>)
      %dma_wait3A_371 = tpu.memref_slice %arg6[%mul3A_99] : memref<100000xf32, #tpu.memory_space<vmem>> -> memref<3224xf32, #tpu.memory_space<vmem>>
      %dma_wait3A_372 = tpu.memref_slice %arg3[%mul3A_99] : memref<100000xf32, #tpu.memory_space<hbm>> -> memref<3224xf32, #tpu.memory_space<hbm>>
      %dma_wait3A_373 = tpu.memref_slice %arg6[%mul3A_99] : memref<100000xf32, #tpu.memory_space<vmem>> -> memref<3224xf32, #tpu.memory_space<vmem>>
      %dma_wait3A_374 = tpu.memref_slice %arg3[%mul3A_99] : memref<100000xf32, #tpu.memory_space<hbm>> -> memref<3224xf32, #tpu.memory_space<hbm>>
      tpu.wait_dma2 semaphore(%arg11 : memref<!tpu.dma_semaphore, #tpu.memory_space<semaphore_mem>>) src(%dma_wait3A_374 : memref<3224xf32, #tpu.memory_space<hbm>>) dst(%dma_wait3A_373 : memref<3224xf32, #tpu.memory_space<vmem>>)
      %dma_wait3A_375 = tpu.memref_slice %arg6[%mul3A_109] : memref<100000xf32, #tpu.memory_space<vmem>> -> memref<3224xf32, #tpu.memory_space<vmem>>
      %dma_wait3A_376 = tpu.memref_slice %arg3[%mul3A_109] : memref<100000xf32, #tpu.memory_space<hbm>> -> memref<3224xf32, #tpu.memory_space<hbm>>
      %dma_wait3A_377 = tpu.memref_slice %arg6[%mul3A_109] : memref<100000xf32, #tpu.memory_space<vmem>> -> memref<3224xf32, #tpu.memory_space<vmem>>
      %dma_wait3A_378 = tpu.memref_slice %arg3[%mul3A_109] : memref<100000xf32, #tpu.memory_space<hbm>> -> memref<3224xf32, #tpu.memory_space<hbm>>
      tpu.wait_dma2 semaphore(%arg11 : memref<!tpu.dma_semaphore, #tpu.memory_space<semaphore_mem>>) src(%dma_wait3A_378 : memref<3224xf32, #tpu.memory_space<hbm>>) dst(%dma_wait3A_377 : memref<3224xf32, #tpu.memory_space<vmem>>)
      %dma_wait3A_379 = tpu.memref_slice %arg6[%mul3A_119] : memref<100000xf32, #tpu.memory_space<vmem>> -> memref<3224xf32, #tpu.memory_space<vmem>>
      %dma_wait3A_380 = tpu.memref_slice %arg3[%mul3A_119] : memref<100000xf32, #tpu.memory_space<hbm>> -> memref<3224xf32, #tpu.memory_space<hbm>>
      %dma_wait3A_381 = tpu.memref_slice %arg6[%mul3A_119] : memref<100000xf32, #tpu.memory_space<vmem>> -> memref<3224xf32, #tpu.memory_space<vmem>>
      %dma_wait3A_382 = tpu.memref_slice %arg3[%mul3A_119] : memref<100000xf32, #tpu.memory_space<hbm>> -> memref<3224xf32, #tpu.memory_space<hbm>>
      tpu.wait_dma2 semaphore(%arg11 : memref<!tpu.dma_semaphore, #tpu.memory_space<semaphore_mem>>) src(%dma_wait3A_382 : memref<3224xf32, #tpu.memory_space<hbm>>) dst(%dma_wait3A_381 : memref<3224xf32, #tpu.memory_space<vmem>>)
      %dma_wait3A_383 = tpu.memref_slice %arg6[%mul3A_129] : memref<100000xf32, #tpu.memory_space<vmem>> -> memref<3224xf32, #tpu.memory_space<vmem>>
      %dma_wait3A_384 = tpu.memref_slice %arg3[%mul3A_129] : memref<100000xf32, #tpu.memory_space<hbm>> -> memref<3224xf32, #tpu.memory_space<hbm>>
      %dma_wait3A_385 = tpu.memref_slice %arg6[%mul3A_129] : memref<100000xf32, #tpu.memory_space<vmem>> -> memref<3224xf32, #tpu.memory_space<vmem>>
      %dma_wait3A_386 = tpu.memref_slice %arg3[%mul3A_129] : memref<100000xf32, #tpu.memory_space<hbm>> -> memref<3224xf32, #tpu.memory_space<hbm>>
      tpu.wait_dma2 semaphore(%arg11 : memref<!tpu.dma_semaphore, #tpu.memory_space<semaphore_mem>>) src(%dma_wait3A_386 : memref<3224xf32, #tpu.memory_space<hbm>>) dst(%dma_wait3A_385 : memref<3224xf32, #tpu.memory_space<vmem>>)
      %dma_wait3A_387 = tpu.memref_slice %arg6[%mul3A_139] : memref<100000xf32, #tpu.memory_space<vmem>> -> memref<3224xf32, #tpu.memory_space<vmem>>
      %dma_wait3A_388 = tpu.memref_slice %arg3[%mul3A_139] : memref<100000xf32, #tpu.memory_space<hbm>> -> memref<3224xf32, #tpu.memory_space<hbm>>
      %dma_wait3A_389 = tpu.memref_slice %arg6[%mul3A_139] : memref<100000xf32, #tpu.memory_space<vmem>> -> memref<3224xf32, #tpu.memory_space<vmem>>
      %dma_wait3A_390 = tpu.memref_slice %arg3[%mul3A_139] : memref<100000xf32, #tpu.memory_space<hbm>> -> memref<3224xf32, #tpu.memory_space<hbm>>
      tpu.wait_dma2 semaphore(%arg11 : memref<!tpu.dma_semaphore, #tpu.memory_space<semaphore_mem>>) src(%dma_wait3A_390 : memref<3224xf32, #tpu.memory_space<hbm>>) dst(%dma_wait3A_389 : memref<3224xf32, #tpu.memory_space<vmem>>)
      %dma_wait3A_391 = tpu.memref_slice %arg6[%mul3A_149] : memref<100000xf32, #tpu.memory_space<vmem>> -> memref<3224xf32, #tpu.memory_space<vmem>>
      %dma_wait3A_392 = tpu.memref_slice %arg3[%mul3A_149] : memref<100000xf32, #tpu.memory_space<hbm>> -> memref<3224xf32, #tpu.memory_space<hbm>>
      %dma_wait3A_393 = tpu.memref_slice %arg6[%mul3A_149] : memref<100000xf32, #tpu.memory_space<vmem>> -> memref<3224xf32, #tpu.memory_space<vmem>>
      %dma_wait3A_394 = tpu.memref_slice %arg3[%mul3A_149] : memref<100000xf32, #tpu.memory_space<hbm>> -> memref<3224xf32, #tpu.memory_space<hbm>>
      tpu.wait_dma2 semaphore(%arg11 : memref<!tpu.dma_semaphore, #tpu.memory_space<semaphore_mem>>) src(%dma_wait3A_394 : memref<3224xf32, #tpu.memory_space<hbm>>) dst(%dma_wait3A_393 : memref<3224xf32, #tpu.memory_space<vmem>>)
      %dma_wait3A_395 = tpu.memref_slice %arg6[%mul3A_159] : memref<100000xf32, #tpu.memory_space<vmem>> -> memref<3224xf32, #tpu.memory_space<vmem>>
      %dma_wait3A_396 = tpu.memref_slice %arg3[%mul3A_159] : memref<100000xf32, #tpu.memory_space<hbm>> -> memref<3224xf32, #tpu.memory_space<hbm>>
      %dma_wait3A_397 = tpu.memref_slice %arg6[%mul3A_159] : memref<100000xf32, #tpu.memory_space<vmem>> -> memref<3224xf32, #tpu.memory_space<vmem>>
      %dma_wait3A_398 = tpu.memref_slice %arg3[%mul3A_159] : memref<100000xf32, #tpu.memory_space<hbm>> -> memref<3224xf32, #tpu.memory_space<hbm>>
      tpu.wait_dma2 semaphore(%arg11 : memref<!tpu.dma_semaphore, #tpu.memory_space<semaphore_mem>>) src(%dma_wait3A_398 : memref<3224xf32, #tpu.memory_space<hbm>>) dst(%dma_wait3A_397 : memref<3224xf32, #tpu.memory_space<vmem>>)
      %dma_wait3A_399 = tpu.memref_slice %arg6[%mul3A_169] : memref<100000xf32, #tpu.memory_space<vmem>> -> memref<3224xf32, #tpu.memory_space<vmem>>
      %dma_wait3A_400 = tpu.memref_slice %arg3[%mul3A_169] : memref<100000xf32, #tpu.memory_space<hbm>> -> memref<3224xf32, #tpu.memory_space<hbm>>
      %dma_wait3A_401 = tpu.memref_slice %arg6[%mul3A_169] : memref<100000xf32, #tpu.memory_space<vmem>> -> memref<3224xf32, #tpu.memory_space<vmem>>
      %dma_wait3A_402 = tpu.memref_slice %arg3[%mul3A_169] : memref<100000xf32, #tpu.memory_space<hbm>> -> memref<3224xf32, #tpu.memory_space<hbm>>
      tpu.wait_dma2 semaphore(%arg11 : memref<!tpu.dma_semaphore, #tpu.memory_space<semaphore_mem>>) src(%dma_wait3A_402 : memref<3224xf32, #tpu.memory_space<hbm>>) dst(%dma_wait3A_401 : memref<3224xf32, #tpu.memory_space<vmem>>)
      %dma_wait3A_403 = tpu.memref_slice %arg6[%mul3A_179] : memref<100000xf32, #tpu.memory_space<vmem>> -> memref<3224xf32, #tpu.memory_space<vmem>>
      %dma_wait3A_404 = tpu.memref_slice %arg3[%mul3A_179] : memref<100000xf32, #tpu.memory_space<hbm>> -> memref<3224xf32, #tpu.memory_space<hbm>>
      %dma_wait3A_405 = tpu.memref_slice %arg6[%mul3A_179] : memref<100000xf32, #tpu.memory_space<vmem>> -> memref<3224xf32, #tpu.memory_space<vmem>>
      %dma_wait3A_406 = tpu.memref_slice %arg3[%mul3A_179] : memref<100000xf32, #tpu.memory_space<hbm>> -> memref<3224xf32, #tpu.memory_space<hbm>>
      tpu.wait_dma2 semaphore(%arg11 : memref<!tpu.dma_semaphore, #tpu.memory_space<semaphore_mem>>) src(%dma_wait3A_406 : memref<3224xf32, #tpu.memory_space<hbm>>) dst(%dma_wait3A_405 : memref<3224xf32, #tpu.memory_space<vmem>>)
      %dma_wait3A_407 = tpu.memref_slice %arg6[%mul3A_189] : memref<100000xf32, #tpu.memory_space<vmem>> -> memref<3224xf32, #tpu.memory_space<vmem>>
      %dma_wait3A_408 = tpu.memref_slice %arg3[%mul3A_189] : memref<100000xf32, #tpu.memory_space<hbm>> -> memref<3224xf32, #tpu.memory_space<hbm>>
      %dma_wait3A_409 = tpu.memref_slice %arg6[%mul3A_189] : memref<100000xf32, #tpu.memory_space<vmem>> -> memref<3224xf32, #tpu.memory_space<vmem>>
      %dma_wait3A_410 = tpu.memref_slice %arg3[%mul3A_189] : memref<100000xf32, #tpu.memory_space<hbm>> -> memref<3224xf32, #tpu.memory_space<hbm>>
      tpu.wait_dma2 semaphore(%arg11 : memref<!tpu.dma_semaphore, #tpu.memory_space<semaphore_mem>>) src(%dma_wait3A_410 : memref<3224xf32, #tpu.memory_space<hbm>>) dst(%dma_wait3A_409 : memref<3224xf32, #tpu.memory_space<vmem>>)
      %dma_wait3A_411 = tpu.memref_slice %arg6[%mul3A_199] : memref<100000xf32, #tpu.memory_space<vmem>> -> memref<3224xf32, #tpu.memory_space<vmem>>
      %dma_wait3A_412 = tpu.memref_slice %arg3[%mul3A_199] : memref<100000xf32, #tpu.memory_space<hbm>> -> memref<3224xf32, #tpu.memory_space<hbm>>
      %dma_wait3A_413 = tpu.memref_slice %arg6[%mul3A_199] : memref<100000xf32, #tpu.memory_space<vmem>> -> memref<3224xf32, #tpu.memory_space<vmem>>
      %dma_wait3A_414 = tpu.memref_slice %arg3[%mul3A_199] : memref<100000xf32, #tpu.memory_space<hbm>> -> memref<3224xf32, #tpu.memory_space<hbm>>
      tpu.wait_dma2 semaphore(%arg11 : memref<!tpu.dma_semaphore, #tpu.memory_space<semaphore_mem>>) src(%dma_wait3A_414 : memref<3224xf32, #tpu.memory_space<hbm>>) dst(%dma_wait3A_413 : memref<3224xf32, #tpu.memory_space<vmem>>)
      %dma_wait3A_415 = tpu.memref_slice %arg6[%mul3A_209] : memref<100000xf32, #tpu.memory_space<vmem>> -> memref<3224xf32, #tpu.memory_space<vmem>>
      %dma_wait3A_416 = tpu.memref_slice %arg3[%mul3A_209] : memref<100000xf32, #tpu.memory_space<hbm>> -> memref<3224xf32, #tpu.memory_space<hbm>>
      %dma_wait3A_417 = tpu.memref_slice %arg6[%mul3A_209] : memref<100000xf32, #tpu.memory_space<vmem>> -> memref<3224xf32, #tpu.memory_space<vmem>>
      %dma_wait3A_418 = tpu.memref_slice %arg3[%mul3A_209] : memref<100000xf32, #tpu.memory_space<hbm>> -> memref<3224xf32, #tpu.memory_space<hbm>>
      tpu.wait_dma2 semaphore(%arg11 : memref<!tpu.dma_semaphore, #tpu.memory_space<semaphore_mem>>) src(%dma_wait3A_418 : memref<3224xf32, #tpu.memory_space<hbm>>) dst(%dma_wait3A_417 : memref<3224xf32, #tpu.memory_space<vmem>>)
      %dma_wait3A_419 = tpu.memref_slice %arg6[%mul3A_219] : memref<100000xf32, #tpu.memory_space<vmem>> -> memref<3224xf32, #tpu.memory_space<vmem>>
      %dma_wait3A_420 = tpu.memref_slice %arg3[%mul3A_219] : memref<100000xf32, #tpu.memory_space<hbm>> -> memref<3224xf32, #tpu.memory_space<hbm>>
      %dma_wait3A_421 = tpu.memref_slice %arg6[%mul3A_219] : memref<100000xf32, #tpu.memory_space<vmem>> -> memref<3224xf32, #tpu.memory_space<vmem>>
      %dma_wait3A_422 = tpu.memref_slice %arg3[%mul3A_219] : memref<100000xf32, #tpu.memory_space<hbm>> -> memref<3224xf32, #tpu.memory_space<hbm>>
      tpu.wait_dma2 semaphore(%arg11 : memref<!tpu.dma_semaphore, #tpu.memory_space<semaphore_mem>>) src(%dma_wait3A_422 : memref<3224xf32, #tpu.memory_space<hbm>>) dst(%dma_wait3A_421 : memref<3224xf32, #tpu.memory_space<vmem>>)
      %dma_wait3A_423 = tpu.memref_slice %arg6[%mul3A_229] : memref<100000xf32, #tpu.memory_space<vmem>> -> memref<3224xf32, #tpu.memory_space<vmem>>
      %dma_wait3A_424 = tpu.memref_slice %arg3[%mul3A_229] : memref<100000xf32, #tpu.memory_space<hbm>> -> memref<3224xf32, #tpu.memory_space<hbm>>
      %dma_wait3A_425 = tpu.memref_slice %arg6[%mul3A_229] : memref<100000xf32, #tpu.memory_space<vmem>> -> memref<3224xf32, #tpu.memory_space<vmem>>
      %dma_wait3A_426 = tpu.memref_slice %arg3[%mul3A_229] : memref<100000xf32, #tpu.memory_space<hbm>> -> memref<3224xf32, #tpu.memory_space<hbm>>
      tpu.wait_dma2 semaphore(%arg11 : memref<!tpu.dma_semaphore, #tpu.memory_space<semaphore_mem>>) src(%dma_wait3A_426 : memref<3224xf32, #tpu.memory_space<hbm>>) dst(%dma_wait3A_425 : memref<3224xf32, #tpu.memory_space<vmem>>)
      %dma_wait3A_427 = tpu.memref_slice %arg6[%mul3A_239] : memref<100000xf32, #tpu.memory_space<vmem>> -> memref<3224xf32, #tpu.memory_space<vmem>>
      %dma_wait3A_428 = tpu.memref_slice %arg3[%mul3A_239] : memref<100000xf32, #tpu.memory_space<hbm>> -> memref<3224xf32, #tpu.memory_space<hbm>>
      %dma_wait3A_429 = tpu.memref_slice %arg6[%mul3A_239] : memref<100000xf32, #tpu.memory_space<vmem>> -> memref<3224xf32, #tpu.memory_space<vmem>>
      %dma_wait3A_430 = tpu.memref_slice %arg3[%mul3A_239] : memref<100000xf32, #tpu.memory_space<hbm>> -> memref<3224xf32, #tpu.memory_space<hbm>>
      tpu.wait_dma2 semaphore(%arg11 : memref<!tpu.dma_semaphore, #tpu.memory_space<semaphore_mem>>) src(%dma_wait3A_430 : memref<3224xf32, #tpu.memory_space<hbm>>) dst(%dma_wait3A_429 : memref<3224xf32, #tpu.memory_space<vmem>>)
      %dma_wait3A_431 = tpu.memref_slice %arg6[%mul3A_249] : memref<100000xf32, #tpu.memory_space<vmem>> -> memref<3224xf32, #tpu.memory_space<vmem>>
      %dma_wait3A_432 = tpu.memref_slice %arg3[%mul3A_249] : memref<100000xf32, #tpu.memory_space<hbm>> -> memref<3224xf32, #tpu.memory_space<hbm>>
      %dma_wait3A_433 = tpu.memref_slice %arg6[%mul3A_249] : memref<100000xf32, #tpu.memory_space<vmem>> -> memref<3224xf32, #tpu.memory_space<vmem>>
      %dma_wait3A_434 = tpu.memref_slice %arg3[%mul3A_249] : memref<100000xf32, #tpu.memory_space<hbm>> -> memref<3224xf32, #tpu.memory_space<hbm>>
      tpu.wait_dma2 semaphore(%arg11 : memref<!tpu.dma_semaphore, #tpu.memory_space<semaphore_mem>>) src(%dma_wait3A_434 : memref<3224xf32, #tpu.memory_space<hbm>>) dst(%dma_wait3A_433 : memref<3224xf32, #tpu.memory_space<vmem>>)
      %dma_wait3A_435 = tpu.memref_slice %arg6[%mul3A_259] : memref<100000xf32, #tpu.memory_space<vmem>> -> memref<3224xf32, #tpu.memory_space<vmem>>
      %dma_wait3A_436 = tpu.memref_slice %arg3[%mul3A_259] : memref<100000xf32, #tpu.memory_space<hbm>> -> memref<3224xf32, #tpu.memory_space<hbm>>
      %dma_wait3A_437 = tpu.memref_slice %arg6[%mul3A_259] : memref<100000xf32, #tpu.memory_space<vmem>> -> memref<3224xf32, #tpu.memory_space<vmem>>
      %dma_wait3A_438 = tpu.memref_slice %arg3[%mul3A_259] : memref<100000xf32, #tpu.memory_space<hbm>> -> memref<3224xf32, #tpu.memory_space<hbm>>
      tpu.wait_dma2 semaphore(%arg11 : memref<!tpu.dma_semaphore, #tpu.memory_space<semaphore_mem>>) src(%dma_wait3A_438 : memref<3224xf32, #tpu.memory_space<hbm>>) dst(%dma_wait3A_437 : memref<3224xf32, #tpu.memory_space<vmem>>)
      %dma_wait3A_439 = tpu.memref_slice %arg6[%mul3A_269] : memref<100000xf32, #tpu.memory_space<vmem>> -> memref<3224xf32, #tpu.memory_space<vmem>>
      %dma_wait3A_440 = tpu.memref_slice %arg3[%mul3A_269] : memref<100000xf32, #tpu.memory_space<hbm>> -> memref<3224xf32, #tpu.memory_space<hbm>>
      %dma_wait3A_441 = tpu.memref_slice %arg6[%mul3A_269] : memref<100000xf32, #tpu.memory_space<vmem>> -> memref<3224xf32, #tpu.memory_space<vmem>>
      %dma_wait3A_442 = tpu.memref_slice %arg3[%mul3A_269] : memref<100000xf32, #tpu.memory_space<hbm>> -> memref<3224xf32, #tpu.memory_space<hbm>>
      tpu.wait_dma2 semaphore(%arg11 : memref<!tpu.dma_semaphore, #tpu.memory_space<semaphore_mem>>) src(%dma_wait3A_442 : memref<3224xf32, #tpu.memory_space<hbm>>) dst(%dma_wait3A_441 : memref<3224xf32, #tpu.memory_space<vmem>>)
      %dma_wait3A_443 = tpu.memref_slice %arg6[%mul3A_279] : memref<100000xf32, #tpu.memory_space<vmem>> -> memref<3224xf32, #tpu.memory_space<vmem>>
      %dma_wait3A_444 = tpu.memref_slice %arg3[%mul3A_279] : memref<100000xf32, #tpu.memory_space<hbm>> -> memref<3224xf32, #tpu.memory_space<hbm>>
      %dma_wait3A_445 = tpu.memref_slice %arg6[%mul3A_279] : memref<100000xf32, #tpu.memory_space<vmem>> -> memref<3224xf32, #tpu.memory_space<vmem>>
      %dma_wait3A_446 = tpu.memref_slice %arg3[%mul3A_279] : memref<100000xf32, #tpu.memory_space<hbm>> -> memref<3224xf32, #tpu.memory_space<hbm>>
      tpu.wait_dma2 semaphore(%arg11 : memref<!tpu.dma_semaphore, #tpu.memory_space<semaphore_mem>>) src(%dma_wait3A_446 : memref<3224xf32, #tpu.memory_space<hbm>>) dst(%dma_wait3A_445 : memref<3224xf32, #tpu.memory_space<vmem>>)
      %dma_wait3A_447 = tpu.memref_slice %arg6[%mul3A_289] : memref<100000xf32, #tpu.memory_space<vmem>> -> memref<3224xf32, #tpu.memory_space<vmem>>
      %dma_wait3A_448 = tpu.memref_slice %arg3[%mul3A_289] : memref<100000xf32, #tpu.memory_space<hbm>> -> memref<3224xf32, #tpu.memory_space<hbm>>
      %dma_wait3A_449 = tpu.memref_slice %arg6[%mul3A_289] : memref<100000xf32, #tpu.memory_space<vmem>> -> memref<3224xf32, #tpu.memory_space<vmem>>
      %dma_wait3A_450 = tpu.memref_slice %arg3[%mul3A_289] : memref<100000xf32, #tpu.memory_space<hbm>> -> memref<3224xf32, #tpu.memory_space<hbm>>
      tpu.wait_dma2 semaphore(%arg11 : memref<!tpu.dma_semaphore, #tpu.memory_space<semaphore_mem>>) src(%dma_wait3A_450 : memref<3224xf32, #tpu.memory_space<hbm>>) dst(%dma_wait3A_449 : memref<3224xf32, #tpu.memory_space<vmem>>)
      %dma_wait3A_451 = tpu.memref_slice %arg6[%mul3A_299] : memref<100000xf32, #tpu.memory_space<vmem>> -> memref<3224xf32, #tpu.memory_space<vmem>>
      %dma_wait3A_452 = tpu.memref_slice %arg3[%mul3A_299] : memref<100000xf32, #tpu.memory_space<hbm>> -> memref<3224xf32, #tpu.memory_space<hbm>>
      %dma_wait3A_453 = tpu.memref_slice %arg6[%mul3A_299] : memref<100000xf32, #tpu.memory_space<vmem>> -> memref<3224xf32, #tpu.memory_space<vmem>>
      %dma_wait3A_454 = tpu.memref_slice %arg3[%mul3A_299] : memref<100000xf32, #tpu.memory_space<hbm>> -> memref<3224xf32, #tpu.memory_space<hbm>>
      tpu.wait_dma2 semaphore(%arg11 : memref<!tpu.dma_semaphore, #tpu.memory_space<semaphore_mem>>) src(%dma_wait3A_454 : memref<3224xf32, #tpu.memory_space<hbm>>) dst(%dma_wait3A_453 : memref<3224xf32, #tpu.memory_space<vmem>>)
      %dma_wait3A_455 = tpu.memref_slice %arg6[%mul3A_309] : memref<100000xf32, #tpu.memory_space<vmem>> -> memref<3224xf32, #tpu.memory_space<vmem>>
      %dma_wait3A_456 = tpu.memref_slice %arg3[%mul3A_309] : memref<100000xf32, #tpu.memory_space<hbm>> -> memref<3224xf32, #tpu.memory_space<hbm>>
      %dma_wait3A_457 = tpu.memref_slice %arg6[%mul3A_309] : memref<100000xf32, #tpu.memory_space<vmem>> -> memref<3224xf32, #tpu.memory_space<vmem>>
      %dma_wait3A_458 = tpu.memref_slice %arg3[%mul3A_309] : memref<100000xf32, #tpu.memory_space<hbm>> -> memref<3224xf32, #tpu.memory_space<hbm>>
      tpu.wait_dma2 semaphore(%arg11 : memref<!tpu.dma_semaphore, #tpu.memory_space<semaphore_mem>>) src(%dma_wait3A_458 : memref<3224xf32, #tpu.memory_space<hbm>>) dst(%dma_wait3A_457 : memref<3224xf32, #tpu.memory_space<vmem>>)
      %dma_wait3A_459 = tpu.memref_slice %arg6[%mul3A_319] : memref<100000xf32, #tpu.memory_space<vmem>> -> memref<3224xf32, #tpu.memory_space<vmem>>
      %dma_wait3A_460 = tpu.memref_slice %arg3[%mul3A_319] : memref<100000xf32, #tpu.memory_space<hbm>> -> memref<3224xf32, #tpu.memory_space<hbm>>
      %dma_wait3A_461 = tpu.memref_slice %arg6[%mul3A_319] : memref<100000xf32, #tpu.memory_space<vmem>> -> memref<3224xf32, #tpu.memory_space<vmem>>
      %dma_wait3A_462 = tpu.memref_slice %arg3[%mul3A_319] : memref<100000xf32, #tpu.memory_space<hbm>> -> memref<3224xf32, #tpu.memory_space<hbm>>
      tpu.wait_dma2 semaphore(%arg11 : memref<!tpu.dma_semaphore, #tpu.memory_space<semaphore_mem>>) src(%dma_wait3A_462 : memref<3224xf32, #tpu.memory_space<hbm>>) dst(%dma_wait3A_461 : memref<3224xf32, #tpu.memory_space<vmem>>)
      %dma_wait3A_463 = tpu.memref_slice %arg6[%mul3A_329] : memref<100000xf32, #tpu.memory_space<vmem>> -> memref<3224xf32, #tpu.memory_space<vmem>>
      %dma_wait3A_464 = tpu.memref_slice %arg3[%mul3A_329] : memref<100000xf32, #tpu.memory_space<hbm>> -> memref<3224xf32, #tpu.memory_space<hbm>>
      %dma_wait3A_465 = tpu.memref_slice %arg6[%mul3A_329] : memref<100000xf32, #tpu.memory_space<vmem>> -> memref<3224xf32, #tpu.memory_space<vmem>>
      %dma_wait3A_466 = tpu.memref_slice %arg3[%mul3A_329] : memref<100000xf32, #tpu.memory_space<hbm>> -> memref<3224xf32, #tpu.memory_space<hbm>>
      tpu.wait_dma2 semaphore(%arg11 : memref<!tpu.dma_semaphore, #tpu.memory_space<semaphore_mem>>) src(%dma_wait3A_466 : memref<3224xf32, #tpu.memory_space<hbm>>) dst(%dma_wait3A_465 : memref<3224xf32, #tpu.memory_space<vmem>>)
      %dma_wait3A_467 = arith.constant 99944 : i32
      %dma_wait3A_468 = tpu.memref_slice %arg6[%dma_wait3A_467] : memref<100000xf32, #tpu.memory_space<vmem>> -> memref<56xf32, #tpu.memory_space<vmem>>
      %dma_wait3A_469 = arith.constant 99944 : i32
      %dma_wait3A_470 = tpu.memref_slice %arg3[%dma_wait3A_469] : memref<100000xf32, #tpu.memory_space<hbm>> -> memref<56xf32, #tpu.memory_space<hbm>>
      %dma_wait3A_471 = arith.constant 99944 : i32
      %dma_wait3A_472 = tpu.memref_slice %arg6[%dma_wait3A_471] : memref<100000xf32, #tpu.memory_space<vmem>> -> memref<56xf32, #tpu.memory_space<vmem>>
      %dma_wait3A_473 = arith.constant 99944 : i32
      %dma_wait3A_474 = tpu.memref_slice %arg3[%dma_wait3A_473] : memref<100000xf32, #tpu.memory_space<hbm>> -> memref<56xf32, #tpu.memory_space<hbm>>
      tpu.wait_dma2 semaphore(%arg11 : memref<!tpu.dma_semaphore, #tpu.memory_space<semaphore_mem>>) src(%dma_wait3A_474 : memref<56xf32, #tpu.memory_space<hbm>>) dst(%dma_wait3A_472 : memref<56xf32, #tpu.memory_space<vmem>>)
      %get3A = arith.constant 0 : index
      %get3A_475 = tpu.vector_load %arg9[%get3A] {strides = array<i32>} : memref<16xf32, #tpu.memory_space<vmem>>, vector<16xf32>,
      %dma_wait3A_476 = arith.constant 0 : i32
      %dma_wait3A_477 = arith.constant 0 : i32
      %dma_wait3A_478 = tpu.memref_slice %arg7[%dma_wait3A_476, %dma_wait3A_477] : memref<104x128xi32, #tpu.memory_space<vmem>> -> memref<104x128xi32, #tpu.memory_space<vmem>>
      %dma_wait3A_479 = arith.constant 0 : i32
      %dma_wait3A_480 = tpu.memref_slice %arg2[%dma_wait3A_479, %add3A_12] : memref<200x4096xi32, #tpu.memory_space<hbm>> -> memref<104x128xi32, #tpu.memory_space<hbm>>
      %dma_wait3A_481 = arith.constant 0 : i32
      %dma_wait3A_482 = arith.constant 0 : i32
      %dma_wait3A_483 = tpu.memref_slice %arg7[%dma_wait3A_481, %dma_wait3A_482] : memref<104x128xi32, #tpu.memory_space<vmem>> -> memref<104x128xi32, #tpu.memory_space<vmem>>
      %dma_wait3A_484 = arith.constant 0 : i32
      %dma_wait3A_485 = tpu.memref_slice %arg2[%dma_wait3A_484, %add3A_12] : memref<200x4096xi32, #tpu.memory_space<hbm>> -> memref<104x128xi32, #tpu.memory_space<hbm>>
      tpu.wait_dma2 semaphore(%arg11 : memref<!tpu.dma_semaphore, #tpu.memory_space<semaphore_mem>>) src(%dma_wait3A_485 : memref<104x128xi32, #tpu.memory_space<hbm>>) dst(%dma_wait3A_483 : memref<104x128xi32, #tpu.memory_space<vmem>>)
      %add3A_486 = arith.constant 0 : i32
      %add3A_487 = arith.addi %mul3A_4, %add3A_486 : i32
      %dma_start3A_488 = arith.constant 0 : i32
      %dma_start3A_489 = arith.constant 0 : i32
      %dma_start3A_490 = tpu.memref_slice %arg8[%dma_start3A_488, %dma_start3A_489] : memref<104x128xi32, #tpu.memory_space<vmem>> -> memref<96x128xi32, #tpu.memory_space<vmem>>
      %dma_start3A_491 = arith.constant 104 : i32
      %dma_start3A_492 = tpu.memref_slice %arg2[%dma_start3A_491, %add3A_487] : memref<200x4096xi32, #tpu.memory_space<hbm>> -> memref<96x128xi32, #tpu.memory_space<hbm>>
      %dma_start3A_493 = arith.constant 0 : i32
      %dma_start3A_494 = arith.constant 0 : i32
      %dma_start3A_495 = tpu.memref_slice %arg8[%dma_start3A_493, %dma_start3A_494] : memref<104x128xi32, #tpu.memory_space<vmem>> -> memref<96x128xi32, #tpu.memory_space<vmem>>
      %dma_start3A_496 = arith.constant 104 : i32
      %dma_start3A_497 = tpu.memref_slice %arg2[%dma_start3A_496, %add3A_487] : memref<200x4096xi32, #tpu.memory_space<hbm>> -> memref<96x128xi32, #tpu.memory_space<hbm>>
      tpu.enqueue_dma source(%dma_start3A_497 : memref<96x128xi32, #tpu.memory_space<hbm>>) target(%dma_start3A_495 : memref<96x128xi32, #tpu.memory_space<vmem>>) target_semaphore(%arg11 : memref<!tpu.dma_semaphore, #tpu.memory_space<semaphore_mem>>)
      %parallel_loop3A = arith.constant 0 : i32
      %parallel_loop3A_498 = arith.constant 104 : i32
      %parallel_loop3A_499 = arith.constant 1 : i32
      %parallel_loop3A_500:8 = scf.for %parallel_loop3A_810 = %parallel_loop3A to %parallel_loop3A_498 step %parallel_loop3A_499 iter_args(%parallel_loop3A_811 = %broadcast_in_dim3A_7, %parallel_loop3A_812 = %broadcast_in_dim3A_7, %parallel_loop3A_813 = %broadcast_in_dim3A_7, %parallel_loop3A_814 = %broadcast_in_dim3A_7, %parallel_loop3A_815 = %broadcast_in_dim3A_7, %parallel_loop3A_816 = %broadcast_in_dim3A_7, %parallel_loop3A_817 = %broadcast_in_dim3A_7, %parallel_loop3A_818 = %broadcast_in_dim3A_7) -> (vector<16xf32>, vector<16xf32>, vector<16xf32>, vector<16xf32>, vector<16xf32>, vector<16xf32>, vector<16xf32>, vector<16xf32>)  : i32 {
        %parallel_loop3A_819 = arith.index_cast %parallel_loop3A_810 : i32 to index
        %parallel_loop3A_820 = arith.constant 0 : index
        %parallel_loop3A_821 = tpu.vector_load %arg7[%parallel_loop3A_819, %parallel_loop3A_820] {strides = array<i32>} : memref<104x128xi32, #tpu.memory_space<vmem>>, vector<16xi32>,
        %parallel_loop3A_822 = tpu.vector_load_idx %arg6[%parallel_loop3A_821] : memref<100000xf32, #tpu.memory_space<vmem>>[vector<16xi32>], vector<16xf32>,
        %parallel_loop3A_823 = arith.constant 0 : i32
        %parallel_loop3A_824 = vector.broadcast %parallel_loop3A_823 : i32 to vector<16xi32>
        %parallel_loop3A_825 = arith.cmpi ne, %parallel_loop3A_821, %parallel_loop3A_824 : vector<16xi32>
        %parallel_loop3A_826 = arith.addf %parallel_loop3A_822, %get3A_475 : vector<16xf32>
        %parallel_loop3A_827 = arith.select %parallel_loop3A_825, %parallel_loop3A_826, %broadcast_in_dim3A_7 : vector<16xi1>, vector<16xf32>
        %parallel_loop3A_828 = arith.addf %parallel_loop3A_811, %parallel_loop3A_827 : vector<16xf32>
        %parallel_loop3A_829 = arith.index_cast %parallel_loop3A_810 : i32 to index
        %parallel_loop3A_830 = arith.constant 16 : index
        %parallel_loop3A_831 = tpu.vector_load %arg7[%parallel_loop3A_829, %parallel_loop3A_830] {strides = array<i32>} : memref<104x128xi32, #tpu.memory_space<vmem>>, vector<16xi32>,
        %parallel_loop3A_832 = tpu.vector_load_idx %arg6[%parallel_loop3A_831] : memref<100000xf32, #tpu.memory_space<vmem>>[vector<16xi32>], vector<16xf32>,
        %parallel_loop3A_833 = arith.constant 0 : i32
        %parallel_loop3A_834 = vector.broadcast %parallel_loop3A_833 : i32 to vector<16xi32>
        %parallel_loop3A_835 = arith.cmpi ne, %parallel_loop3A_831, %parallel_loop3A_834 : vector<16xi32>
        %parallel_loop3A_836 = arith.addf %parallel_loop3A_832, %get3A_475 : vector<16xf32>
        %parallel_loop3A_837 = arith.select %parallel_loop3A_835, %parallel_loop3A_836, %broadcast_in_dim3A_7 : vector<16xi1>, vector<16xf32>
        %parallel_loop3A_838 = arith.addf %parallel_loop3A_812, %parallel_loop3A_837 : vector<16xf32>
        %parallel_loop3A_839 = arith.index_cast %parallel_loop3A_810 : i32 to index
        %parallel_loop3A_840 = arith.constant 32 : index
        %parallel_loop3A_841 = tpu.vector_load %arg7[%parallel_loop3A_839, %parallel_loop3A_840] {strides = array<i32>} : memref<104x128xi32, #tpu.memory_space<vmem>>, vector<16xi32>,
        %parallel_loop3A_842 = tpu.vector_load_idx %arg6[%parallel_loop3A_841] : memref<100000xf32, #tpu.memory_space<vmem>>[vector<16xi32>], vector<16xf32>,
        %parallel_loop3A_843 = arith.constant 0 : i32
        %parallel_loop3A_844 = vector.broadcast %parallel_loop3A_843 : i32 to vector<16xi32>
        %parallel_loop3A_845 = arith.cmpi ne, %parallel_loop3A_841, %parallel_loop3A_844 : vector<16xi32>
        %parallel_loop3A_846 = arith.addf %parallel_loop3A_842, %get3A_475 : vector<16xf32>
        %parallel_loop3A_847 = arith.select %parallel_loop3A_845, %parallel_loop3A_846, %broadcast_in_dim3A_7 : vector<16xi1>, vector<16xf32>
        %parallel_loop3A_848 = arith.addf %parallel_loop3A_813, %parallel_loop3A_847 : vector<16xf32>
        %parallel_loop3A_849 = arith.index_cast %parallel_loop3A_810 : i32 to index
        %parallel_loop3A_850 = arith.constant 48 : index
        %parallel_loop3A_851 = tpu.vector_load %arg7[%parallel_loop3A_849, %parallel_loop3A_850] {strides = array<i32>} : memref<104x128xi32, #tpu.memory_space<vmem>>, vector<16xi32>,
        %parallel_loop3A_852 = tpu.vector_load_idx %arg6[%parallel_loop3A_851] : memref<100000xf32, #tpu.memory_space<vmem>>[vector<16xi32>], vector<16xf32>,
        %parallel_loop3A_853 = arith.constant 0 : i32
        %parallel_loop3A_854 = vector.broadcast %parallel_loop3A_853 : i32 to vector<16xi32>
        %parallel_loop3A_855 = arith.cmpi ne, %parallel_loop3A_851, %parallel_loop3A_854 : vector<16xi32>
        %parallel_loop3A_856 = arith.addf %parallel_loop3A_852, %get3A_475 : vector<16xf32>
        %parallel_loop3A_857 = arith.select %parallel_loop3A_855, %parallel_loop3A_856, %broadcast_in_dim3A_7 : vector<16xi1>, vector<16xf32>
        %parallel_loop3A_858 = arith.addf %parallel_loop3A_814, %parallel_loop3A_857 : vector<16xf32>
        %parallel_loop3A_859 = arith.index_cast %parallel_loop3A_810 : i32 to index
        %parallel_loop3A_860 = arith.constant 64 : index
        %parallel_loop3A_861 = tpu.vector_load %arg7[%parallel_loop3A_859, %parallel_loop3A_860] {strides = array<i32>} : memref<104x128xi32, #tpu.memory_space<vmem>>, vector<16xi32>,
        %parallel_loop3A_862 = tpu.vector_load_idx %arg6[%parallel_loop3A_861] : memref<100000xf32, #tpu.memory_space<vmem>>[vector<16xi32>], vector<16xf32>,
        %parallel_loop3A_863 = arith.constant 0 : i32
        %parallel_loop3A_864 = vector.broadcast %parallel_loop3A_863 : i32 to vector<16xi32>
        %parallel_loop3A_865 = arith.cmpi ne, %parallel_loop3A_861, %parallel_loop3A_864 : vector<16xi32>
        %parallel_loop3A_866 = arith.addf %parallel_loop3A_862, %get3A_475 : vector<16xf32>
        %parallel_loop3A_867 = arith.select %parallel_loop3A_865, %parallel_loop3A_866, %broadcast_in_dim3A_7 : vector<16xi1>, vector<16xf32>
        %parallel_loop3A_868 = arith.addf %parallel_loop3A_815, %parallel_loop3A_867 : vector<16xf32>
        %parallel_loop3A_869 = arith.index_cast %parallel_loop3A_810 : i32 to index
        %parallel_loop3A_870 = arith.constant 80 : index
        %parallel_loop3A_871 = tpu.vector_load %arg7[%parallel_loop3A_869, %parallel_loop3A_870] {strides = array<i32>} : memref<104x128xi32, #tpu.memory_space<vmem>>, vector<16xi32>,
        %parallel_loop3A_872 = tpu.vector_load_idx %arg6[%parallel_loop3A_871] : memref<100000xf32, #tpu.memory_space<vmem>>[vector<16xi32>], vector<16xf32>,
        %parallel_loop3A_873 = arith.constant 0 : i32
        %parallel_loop3A_874 = vector.broadcast %parallel_loop3A_873 : i32 to vector<16xi32>
        %parallel_loop3A_875 = arith.cmpi ne, %parallel_loop3A_871, %parallel_loop3A_874 : vector<16xi32>
        %parallel_loop3A_876 = arith.addf %parallel_loop3A_872, %get3A_475 : vector<16xf32>
        %parallel_loop3A_877 = arith.select %parallel_loop3A_875, %parallel_loop3A_876, %broadcast_in_dim3A_7 : vector<16xi1>, vector<16xf32>
        %parallel_loop3A_878 = arith.addf %parallel_loop3A_816, %parallel_loop3A_877 : vector<16xf32>
        %parallel_loop3A_879 = arith.index_cast %parallel_loop3A_810 : i32 to index
        %parallel_loop3A_880 = arith.constant 96 : index
        %parallel_loop3A_881 = tpu.vector_load %arg7[%parallel_loop3A_879, %parallel_loop3A_880] {strides = array<i32>} : memref<104x128xi32, #tpu.memory_space<vmem>>, vector<16xi32>,
        %parallel_loop3A_882 = tpu.vector_load_idx %arg6[%parallel_loop3A_881] : memref<100000xf32, #tpu.memory_space<vmem>>[vector<16xi32>], vector<16xf32>,
        %parallel_loop3A_883 = arith.constant 0 : i32
        %parallel_loop3A_884 = vector.broadcast %parallel_loop3A_883 : i32 to vector<16xi32>
        %parallel_loop3A_885 = arith.cmpi ne, %parallel_loop3A_881, %parallel_loop3A_884 : vector<16xi32>
        %parallel_loop3A_886 = arith.addf %parallel_loop3A_882, %get3A_475 : vector<16xf32>
        %parallel_loop3A_887 = arith.select %parallel_loop3A_885, %parallel_loop3A_886, %broadcast_in_dim3A_7 : vector<16xi1>, vector<16xf32>
        %parallel_loop3A_888 = arith.addf %parallel_loop3A_817, %parallel_loop3A_887 : vector<16xf32>
        %parallel_loop3A_889 = arith.index_cast %parallel_loop3A_810 : i32 to index
        %parallel_loop3A_890 = arith.constant 112 : index
        %parallel_loop3A_891 = tpu.vector_load %arg7[%parallel_loop3A_889, %parallel_loop3A_890] {strides = array<i32>} : memref<104x128xi32, #tpu.memory_space<vmem>>, vector<16xi32>,
        %parallel_loop3A_892 = tpu.vector_load_idx %arg6[%parallel_loop3A_891] : memref<100000xf32, #tpu.memory_space<vmem>>[vector<16xi32>], vector<16xf32>,
        %parallel_loop3A_893 = arith.constant 0 : i32
        %parallel_loop3A_894 = vector.broadcast %parallel_loop3A_893 : i32 to vector<16xi32>
        %parallel_loop3A_895 = arith.cmpi ne, %parallel_loop3A_891, %parallel_loop3A_894 : vector<16xi32>
        %parallel_loop3A_896 = arith.addf %parallel_loop3A_892, %get3A_475 : vector<16xf32>
        %parallel_loop3A_897 = arith.select %parallel_loop3A_895, %parallel_loop3A_896, %broadcast_in_dim3A_7 : vector<16xi1>, vector<16xf32>
        %parallel_loop3A_898 = arith.addf %parallel_loop3A_818, %parallel_loop3A_897 : vector<16xf32>
        scf.yield %parallel_loop3A_828, %parallel_loop3A_838, %parallel_loop3A_848, %parallel_loop3A_858, %parallel_loop3A_868, %parallel_loop3A_878, %parallel_loop3A_888, %parallel_loop3A_898 : vector<16xf32>, vector<16xf32>, vector<16xf32>, vector<16xf32>, vector<16xf32>, vector<16xf32>, vector<16xf32>, vector<16xf32>
      } {sc.loop_unroll_factor = 1 : i64, sc.parallel_access}
      %dma_wait3A_501 = arith.constant 0 : i32
      %dma_wait3A_502 = arith.constant 0 : i32
      %dma_wait3A_503 = tpu.memref_slice %arg8[%dma_wait3A_501, %dma_wait3A_502] : memref<104x128xi32, #tpu.memory_space<vmem>> -> memref<96x128xi32, #tpu.memory_space<vmem>>
      %dma_wait3A_504 = arith.constant 104 : i32
      %dma_wait3A_505 = tpu.memref_slice %arg2[%dma_wait3A_504, %add3A_487] : memref<200x4096xi32, #tpu.memory_space<hbm>> -> memref<96x128xi32, #tpu.memory_space<hbm>>
      %dma_wait3A_506 = arith.constant 0 : i32
      %dma_wait3A_507 = arith.constant 0 : i32
      %dma_wait3A_508 = tpu.memref_slice %arg8[%dma_wait3A_506, %dma_wait3A_507] : memref<104x128xi32, #tpu.memory_space<vmem>> -> memref<96x128xi32, #tpu.memory_space<vmem>>
      %dma_wait3A_509 = arith.constant 104 : i32
      %dma_wait3A_510 = tpu.memref_slice %arg2[%dma_wait3A_509, %add3A_487] : memref<200x4096xi32, #tpu.memory_space<hbm>> -> memref<96x128xi32, #tpu.memory_space<hbm>>
      tpu.wait_dma2 semaphore(%arg11 : memref<!tpu.dma_semaphore, #tpu.memory_space<semaphore_mem>>) src(%dma_wait3A_510 : memref<96x128xi32, #tpu.memory_space<hbm>>) dst(%dma_wait3A_508 : memref<96x128xi32, #tpu.memory_space<vmem>>)
      %add3A_511 = arith.constant 128 : i32
      %add3A_512 = arith.addi %mul3A_4, %add3A_511 : i32
      %dma_start3A_513 = arith.constant 0 : i32
      %dma_start3A_514 = arith.constant 0 : i32
      %dma_start3A_515 = tpu.memref_slice %arg7[%dma_start3A_513, %dma_start3A_514] : memref<104x128xi32, #tpu.memory_space<vmem>> -> memref<104x128xi32, #tpu.memory_space<vmem>>
      %dma_start3A_516 = arith.constant 0 : i32
      %dma_start3A_517 = tpu.memref_slice %arg2[%dma_start3A_516, %add3A_512] : memref<200x4096xi32, #tpu.memory_space<hbm>> -> memref<104x128xi32, #tpu.memory_space<hbm>>
      %dma_start3A_518 = arith.constant 0 : i32
      %dma_start3A_519 = arith.constant 0 : i32
      %dma_start3A_520 = tpu.memref_slice %arg7[%dma_start3A_518, %dma_start3A_519] : memref<104x128xi32, #tpu.memory_space<vmem>> -> memref<104x128xi32, #tpu.memory_space<vmem>>
      %dma_start3A_521 = arith.constant 0 : i32
      %dma_start3A_522 = tpu.memref_slice %arg2[%dma_start3A_521, %add3A_512] : memref<200x4096xi32, #tpu.memory_space<hbm>> -> memref<104x128xi32, #tpu.memory_space<hbm>>
      tpu.enqueue_dma source(%dma_start3A_522 : memref<104x128xi32, #tpu.memory_space<hbm>>) target(%dma_start3A_520 : memref<104x128xi32, #tpu.memory_space<vmem>>) target_semaphore(%arg11 : memref<!tpu.dma_semaphore, #tpu.memory_space<semaphore_mem>>)
      %parallel_loop3A_523 = arith.constant 0 : i32
      %parallel_loop3A_524 = arith.constant 96 : i32
      %parallel_loop3A_525 = arith.constant 1 : i32
      %parallel_loop3A_526:8 = scf.for %parallel_loop3A_810 = %parallel_loop3A_523 to %parallel_loop3A_524 step %parallel_loop3A_525 iter_args(%parallel_loop3A_811 = %parallel_loop3A_500#0, %parallel_loop3A_812 = %parallel_loop3A_500#1, %parallel_loop3A_813 = %parallel_loop3A_500#2, %parallel_loop3A_814 = %parallel_loop3A_500#3, %parallel_loop3A_815 = %parallel_loop3A_500#4, %parallel_loop3A_816 = %parallel_loop3A_500#5, %parallel_loop3A_817 = %parallel_loop3A_500#6, %parallel_loop3A_818 = %parallel_loop3A_500#7) -> (vector<16xf32>, vector<16xf32>, vector<16xf32>, vector<16xf32>, vector<16xf32>, vector<16xf32>, vector<16xf32>, vector<16xf32>)  : i32 {
        %parallel_loop3A_819 = arith.index_cast %parallel_loop3A_810 : i32 to index
        %parallel_loop3A_820 = arith.constant 0 : index
        %parallel_loop3A_821 = tpu.vector_load %arg8[%parallel_loop3A_819, %parallel_loop3A_820] {strides = array<i32>} : memref<104x128xi32, #tpu.memory_space<vmem>>, vector<16xi32>,
        %parallel_loop3A_822 = tpu.vector_load_idx %arg6[%parallel_loop3A_821] : memref<100000xf32, #tpu.memory_space<vmem>>[vector<16xi32>], vector<16xf32>,
        %parallel_loop3A_823 = arith.constant 0 : i32
        %parallel_loop3A_824 = vector.broadcast %parallel_loop3A_823 : i32 to vector<16xi32>
        %parallel_loop3A_825 = arith.cmpi ne, %parallel_loop3A_821, %parallel_loop3A_824 : vector<16xi32>
        %parallel_loop3A_826 = arith.addf %parallel_loop3A_822, %get3A_475 : vector<16xf32>
        %parallel_loop3A_827 = arith.select %parallel_loop3A_825, %parallel_loop3A_826, %broadcast_in_dim3A_7 : vector<16xi1>, vector<16xf32>
        %parallel_loop3A_828 = arith.addf %parallel_loop3A_811, %parallel_loop3A_827 : vector<16xf32>
        %parallel_loop3A_829 = arith.index_cast %parallel_loop3A_810 : i32 to index
        %parallel_loop3A_830 = arith.constant 16 : index
        %parallel_loop3A_831 = tpu.vector_load %arg8[%parallel_loop3A_829, %parallel_loop3A_830] {strides = array<i32>} : memref<104x128xi32, #tpu.memory_space<vmem>>, vector<16xi32>,
        %parallel_loop3A_832 = tpu.vector_load_idx %arg6[%parallel_loop3A_831] : memref<100000xf32, #tpu.memory_space<vmem>>[vector<16xi32>], vector<16xf32>,
        %parallel_loop3A_833 = arith.constant 0 : i32
        %parallel_loop3A_834 = vector.broadcast %parallel_loop3A_833 : i32 to vector<16xi32>
        %parallel_loop3A_835 = arith.cmpi ne, %parallel_loop3A_831, %parallel_loop3A_834 : vector<16xi32>
        %parallel_loop3A_836 = arith.addf %parallel_loop3A_832, %get3A_475 : vector<16xf32>
        %parallel_loop3A_837 = arith.select %parallel_loop3A_835, %parallel_loop3A_836, %broadcast_in_dim3A_7 : vector<16xi1>, vector<16xf32>
        %parallel_loop3A_838 = arith.addf %parallel_loop3A_812, %parallel_loop3A_837 : vector<16xf32>
        %parallel_loop3A_839 = arith.index_cast %parallel_loop3A_810 : i32 to index
        %parallel_loop3A_840 = arith.constant 32 : index
        %parallel_loop3A_841 = tpu.vector_load %arg8[%parallel_loop3A_839, %parallel_loop3A_840] {strides = array<i32>} : memref<104x128xi32, #tpu.memory_space<vmem>>, vector<16xi32>,
        %parallel_loop3A_842 = tpu.vector_load_idx %arg6[%parallel_loop3A_841] : memref<100000xf32, #tpu.memory_space<vmem>>[vector<16xi32>], vector<16xf32>,
        %parallel_loop3A_843 = arith.constant 0 : i32
        %parallel_loop3A_844 = vector.broadcast %parallel_loop3A_843 : i32 to vector<16xi32>
        %parallel_loop3A_845 = arith.cmpi ne, %parallel_loop3A_841, %parallel_loop3A_844 : vector<16xi32>
        %parallel_loop3A_846 = arith.addf %parallel_loop3A_842, %get3A_475 : vector<16xf32>
        %parallel_loop3A_847 = arith.select %parallel_loop3A_845, %parallel_loop3A_846, %broadcast_in_dim3A_7 : vector<16xi1>, vector<16xf32>
        %parallel_loop3A_848 = arith.addf %parallel_loop3A_813, %parallel_loop3A_847 : vector<16xf32>
        %parallel_loop3A_849 = arith.index_cast %parallel_loop3A_810 : i32 to index
        %parallel_loop3A_850 = arith.constant 48 : index
        %parallel_loop3A_851 = tpu.vector_load %arg8[%parallel_loop3A_849, %parallel_loop3A_850] {strides = array<i32>} : memref<104x128xi32, #tpu.memory_space<vmem>>, vector<16xi32>,
        %parallel_loop3A_852 = tpu.vector_load_idx %arg6[%parallel_loop3A_851] : memref<100000xf32, #tpu.memory_space<vmem>>[vector<16xi32>], vector<16xf32>,
        %parallel_loop3A_853 = arith.constant 0 : i32
        %parallel_loop3A_854 = vector.broadcast %parallel_loop3A_853 : i32 to vector<16xi32>
        %parallel_loop3A_855 = arith.cmpi ne, %parallel_loop3A_851, %parallel_loop3A_854 : vector<16xi32>
        %parallel_loop3A_856 = arith.addf %parallel_loop3A_852, %get3A_475 : vector<16xf32>
        %parallel_loop3A_857 = arith.select %parallel_loop3A_855, %parallel_loop3A_856, %broadcast_in_dim3A_7 : vector<16xi1>, vector<16xf32>
        %parallel_loop3A_858 = arith.addf %parallel_loop3A_814, %parallel_loop3A_857 : vector<16xf32>
        %parallel_loop3A_859 = arith.index_cast %parallel_loop3A_810 : i32 to index
        %parallel_loop3A_860 = arith.constant 64 : index
        %parallel_loop3A_861 = tpu.vector_load %arg8[%parallel_loop3A_859, %parallel_loop3A_860] {strides = array<i32>} : memref<104x128xi32, #tpu.memory_space<vmem>>, vector<16xi32>,
        %parallel_loop3A_862 = tpu.vector_load_idx %arg6[%parallel_loop3A_861] : memref<100000xf32, #tpu.memory_space<vmem>>[vector<16xi32>], vector<16xf32>,
        %parallel_loop3A_863 = arith.constant 0 : i32
        %parallel_loop3A_864 = vector.broadcast %parallel_loop3A_863 : i32 to vector<16xi32>
        %parallel_loop3A_865 = arith.cmpi ne, %parallel_loop3A_861, %parallel_loop3A_864 : vector<16xi32>
        %parallel_loop3A_866 = arith.addf %parallel_loop3A_862, %get3A_475 : vector<16xf32>
        %parallel_loop3A_867 = arith.select %parallel_loop3A_865, %parallel_loop3A_866, %broadcast_in_dim3A_7 : vector<16xi1>, vector<16xf32>
        %parallel_loop3A_868 = arith.addf %parallel_loop3A_815, %parallel_loop3A_867 : vector<16xf32>
        %parallel_loop3A_869 = arith.index_cast %parallel_loop3A_810 : i32 to index
        %parallel_loop3A_870 = arith.constant 80 : index
        %parallel_loop3A_871 = tpu.vector_load %arg8[%parallel_loop3A_869, %parallel_loop3A_870] {strides = array<i32>} : memref<104x128xi32, #tpu.memory_space<vmem>>, vector<16xi32>,
        %parallel_loop3A_872 = tpu.vector_load_idx %arg6[%parallel_loop3A_871] : memref<100000xf32, #tpu.memory_space<vmem>>[vector<16xi32>], vector<16xf32>,
        %parallel_loop3A_873 = arith.constant 0 : i32
        %parallel_loop3A_874 = vector.broadcast %parallel_loop3A_873 : i32 to vector<16xi32>
        %parallel_loop3A_875 = arith.cmpi ne, %parallel_loop3A_871, %parallel_loop3A_874 : vector<16xi32>
        %parallel_loop3A_876 = arith.addf %parallel_loop3A_872, %get3A_475 : vector<16xf32>
        %parallel_loop3A_877 = arith.select %parallel_loop3A_875, %parallel_loop3A_876, %broadcast_in_dim3A_7 : vector<16xi1>, vector<16xf32>
        %parallel_loop3A_878 = arith.addf %parallel_loop3A_816, %parallel_loop3A_877 : vector<16xf32>
        %parallel_loop3A_879 = arith.index_cast %parallel_loop3A_810 : i32 to index
        %parallel_loop3A_880 = arith.constant 96 : index
        %parallel_loop3A_881 = tpu.vector_load %arg8[%parallel_loop3A_879, %parallel_loop3A_880] {strides = array<i32>} : memref<104x128xi32, #tpu.memory_space<vmem>>, vector<16xi32>,
        %parallel_loop3A_882 = tpu.vector_load_idx %arg6[%parallel_loop3A_881] : memref<100000xf32, #tpu.memory_space<vmem>>[vector<16xi32>], vector<16xf32>,
        %parallel_loop3A_883 = arith.constant 0 : i32
        %parallel_loop3A_884 = vector.broadcast %parallel_loop3A_883 : i32 to vector<16xi32>
        %parallel_loop3A_885 = arith.cmpi ne, %parallel_loop3A_881, %parallel_loop3A_884 : vector<16xi32>
        %parallel_loop3A_886 = arith.addf %parallel_loop3A_882, %get3A_475 : vector<16xf32>
        %parallel_loop3A_887 = arith.select %parallel_loop3A_885, %parallel_loop3A_886, %broadcast_in_dim3A_7 : vector<16xi1>, vector<16xf32>
        %parallel_loop3A_888 = arith.addf %parallel_loop3A_817, %parallel_loop3A_887 : vector<16xf32>
        %parallel_loop3A_889 = arith.index_cast %parallel_loop3A_810 : i32 to index
        %parallel_loop3A_890 = arith.constant 112 : index
        %parallel_loop3A_891 = tpu.vector_load %arg8[%parallel_loop3A_889, %parallel_loop3A_890] {strides = array<i32>} : memref<104x128xi32, #tpu.memory_space<vmem>>, vector<16xi32>,
        %parallel_loop3A_892 = tpu.vector_load_idx %arg6[%parallel_loop3A_891] : memref<100000xf32, #tpu.memory_space<vmem>>[vector<16xi32>], vector<16xf32>,
        %parallel_loop3A_893 = arith.constant 0 : i32
        %parallel_loop3A_894 = vector.broadcast %parallel_loop3A_893 : i32 to vector<16xi32>
        %parallel_loop3A_895 = arith.cmpi ne, %parallel_loop3A_891, %parallel_loop3A_894 : vector<16xi32>
        %parallel_loop3A_896 = arith.addf %parallel_loop3A_892, %get3A_475 : vector<16xf32>
        %parallel_loop3A_897 = arith.select %parallel_loop3A_895, %parallel_loop3A_896, %broadcast_in_dim3A_7 : vector<16xi1>, vector<16xf32>
        %parallel_loop3A_898 = arith.addf %parallel_loop3A_818, %parallel_loop3A_897 : vector<16xf32>
        scf.yield %parallel_loop3A_828, %parallel_loop3A_838, %parallel_loop3A_848, %parallel_loop3A_858, %parallel_loop3A_868, %parallel_loop3A_878, %parallel_loop3A_888, %parallel_loop3A_898 : vector<16xf32>, vector<16xf32>, vector<16xf32>, vector<16xf32>, vector<16xf32>, vector<16xf32>, vector<16xf32>, vector<16xf32>
      } {sc.loop_unroll_factor = 1 : i64, sc.parallel_access}
      %neg3A = arith.constant 0.000000e+00 : f32
      %neg3A_527 = vector.broadcast %neg3A : f32 to vector<16xf32>
      %neg3A_528 = arith.subf %neg3A_527, %parallel_loop3A_526#0 : vector<16xf32>
      %exp3A = math.exp %neg3A_528 : vector<16xf32>
      %add3A_529 = arith.addf %broadcast_in_dim3A_9, %exp3A : vector<16xf32>
      %div3A = arith.divf %broadcast_in_dim3A_9, %add3A_529 : vector<16xf32>
      %swap3A = arith.constant 0 : i32
      %swap3A_530 = arith.index_cast %swap3A : i32 to index
      %swap3A_531 = arith.constant 0 : index
      %swap3A_532 = tpu.vector_load %arg10[%swap3A_530, %swap3A_531] {strides = array<i32>} : memref<2x256xf32, #tpu.memory_space<vmem>>, vector<16xf32>,
      tpu.vector_store %arg10[%swap3A_530, %swap3A_531], %div3A {strides = array<i32>} : memref<2x256xf32, #tpu.memory_space<vmem>>, vector<16xf32>,
      %sub3A = arith.subf %broadcast_in_dim3A_9, %div3A : vector<16xf32>
      %swap3A_533 = arith.constant 1 : i32
      %swap3A_534 = arith.index_cast %swap3A_533 : i32 to index
      %swap3A_535 = arith.constant 0 : index
      %swap3A_536 = tpu.vector_load %arg10[%swap3A_534, %swap3A_535] {strides = array<i32>} : memref<2x256xf32, #tpu.memory_space<vmem>>, vector<16xf32>,
      tpu.vector_store %arg10[%swap3A_534, %swap3A_535], %sub3A {strides = array<i32>} : memref<2x256xf32, #tpu.memory_space<vmem>>, vector<16xf32>,
      %neg3A_537 = arith.constant 0.000000e+00 : f32
      %neg3A_538 = vector.broadcast %neg3A_537 : f32 to vector<16xf32>
      %neg3A_539 = arith.subf %neg3A_538, %parallel_loop3A_526#1 : vector<16xf32>
      %exp3A_540 = math.exp %neg3A_539 : vector<16xf32>
      %add3A_541 = arith.addf %broadcast_in_dim3A_9, %exp3A_540 : vector<16xf32>
      %div3A_542 = arith.divf %broadcast_in_dim3A_9, %add3A_541 : vector<16xf32>
      %swap3A_543 = arith.constant 0 : i32
      %swap3A_544 = arith.index_cast %swap3A_543 : i32 to index
      %swap3A_545 = arith.constant 16 : index
      %swap3A_546 = tpu.vector_load %arg10[%swap3A_544, %swap3A_545] {strides = array<i32>} : memref<2x256xf32, #tpu.memory_space<vmem>>, vector<16xf32>,
      tpu.vector_store %arg10[%swap3A_544, %swap3A_545], %div3A_542 {strides = array<i32>} : memref<2x256xf32, #tpu.memory_space<vmem>>, vector<16xf32>,
      %sub3A_547 = arith.subf %broadcast_in_dim3A_9, %div3A_542 : vector<16xf32>
      %swap3A_548 = arith.constant 1 : i32
      %swap3A_549 = arith.index_cast %swap3A_548 : i32 to index
      %swap3A_550 = arith.constant 16 : index
      %swap3A_551 = tpu.vector_load %arg10[%swap3A_549, %swap3A_550] {strides = array<i32>} : memref<2x256xf32, #tpu.memory_space<vmem>>, vector<16xf32>,
      tpu.vector_store %arg10[%swap3A_549, %swap3A_550], %sub3A_547 {strides = array<i32>} : memref<2x256xf32, #tpu.memory_space<vmem>>, vector<16xf32>,
      %neg3A_552 = arith.constant 0.000000e+00 : f32
      %neg3A_553 = vector.broadcast %neg3A_552 : f32 to vector<16xf32>
      %neg3A_554 = arith.subf %neg3A_553, %parallel_loop3A_526#2 : vector<16xf32>
      %exp3A_555 = math.exp %neg3A_554 : vector<16xf32>
      %add3A_556 = arith.addf %broadcast_in_dim3A_9, %exp3A_555 : vector<16xf32>
      %div3A_557 = arith.divf %broadcast_in_dim3A_9, %add3A_556 : vector<16xf32>
      %swap3A_558 = arith.constant 0 : i32
      %swap3A_559 = arith.index_cast %swap3A_558 : i32 to index
      %swap3A_560 = arith.constant 32 : index
      %swap3A_561 = tpu.vector_load %arg10[%swap3A_559, %swap3A_560] {strides = array<i32>} : memref<2x256xf32, #tpu.memory_space<vmem>>, vector<16xf32>,
      tpu.vector_store %arg10[%swap3A_559, %swap3A_560], %div3A_557 {strides = array<i32>} : memref<2x256xf32, #tpu.memory_space<vmem>>, vector<16xf32>,
      %sub3A_562 = arith.subf %broadcast_in_dim3A_9, %div3A_557 : vector<16xf32>
      %swap3A_563 = arith.constant 1 : i32
      %swap3A_564 = arith.index_cast %swap3A_563 : i32 to index
      %swap3A_565 = arith.constant 32 : index
      %swap3A_566 = tpu.vector_load %arg10[%swap3A_564, %swap3A_565] {strides = array<i32>} : memref<2x256xf32, #tpu.memory_space<vmem>>, vector<16xf32>,
      tpu.vector_store %arg10[%swap3A_564, %swap3A_565], %sub3A_562 {strides = array<i32>} : memref<2x256xf32, #tpu.memory_space<vmem>>, vector<16xf32>,
      %neg3A_567 = arith.constant 0.000000e+00 : f32
      %neg3A_568 = vector.broadcast %neg3A_567 : f32 to vector<16xf32>
      %neg3A_569 = arith.subf %neg3A_568, %parallel_loop3A_526#3 : vector<16xf32>
      %exp3A_570 = math.exp %neg3A_569 : vector<16xf32>
      %add3A_571 = arith.addf %broadcast_in_dim3A_9, %exp3A_570 : vector<16xf32>
      %div3A_572 = arith.divf %broadcast_in_dim3A_9, %add3A_571 : vector<16xf32>
      %swap3A_573 = arith.constant 0 : i32
      %swap3A_574 = arith.index_cast %swap3A_573 : i32 to index
      %swap3A_575 = arith.constant 48 : index
      %swap3A_576 = tpu.vector_load %arg10[%swap3A_574, %swap3A_575] {strides = array<i32>} : memref<2x256xf32, #tpu.memory_space<vmem>>, vector<16xf32>,
      tpu.vector_store %arg10[%swap3A_574, %swap3A_575], %div3A_572 {strides = array<i32>} : memref<2x256xf32, #tpu.memory_space<vmem>>, vector<16xf32>,
      %sub3A_577 = arith.subf %broadcast_in_dim3A_9, %div3A_572 : vector<16xf32>
      %swap3A_578 = arith.constant 1 : i32
      %swap3A_579 = arith.index_cast %swap3A_578 : i32 to index
      %swap3A_580 = arith.constant 48 : index
      %swap3A_581 = tpu.vector_load %arg10[%swap3A_579, %swap3A_580] {strides = array<i32>} : memref<2x256xf32, #tpu.memory_space<vmem>>, vector<16xf32>,
      tpu.vector_store %arg10[%swap3A_579, %swap3A_580], %sub3A_577 {strides = array<i32>} : memref<2x256xf32, #tpu.memory_space<vmem>>, vector<16xf32>,
      %neg3A_582 = arith.constant 0.000000e+00 : f32
      %neg3A_583 = vector.broadcast %neg3A_582 : f32 to vector<16xf32>
      %neg3A_584 = arith.subf %neg3A_583, %parallel_loop3A_526#4 : vector<16xf32>
      %exp3A_585 = math.exp %neg3A_584 : vector<16xf32>
      %add3A_586 = arith.addf %broadcast_in_dim3A_9, %exp3A_585 : vector<16xf32>
      %div3A_587 = arith.divf %broadcast_in_dim3A_9, %add3A_586 : vector<16xf32>
      %swap3A_588 = arith.constant 0 : i32
      %swap3A_589 = arith.index_cast %swap3A_588 : i32 to index
      %swap3A_590 = arith.constant 64 : index
      %swap3A_591 = tpu.vector_load %arg10[%swap3A_589, %swap3A_590] {strides = array<i32>} : memref<2x256xf32, #tpu.memory_space<vmem>>, vector<16xf32>,
      tpu.vector_store %arg10[%swap3A_589, %swap3A_590], %div3A_587 {strides = array<i32>} : memref<2x256xf32, #tpu.memory_space<vmem>>, vector<16xf32>,
      %sub3A_592 = arith.subf %broadcast_in_dim3A_9, %div3A_587 : vector<16xf32>
      %swap3A_593 = arith.constant 1 : i32
      %swap3A_594 = arith.index_cast %swap3A_593 : i32 to index
      %swap3A_595 = arith.constant 64 : index
      %swap3A_596 = tpu.vector_load %arg10[%swap3A_594, %swap3A_595] {strides = array<i32>} : memref<2x256xf32, #tpu.memory_space<vmem>>, vector<16xf32>,
      tpu.vector_store %arg10[%swap3A_594, %swap3A_595], %sub3A_592 {strides = array<i32>} : memref<2x256xf32, #tpu.memory_space<vmem>>, vector<16xf32>,
      %neg3A_597 = arith.constant 0.000000e+00 : f32
      %neg3A_598 = vector.broadcast %neg3A_597 : f32 to vector<16xf32>
      %neg3A_599 = arith.subf %neg3A_598, %parallel_loop3A_526#5 : vector<16xf32>
      %exp3A_600 = math.exp %neg3A_599 : vector<16xf32>
      %add3A_601 = arith.addf %broadcast_in_dim3A_9, %exp3A_600 : vector<16xf32>
      %div3A_602 = arith.divf %broadcast_in_dim3A_9, %add3A_601 : vector<16xf32>
      %swap3A_603 = arith.constant 0 : i32
      %swap3A_604 = arith.index_cast %swap3A_603 : i32 to index
      %swap3A_605 = arith.constant 80 : index
      %swap3A_606 = tpu.vector_load %arg10[%swap3A_604, %swap3A_605] {strides = array<i32>} : memref<2x256xf32, #tpu.memory_space<vmem>>, vector<16xf32>,
      tpu.vector_store %arg10[%swap3A_604, %swap3A_605], %div3A_602 {strides = array<i32>} : memref<2x256xf32, #tpu.memory_space<vmem>>, vector<16xf32>,
      %sub3A_607 = arith.subf %broadcast_in_dim3A_9, %div3A_602 : vector<16xf32>
      %swap3A_608 = arith.constant 1 : i32
      %swap3A_609 = arith.index_cast %swap3A_608 : i32 to index
      %swap3A_610 = arith.constant 80 : index
      %swap3A_611 = tpu.vector_load %arg10[%swap3A_609, %swap3A_610] {strides = array<i32>} : memref<2x256xf32, #tpu.memory_space<vmem>>, vector<16xf32>,
      tpu.vector_store %arg10[%swap3A_609, %swap3A_610], %sub3A_607 {strides = array<i32>} : memref<2x256xf32, #tpu.memory_space<vmem>>, vector<16xf32>,
      %neg3A_612 = arith.constant 0.000000e+00 : f32
      %neg3A_613 = vector.broadcast %neg3A_612 : f32 to vector<16xf32>
      %neg3A_614 = arith.subf %neg3A_613, %parallel_loop3A_526#6 : vector<16xf32>
      %exp3A_615 = math.exp %neg3A_614 : vector<16xf32>
      %add3A_616 = arith.addf %broadcast_in_dim3A_9, %exp3A_615 : vector<16xf32>
      %div3A_617 = arith.divf %broadcast_in_dim3A_9, %add3A_616 : vector<16xf32>
      %swap3A_618 = arith.constant 0 : i32
      %swap3A_619 = arith.index_cast %swap3A_618 : i32 to index
      %swap3A_620 = arith.constant 96 : index
      %swap3A_621 = tpu.vector_load %arg10[%swap3A_619, %swap3A_620] {strides = array<i32>} : memref<2x256xf32, #tpu.memory_space<vmem>>, vector<16xf32>,
      tpu.vector_store %arg10[%swap3A_619, %swap3A_620], %div3A_617 {strides = array<i32>} : memref<2x256xf32, #tpu.memory_space<vmem>>, vector<16xf32>,
      %sub3A_622 = arith.subf %broadcast_in_dim3A_9, %div3A_617 : vector<16xf32>
      %swap3A_623 = arith.constant 1 : i32
      %swap3A_624 = arith.index_cast %swap3A_623 : i32 to index
      %swap3A_625 = arith.constant 96 : index
      %swap3A_626 = tpu.vector_load %arg10[%swap3A_624, %swap3A_625] {strides = array<i32>} : memref<2x256xf32, #tpu.memory_space<vmem>>, vector<16xf32>,
      tpu.vector_store %arg10[%swap3A_624, %swap3A_625], %sub3A_622 {strides = array<i32>} : memref<2x256xf32, #tpu.memory_space<vmem>>, vector<16xf32>,
      %neg3A_627 = arith.constant 0.000000e+00 : f32
      %neg3A_628 = vector.broadcast %neg3A_627 : f32 to vector<16xf32>
      %neg3A_629 = arith.subf %neg3A_628, %parallel_loop3A_526#7 : vector<16xf32>
      %exp3A_630 = math.exp %neg3A_629 : vector<16xf32>
      %add3A_631 = arith.addf %broadcast_in_dim3A_9, %exp3A_630 : vector<16xf32>
      %div3A_632 = arith.divf %broadcast_in_dim3A_9, %add3A_631 : vector<16xf32>
      %swap3A_633 = arith.constant 0 : i32
      %swap3A_634 = arith.index_cast %swap3A_633 : i32 to index
      %swap3A_635 = arith.constant 112 : index
      %swap3A_636 = tpu.vector_load %arg10[%swap3A_634, %swap3A_635] {strides = array<i32>} : memref<2x256xf32, #tpu.memory_space<vmem>>, vector<16xf32>,
      tpu.vector_store %arg10[%swap3A_634, %swap3A_635], %div3A_632 {strides = array<i32>} : memref<2x256xf32, #tpu.memory_space<vmem>>, vector<16xf32>,
      %sub3A_637 = arith.subf %broadcast_in_dim3A_9, %div3A_632 : vector<16xf32>
      %swap3A_638 = arith.constant 1 : i32
      %swap3A_639 = arith.index_cast %swap3A_638 : i32 to index
      %swap3A_640 = arith.constant 112 : index
      %swap3A_641 = tpu.vector_load %arg10[%swap3A_639, %swap3A_640] {strides = array<i32>} : memref<2x256xf32, #tpu.memory_space<vmem>>, vector<16xf32>,
      tpu.vector_store %arg10[%swap3A_639, %swap3A_640], %sub3A_637 {strides = array<i32>} : memref<2x256xf32, #tpu.memory_space<vmem>>, vector<16xf32>,
      %dma_wait3A_642 = arith.constant 0 : i32
      %dma_wait3A_643 = arith.constant 0 : i32
      %dma_wait3A_644 = tpu.memref_slice %arg7[%dma_wait3A_642, %dma_wait3A_643] : memref<104x128xi32, #tpu.memory_space<vmem>> -> memref<104x128xi32, #tpu.memory_space<vmem>>
      %dma_wait3A_645 = arith.constant 0 : i32
      %dma_wait3A_646 = tpu.memref_slice %arg2[%dma_wait3A_645, %add3A_512] : memref<200x4096xi32, #tpu.memory_space<hbm>> -> memref<104x128xi32, #tpu.memory_space<hbm>>
      %dma_wait3A_647 = arith.constant 0 : i32
      %dma_wait3A_648 = arith.constant 0 : i32
      %dma_wait3A_649 = tpu.memref_slice %arg7[%dma_wait3A_647, %dma_wait3A_648] : memref<104x128xi32, #tpu.memory_space<vmem>> -> memref<104x128xi32, #tpu.memory_space<vmem>>
      %dma_wait3A_650 = arith.constant 0 : i32
      %dma_wait3A_651 = tpu.memref_slice %arg2[%dma_wait3A_650, %add3A_512] : memref<200x4096xi32, #tpu.memory_space<hbm>> -> memref<104x128xi32, #tpu.memory_space<hbm>>
      tpu.wait_dma2 semaphore(%arg11 : memref<!tpu.dma_semaphore, #tpu.memory_space<semaphore_mem>>) src(%dma_wait3A_651 : memref<104x128xi32, #tpu.memory_space<hbm>>) dst(%dma_wait3A_649 : memref<104x128xi32, #tpu.memory_space<vmem>>)
      %add3A_652 = arith.constant 128 : i32
      %add3A_653 = arith.addi %mul3A_4, %add3A_652 : i32
      %dma_start3A_654 = arith.constant 0 : i32
      %dma_start3A_655 = arith.constant 0 : i32
      %dma_start3A_656 = tpu.memref_slice %arg8[%dma_start3A_654, %dma_start3A_655] : memref<104x128xi32, #tpu.memory_space<vmem>> -> memref<96x128xi32, #tpu.memory_space<vmem>>
      %dma_start3A_657 = arith.constant 104 : i32
      %dma_start3A_658 = tpu.memref_slice %arg2[%dma_start3A_657, %add3A_653] : memref<200x4096xi32, #tpu.memory_space<hbm>> -> memref<96x128xi32, #tpu.memory_space<hbm>>
      %dma_start3A_659 = arith.constant 0 : i32
      %dma_start3A_660 = arith.constant 0 : i32
      %dma_start3A_661 = tpu.memref_slice %arg8[%dma_start3A_659, %dma_start3A_660] : memref<104x128xi32, #tpu.memory_space<vmem>> -> memref<96x128xi32, #tpu.memory_space<vmem>>
      %dma_start3A_662 = arith.constant 104 : i32
      %dma_start3A_663 = tpu.memref_slice %arg2[%dma_start3A_662, %add3A_653] : memref<200x4096xi32, #tpu.memory_space<hbm>> -> memref<96x128xi32, #tpu.memory_space<hbm>>
      tpu.enqueue_dma source(%dma_start3A_663 : memref<96x128xi32, #tpu.memory_space<hbm>>) target(%dma_start3A_661 : memref<96x128xi32, #tpu.memory_space<vmem>>) target_semaphore(%arg11 : memref<!tpu.dma_semaphore, #tpu.memory_space<semaphore_mem>>)
      %parallel_loop3A_664 = arith.constant 0 : i32
      %parallel_loop3A_665 = arith.constant 104 : i32
      %parallel_loop3A_666 = arith.constant 1 : i32
      %parallel_loop3A_667:8 = scf.for %parallel_loop3A_810 = %parallel_loop3A_664 to %parallel_loop3A_665 step %parallel_loop3A_666 iter_args(%parallel_loop3A_811 = %broadcast_in_dim3A_7, %parallel_loop3A_812 = %broadcast_in_dim3A_7, %parallel_loop3A_813 = %broadcast_in_dim3A_7, %parallel_loop3A_814 = %broadcast_in_dim3A_7, %parallel_loop3A_815 = %broadcast_in_dim3A_7, %parallel_loop3A_816 = %broadcast_in_dim3A_7, %parallel_loop3A_817 = %broadcast_in_dim3A_7, %parallel_loop3A_818 = %broadcast_in_dim3A_7) -> (vector<16xf32>, vector<16xf32>, vector<16xf32>, vector<16xf32>, vector<16xf32>, vector<16xf32>, vector<16xf32>, vector<16xf32>)  : i32 {
        %parallel_loop3A_819 = arith.index_cast %parallel_loop3A_810 : i32 to index
        %parallel_loop3A_820 = arith.constant 0 : index
        %parallel_loop3A_821 = tpu.vector_load %arg7[%parallel_loop3A_819, %parallel_loop3A_820] {strides = array<i32>} : memref<104x128xi32, #tpu.memory_space<vmem>>, vector<16xi32>,
        %parallel_loop3A_822 = tpu.vector_load_idx %arg6[%parallel_loop3A_821] : memref<100000xf32, #tpu.memory_space<vmem>>[vector<16xi32>], vector<16xf32>,
        %parallel_loop3A_823 = arith.constant 0 : i32
        %parallel_loop3A_824 = vector.broadcast %parallel_loop3A_823 : i32 to vector<16xi32>
        %parallel_loop3A_825 = arith.cmpi ne, %parallel_loop3A_821, %parallel_loop3A_824 : vector<16xi32>
        %parallel_loop3A_826 = arith.addf %parallel_loop3A_822, %get3A_475 : vector<16xf32>
        %parallel_loop3A_827 = arith.select %parallel_loop3A_825, %parallel_loop3A_826, %broadcast_in_dim3A_7 : vector<16xi1>, vector<16xf32>
        %parallel_loop3A_828 = arith.addf %parallel_loop3A_811, %parallel_loop3A_827 : vector<16xf32>
        %parallel_loop3A_829 = arith.index_cast %parallel_loop3A_810 : i32 to index
        %parallel_loop3A_830 = arith.constant 16 : index
        %parallel_loop3A_831 = tpu.vector_load %arg7[%parallel_loop3A_829, %parallel_loop3A_830] {strides = array<i32>} : memref<104x128xi32, #tpu.memory_space<vmem>>, vector<16xi32>,
        %parallel_loop3A_832 = tpu.vector_load_idx %arg6[%parallel_loop3A_831] : memref<100000xf32, #tpu.memory_space<vmem>>[vector<16xi32>], vector<16xf32>,
        %parallel_loop3A_833 = arith.constant 0 : i32
        %parallel_loop3A_834 = vector.broadcast %parallel_loop3A_833 : i32 to vector<16xi32>
        %parallel_loop3A_835 = arith.cmpi ne, %parallel_loop3A_831, %parallel_loop3A_834 : vector<16xi32>
        %parallel_loop3A_836 = arith.addf %parallel_loop3A_832, %get3A_475 : vector<16xf32>
        %parallel_loop3A_837 = arith.select %parallel_loop3A_835, %parallel_loop3A_836, %broadcast_in_dim3A_7 : vector<16xi1>, vector<16xf32>
        %parallel_loop3A_838 = arith.addf %parallel_loop3A_812, %parallel_loop3A_837 : vector<16xf32>
        %parallel_loop3A_839 = arith.index_cast %parallel_loop3A_810 : i32 to index
        %parallel_loop3A_840 = arith.constant 32 : index
        %parallel_loop3A_841 = tpu.vector_load %arg7[%parallel_loop3A_839, %parallel_loop3A_840] {strides = array<i32>} : memref<104x128xi32, #tpu.memory_space<vmem>>, vector<16xi32>,
        %parallel_loop3A_842 = tpu.vector_load_idx %arg6[%parallel_loop3A_841] : memref<100000xf32, #tpu.memory_space<vmem>>[vector<16xi32>], vector<16xf32>,
        %parallel_loop3A_843 = arith.constant 0 : i32
        %parallel_loop3A_844 = vector.broadcast %parallel_loop3A_843 : i32 to vector<16xi32>
        %parallel_loop3A_845 = arith.cmpi ne, %parallel_loop3A_841, %parallel_loop3A_844 : vector<16xi32>
        %parallel_loop3A_846 = arith.addf %parallel_loop3A_842, %get3A_475 : vector<16xf32>
        %parallel_loop3A_847 = arith.select %parallel_loop3A_845, %parallel_loop3A_846, %broadcast_in_dim3A_7 : vector<16xi1>, vector<16xf32>
        %parallel_loop3A_848 = arith.addf %parallel_loop3A_813, %parallel_loop3A_847 : vector<16xf32>
        %parallel_loop3A_849 = arith.index_cast %parallel_loop3A_810 : i32 to index
        %parallel_loop3A_850 = arith.constant 48 : index
        %parallel_loop3A_851 = tpu.vector_load %arg7[%parallel_loop3A_849, %parallel_loop3A_850] {strides = array<i32>} : memref<104x128xi32, #tpu.memory_space<vmem>>, vector<16xi32>,
        %parallel_loop3A_852 = tpu.vector_load_idx %arg6[%parallel_loop3A_851] : memref<100000xf32, #tpu.memory_space<vmem>>[vector<16xi32>], vector<16xf32>,
        %parallel_loop3A_853 = arith.constant 0 : i32
        %parallel_loop3A_854 = vector.broadcast %parallel_loop3A_853 : i32 to vector<16xi32>
        %parallel_loop3A_855 = arith.cmpi ne, %parallel_loop3A_851, %parallel_loop3A_854 : vector<16xi32>
        %parallel_loop3A_856 = arith.addf %parallel_loop3A_852, %get3A_475 : vector<16xf32>
        %parallel_loop3A_857 = arith.select %parallel_loop3A_855, %parallel_loop3A_856, %broadcast_in_dim3A_7 : vector<16xi1>, vector<16xf32>
        %parallel_loop3A_858 = arith.addf %parallel_loop3A_814, %parallel_loop3A_857 : vector<16xf32>
        %parallel_loop3A_859 = arith.index_cast %parallel_loop3A_810 : i32 to index
        %parallel_loop3A_860 = arith.constant 64 : index
        %parallel_loop3A_861 = tpu.vector_load %arg7[%parallel_loop3A_859, %parallel_loop3A_860] {strides = array<i32>} : memref<104x128xi32, #tpu.memory_space<vmem>>, vector<16xi32>,
        %parallel_loop3A_862 = tpu.vector_load_idx %arg6[%parallel_loop3A_861] : memref<100000xf32, #tpu.memory_space<vmem>>[vector<16xi32>], vector<16xf32>,
        %parallel_loop3A_863 = arith.constant 0 : i32
        %parallel_loop3A_864 = vector.broadcast %parallel_loop3A_863 : i32 to vector<16xi32>
        %parallel_loop3A_865 = arith.cmpi ne, %parallel_loop3A_861, %parallel_loop3A_864 : vector<16xi32>
        %parallel_loop3A_866 = arith.addf %parallel_loop3A_862, %get3A_475 : vector<16xf32>
        %parallel_loop3A_867 = arith.select %parallel_loop3A_865, %parallel_loop3A_866, %broadcast_in_dim3A_7 : vector<16xi1>, vector<16xf32>
        %parallel_loop3A_868 = arith.addf %parallel_loop3A_815, %parallel_loop3A_867 : vector<16xf32>
        %parallel_loop3A_869 = arith.index_cast %parallel_loop3A_810 : i32 to index
        %parallel_loop3A_870 = arith.constant 80 : index
        %parallel_loop3A_871 = tpu.vector_load %arg7[%parallel_loop3A_869, %parallel_loop3A_870] {strides = array<i32>} : memref<104x128xi32, #tpu.memory_space<vmem>>, vector<16xi32>,
        %parallel_loop3A_872 = tpu.vector_load_idx %arg6[%parallel_loop3A_871] : memref<100000xf32, #tpu.memory_space<vmem>>[vector<16xi32>], vector<16xf32>,
        %parallel_loop3A_873 = arith.constant 0 : i32
        %parallel_loop3A_874 = vector.broadcast %parallel_loop3A_873 : i32 to vector<16xi32>
        %parallel_loop3A_875 = arith.cmpi ne, %parallel_loop3A_871, %parallel_loop3A_874 : vector<16xi32>
        %parallel_loop3A_876 = arith.addf %parallel_loop3A_872, %get3A_475 : vector<16xf32>
        %parallel_loop3A_877 = arith.select %parallel_loop3A_875, %parallel_loop3A_876, %broadcast_in_dim3A_7 : vector<16xi1>, vector<16xf32>
        %parallel_loop3A_878 = arith.addf %parallel_loop3A_816, %parallel_loop3A_877 : vector<16xf32>
        %parallel_loop3A_879 = arith.index_cast %parallel_loop3A_810 : i32 to index
        %parallel_loop3A_880 = arith.constant 96 : index
        %parallel_loop3A_881 = tpu.vector_load %arg7[%parallel_loop3A_879, %parallel_loop3A_880] {strides = array<i32>} : memref<104x128xi32, #tpu.memory_space<vmem>>, vector<16xi32>,
        %parallel_loop3A_882 = tpu.vector_load_idx %arg6[%parallel_loop3A_881] : memref<100000xf32, #tpu.memory_space<vmem>>[vector<16xi32>], vector<16xf32>,
        %parallel_loop3A_883 = arith.constant 0 : i32
        %parallel_loop3A_884 = vector.broadcast %parallel_loop3A_883 : i32 to vector<16xi32>
        %parallel_loop3A_885 = arith.cmpi ne, %parallel_loop3A_881, %parallel_loop3A_884 : vector<16xi32>
        %parallel_loop3A_886 = arith.addf %parallel_loop3A_882, %get3A_475 : vector<16xf32>
        %parallel_loop3A_887 = arith.select %parallel_loop3A_885, %parallel_loop3A_886, %broadcast_in_dim3A_7 : vector<16xi1>, vector<16xf32>
        %parallel_loop3A_888 = arith.addf %parallel_loop3A_817, %parallel_loop3A_887 : vector<16xf32>
        %parallel_loop3A_889 = arith.index_cast %parallel_loop3A_810 : i32 to index
        %parallel_loop3A_890 = arith.constant 112 : index
        %parallel_loop3A_891 = tpu.vector_load %arg7[%parallel_loop3A_889, %parallel_loop3A_890] {strides = array<i32>} : memref<104x128xi32, #tpu.memory_space<vmem>>, vector<16xi32>,
        %parallel_loop3A_892 = tpu.vector_load_idx %arg6[%parallel_loop3A_891] : memref<100000xf32, #tpu.memory_space<vmem>>[vector<16xi32>], vector<16xf32>,
        %parallel_loop3A_893 = arith.constant 0 : i32
        %parallel_loop3A_894 = vector.broadcast %parallel_loop3A_893 : i32 to vector<16xi32>
        %parallel_loop3A_895 = arith.cmpi ne, %parallel_loop3A_891, %parallel_loop3A_894 : vector<16xi32>
        %parallel_loop3A_896 = arith.addf %parallel_loop3A_892, %get3A_475 : vector<16xf32>
        %parallel_loop3A_897 = arith.select %parallel_loop3A_895, %parallel_loop3A_896, %broadcast_in_dim3A_7 : vector<16xi1>, vector<16xf32>
        %parallel_loop3A_898 = arith.addf %parallel_loop3A_818, %parallel_loop3A_897 : vector<16xf32>
        scf.yield %parallel_loop3A_828, %parallel_loop3A_838, %parallel_loop3A_848, %parallel_loop3A_858, %parallel_loop3A_868, %parallel_loop3A_878, %parallel_loop3A_888, %parallel_loop3A_898 : vector<16xf32>, vector<16xf32>, vector<16xf32>, vector<16xf32>, vector<16xf32>, vector<16xf32>, vector<16xf32>, vector<16xf32>
      } {sc.loop_unroll_factor = 1 : i64, sc.parallel_access}
      %dma_wait3A_668 = arith.constant 0 : i32
      %dma_wait3A_669 = arith.constant 0 : i32
      %dma_wait3A_670 = tpu.memref_slice %arg8[%dma_wait3A_668, %dma_wait3A_669] : memref<104x128xi32, #tpu.memory_space<vmem>> -> memref<96x128xi32, #tpu.memory_space<vmem>>
      %dma_wait3A_671 = arith.constant 104 : i32
      %dma_wait3A_672 = tpu.memref_slice %arg2[%dma_wait3A_671, %add3A_653] : memref<200x4096xi32, #tpu.memory_space<hbm>> -> memref<96x128xi32, #tpu.memory_space<hbm>>
      %dma_wait3A_673 = arith.constant 0 : i32
      %dma_wait3A_674 = arith.constant 0 : i32
      %dma_wait3A_675 = tpu.memref_slice %arg8[%dma_wait3A_673, %dma_wait3A_674] : memref<104x128xi32, #tpu.memory_space<vmem>> -> memref<96x128xi32, #tpu.memory_space<vmem>>
      %dma_wait3A_676 = arith.constant 104 : i32
      %dma_wait3A_677 = tpu.memref_slice %arg2[%dma_wait3A_676, %add3A_653] : memref<200x4096xi32, #tpu.memory_space<hbm>> -> memref<96x128xi32, #tpu.memory_space<hbm>>
      tpu.wait_dma2 semaphore(%arg11 : memref<!tpu.dma_semaphore, #tpu.memory_space<semaphore_mem>>) src(%dma_wait3A_677 : memref<96x128xi32, #tpu.memory_space<hbm>>) dst(%dma_wait3A_675 : memref<96x128xi32, #tpu.memory_space<vmem>>)
      %parallel_loop3A_678 = arith.constant 0 : i32
      %parallel_loop3A_679 = arith.constant 96 : i32
      %parallel_loop3A_680 = arith.constant 1 : i32
      %parallel_loop3A_681:8 = scf.for %parallel_loop3A_810 = %parallel_loop3A_678 to %parallel_loop3A_679 step %parallel_loop3A_680 iter_args(%parallel_loop3A_811 = %parallel_loop3A_667#0, %parallel_loop3A_812 = %parallel_loop3A_667#1, %parallel_loop3A_813 = %parallel_loop3A_667#2, %parallel_loop3A_814 = %parallel_loop3A_667#3, %parallel_loop3A_815 = %parallel_loop3A_667#4, %parallel_loop3A_816 = %parallel_loop3A_667#5, %parallel_loop3A_817 = %parallel_loop3A_667#6, %parallel_loop3A_818 = %parallel_loop3A_667#7) -> (vector<16xf32>, vector<16xf32>, vector<16xf32>, vector<16xf32>, vector<16xf32>, vector<16xf32>, vector<16xf32>, vector<16xf32>)  : i32 {
        %parallel_loop3A_819 = arith.index_cast %parallel_loop3A_810 : i32 to index
        %parallel_loop3A_820 = arith.constant 0 : index
        %parallel_loop3A_821 = tpu.vector_load %arg8[%parallel_loop3A_819, %parallel_loop3A_820] {strides = array<i32>} : memref<104x128xi32, #tpu.memory_space<vmem>>, vector<16xi32>,
        %parallel_loop3A_822 = tpu.vector_load_idx %arg6[%parallel_loop3A_821] : memref<100000xf32, #tpu.memory_space<vmem>>[vector<16xi32>], vector<16xf32>,
        %parallel_loop3A_823 = arith.constant 0 : i32
        %parallel_loop3A_824 = vector.broadcast %parallel_loop3A_823 : i32 to vector<16xi32>
        %parallel_loop3A_825 = arith.cmpi ne, %parallel_loop3A_821, %parallel_loop3A_824 : vector<16xi32>
        %parallel_loop3A_826 = arith.addf %parallel_loop3A_822, %get3A_475 : vector<16xf32>
        %parallel_loop3A_827 = arith.select %parallel_loop3A_825, %parallel_loop3A_826, %broadcast_in_dim3A_7 : vector<16xi1>, vector<16xf32>
        %parallel_loop3A_828 = arith.addf %parallel_loop3A_811, %parallel_loop3A_827 : vector<16xf32>
        %parallel_loop3A_829 = arith.index_cast %parallel_loop3A_810 : i32 to index
        %parallel_loop3A_830 = arith.constant 16 : index
        %parallel_loop3A_831 = tpu.vector_load %arg8[%parallel_loop3A_829, %parallel_loop3A_830] {strides = array<i32>} : memref<104x128xi32, #tpu.memory_space<vmem>>, vector<16xi32>,
        %parallel_loop3A_832 = tpu.vector_load_idx %arg6[%parallel_loop3A_831] : memref<100000xf32, #tpu.memory_space<vmem>>[vector<16xi32>], vector<16xf32>,
        %parallel_loop3A_833 = arith.constant 0 : i32
        %parallel_loop3A_834 = vector.broadcast %parallel_loop3A_833 : i32 to vector<16xi32>
        %parallel_loop3A_835 = arith.cmpi ne, %parallel_loop3A_831, %parallel_loop3A_834 : vector<16xi32>
        %parallel_loop3A_836 = arith.addf %parallel_loop3A_832, %get3A_475 : vector<16xf32>
        %parallel_loop3A_837 = arith.select %parallel_loop3A_835, %parallel_loop3A_836, %broadcast_in_dim3A_7 : vector<16xi1>, vector<16xf32>
        %parallel_loop3A_838 = arith.addf %parallel_loop3A_812, %parallel_loop3A_837 : vector<16xf32>
        %parallel_loop3A_839 = arith.index_cast %parallel_loop3A_810 : i32 to index
        %parallel_loop3A_840 = arith.constant 32 : index
        %parallel_loop3A_841 = tpu.vector_load %arg8[%parallel_loop3A_839, %parallel_loop3A_840] {strides = array<i32>} : memref<104x128xi32, #tpu.memory_space<vmem>>, vector<16xi32>,
        %parallel_loop3A_842 = tpu.vector_load_idx %arg6[%parallel_loop3A_841] : memref<100000xf32, #tpu.memory_space<vmem>>[vector<16xi32>], vector<16xf32>,
        %parallel_loop3A_843 = arith.constant 0 : i32
        %parallel_loop3A_844 = vector.broadcast %parallel_loop3A_843 : i32 to vector<16xi32>
        %parallel_loop3A_845 = arith.cmpi ne, %parallel_loop3A_841, %parallel_loop3A_844 : vector<16xi32>
        %parallel_loop3A_846 = arith.addf %parallel_loop3A_842, %get3A_475 : vector<16xf32>
        %parallel_loop3A_847 = arith.select %parallel_loop3A_845, %parallel_loop3A_846, %broadcast_in_dim3A_7 : vector<16xi1>, vector<16xf32>
        %parallel_loop3A_848 = arith.addf %parallel_loop3A_813, %parallel_loop3A_847 : vector<16xf32>
        %parallel_loop3A_849 = arith.index_cast %parallel_loop3A_810 : i32 to index
        %parallel_loop3A_850 = arith.constant 48 : index
        %parallel_loop3A_851 = tpu.vector_load %arg8[%parallel_loop3A_849, %parallel_loop3A_850] {strides = array<i32>} : memref<104x128xi32, #tpu.memory_space<vmem>>, vector<16xi32>,
        %parallel_loop3A_852 = tpu.vector_load_idx %arg6[%parallel_loop3A_851] : memref<100000xf32, #tpu.memory_space<vmem>>[vector<16xi32>], vector<16xf32>,
        %parallel_loop3A_853 = arith.constant 0 : i32
        %parallel_loop3A_854 = vector.broadcast %parallel_loop3A_853 : i32 to vector<16xi32>
        %parallel_loop3A_855 = arith.cmpi ne, %parallel_loop3A_851, %parallel_loop3A_854 : vector<16xi32>
        %parallel_loop3A_856 = arith.addf %parallel_loop3A_852, %get3A_475 : vector<16xf32>
        %parallel_loop3A_857 = arith.select %parallel_loop3A_855, %parallel_loop3A_856, %broadcast_in_dim3A_7 : vector<16xi1>, vector<16xf32>
        %parallel_loop3A_858 = arith.addf %parallel_loop3A_814, %parallel_loop3A_857 : vector<16xf32>
        %parallel_loop3A_859 = arith.index_cast %parallel_loop3A_810 : i32 to index
        %parallel_loop3A_860 = arith.constant 64 : index
        %parallel_loop3A_861 = tpu.vector_load %arg8[%parallel_loop3A_859, %parallel_loop3A_860] {strides = array<i32>} : memref<104x128xi32, #tpu.memory_space<vmem>>, vector<16xi32>,
        %parallel_loop3A_862 = tpu.vector_load_idx %arg6[%parallel_loop3A_861] : memref<100000xf32, #tpu.memory_space<vmem>>[vector<16xi32>], vector<16xf32>,
        %parallel_loop3A_863 = arith.constant 0 : i32
        %parallel_loop3A_864 = vector.broadcast %parallel_loop3A_863 : i32 to vector<16xi32>
        %parallel_loop3A_865 = arith.cmpi ne, %parallel_loop3A_861, %parallel_loop3A_864 : vector<16xi32>
        %parallel_loop3A_866 = arith.addf %parallel_loop3A_862, %get3A_475 : vector<16xf32>
        %parallel_loop3A_867 = arith.select %parallel_loop3A_865, %parallel_loop3A_866, %broadcast_in_dim3A_7 : vector<16xi1>, vector<16xf32>
        %parallel_loop3A_868 = arith.addf %parallel_loop3A_815, %parallel_loop3A_867 : vector<16xf32>
        %parallel_loop3A_869 = arith.index_cast %parallel_loop3A_810 : i32 to index
        %parallel_loop3A_870 = arith.constant 80 : index
        %parallel_loop3A_871 = tpu.vector_load %arg8[%parallel_loop3A_869, %parallel_loop3A_870] {strides = array<i32>} : memref<104x128xi32, #tpu.memory_space<vmem>>, vector<16xi32>,
        %parallel_loop3A_872 = tpu.vector_load_idx %arg6[%parallel_loop3A_871] : memref<100000xf32, #tpu.memory_space<vmem>>[vector<16xi32>], vector<16xf32>,
        %parallel_loop3A_873 = arith.constant 0 : i32
        %parallel_loop3A_874 = vector.broadcast %parallel_loop3A_873 : i32 to vector<16xi32>
        %parallel_loop3A_875 = arith.cmpi ne, %parallel_loop3A_871, %parallel_loop3A_874 : vector<16xi32>
        %parallel_loop3A_876 = arith.addf %parallel_loop3A_872, %get3A_475 : vector<16xf32>
        %parallel_loop3A_877 = arith.select %parallel_loop3A_875, %parallel_loop3A_876, %broadcast_in_dim3A_7 : vector<16xi1>, vector<16xf32>
        %parallel_loop3A_878 = arith.addf %parallel_loop3A_816, %parallel_loop3A_877 : vector<16xf32>
        %parallel_loop3A_879 = arith.index_cast %parallel_loop3A_810 : i32 to index
        %parallel_loop3A_880 = arith.constant 96 : index
        %parallel_loop3A_881 = tpu.vector_load %arg8[%parallel_loop3A_879, %parallel_loop3A_880] {strides = array<i32>} : memref<104x128xi32, #tpu.memory_space<vmem>>, vector<16xi32>,
        %parallel_loop3A_882 = tpu.vector_load_idx %arg6[%parallel_loop3A_881] : memref<100000xf32, #tpu.memory_space<vmem>>[vector<16xi32>], vector<16xf32>,
        %parallel_loop3A_883 = arith.constant 0 : i32
        %parallel_loop3A_884 = vector.broadcast %parallel_loop3A_883 : i32 to vector<16xi32>
        %parallel_loop3A_885 = arith.cmpi ne, %parallel_loop3A_881, %parallel_loop3A_884 : vector<16xi32>
        %parallel_loop3A_886 = arith.addf %parallel_loop3A_882, %get3A_475 : vector<16xf32>
        %parallel_loop3A_887 = arith.select %parallel_loop3A_885, %parallel_loop3A_886, %broadcast_in_dim3A_7 : vector<16xi1>, vector<16xf32>
        %parallel_loop3A_888 = arith.addf %parallel_loop3A_817, %parallel_loop3A_887 : vector<16xf32>
        %parallel_loop3A_889 = arith.index_cast %parallel_loop3A_810 : i32 to index
        %parallel_loop3A_890 = arith.constant 112 : index
        %parallel_loop3A_891 = tpu.vector_load %arg8[%parallel_loop3A_889, %parallel_loop3A_890] {strides = array<i32>} : memref<104x128xi32, #tpu.memory_space<vmem>>, vector<16xi32>,
        %parallel_loop3A_892 = tpu.vector_load_idx %arg6[%parallel_loop3A_891] : memref<100000xf32, #tpu.memory_space<vmem>>[vector<16xi32>], vector<16xf32>,
        %parallel_loop3A_893 = arith.constant 0 : i32
        %parallel_loop3A_894 = vector.broadcast %parallel_loop3A_893 : i32 to vector<16xi32>
        %parallel_loop3A_895 = arith.cmpi ne, %parallel_loop3A_891, %parallel_loop3A_894 : vector<16xi32>
        %parallel_loop3A_896 = arith.addf %parallel_loop3A_892, %get3A_475 : vector<16xf32>
        %parallel_loop3A_897 = arith.select %parallel_loop3A_895, %parallel_loop3A_896, %broadcast_in_dim3A_7 : vector<16xi1>, vector<16xf32>
        %parallel_loop3A_898 = arith.addf %parallel_loop3A_818, %parallel_loop3A_897 : vector<16xf32>
        scf.yield %parallel_loop3A_828, %parallel_loop3A_838, %parallel_loop3A_848, %parallel_loop3A_858, %parallel_loop3A_868, %parallel_loop3A_878, %parallel_loop3A_888, %parallel_loop3A_898 : vector<16xf32>, vector<16xf32>, vector<16xf32>, vector<16xf32>, vector<16xf32>, vector<16xf32>, vector<16xf32>, vector<16xf32>
      } {sc.loop_unroll_factor = 1 : i64, sc.parallel_access}
      %neg3A_682 = arith.constant 0.000000e+00 : f32
      %neg3A_683 = vector.broadcast %neg3A_682 : f32 to vector<16xf32>
      %neg3A_684 = arith.subf %neg3A_683, %parallel_loop3A_681#0 : vector<16xf32>
      %exp3A_685 = math.exp %neg3A_684 : vector<16xf32>
      %add3A_686 = arith.addf %broadcast_in_dim3A_9, %exp3A_685 : vector<16xf32>
      %div3A_687 = arith.divf %broadcast_in_dim3A_9, %add3A_686 : vector<16xf32>
      %swap3A_688 = arith.constant 0 : i32
      %swap3A_689 = arith.index_cast %swap3A_688 : i32 to index
      %swap3A_690 = arith.constant 128 : index
      %swap3A_691 = tpu.vector_load %arg10[%swap3A_689, %swap3A_690] {strides = array<i32>} : memref<2x256xf32, #tpu.memory_space<vmem>>, vector<16xf32>,
      tpu.vector_store %arg10[%swap3A_689, %swap3A_690], %div3A_687 {strides = array<i32>} : memref<2x256xf32, #tpu.memory_space<vmem>>, vector<16xf32>,
      %sub3A_692 = arith.subf %broadcast_in_dim3A_9, %div3A_687 : vector<16xf32>
      %swap3A_693 = arith.constant 1 : i32
      %swap3A_694 = arith.index_cast %swap3A_693 : i32 to index
      %swap3A_695 = arith.constant 128 : index
      %swap3A_696 = tpu.vector_load %arg10[%swap3A_694, %swap3A_695] {strides = array<i32>} : memref<2x256xf32, #tpu.memory_space<vmem>>, vector<16xf32>,
      tpu.vector_store %arg10[%swap3A_694, %swap3A_695], %sub3A_692 {strides = array<i32>} : memref<2x256xf32, #tpu.memory_space<vmem>>, vector<16xf32>,
      %neg3A_697 = arith.constant 0.000000e+00 : f32
      %neg3A_698 = vector.broadcast %neg3A_697 : f32 to vector<16xf32>
      %neg3A_699 = arith.subf %neg3A_698, %parallel_loop3A_681#1 : vector<16xf32>
      %exp3A_700 = math.exp %neg3A_699 : vector<16xf32>
      %add3A_701 = arith.addf %broadcast_in_dim3A_9, %exp3A_700 : vector<16xf32>
      %div3A_702 = arith.divf %broadcast_in_dim3A_9, %add3A_701 : vector<16xf32>
      %swap3A_703 = arith.constant 0 : i32
      %swap3A_704 = arith.index_cast %swap3A_703 : i32 to index
      %swap3A_705 = arith.constant 144 : index
      %swap3A_706 = tpu.vector_load %arg10[%swap3A_704, %swap3A_705] {strides = array<i32>} : memref<2x256xf32, #tpu.memory_space<vmem>>, vector<16xf32>,
      tpu.vector_store %arg10[%swap3A_704, %swap3A_705], %div3A_702 {strides = array<i32>} : memref<2x256xf32, #tpu.memory_space<vmem>>, vector<16xf32>,
      %sub3A_707 = arith.subf %broadcast_in_dim3A_9, %div3A_702 : vector<16xf32>
      %swap3A_708 = arith.constant 1 : i32
      %swap3A_709 = arith.index_cast %swap3A_708 : i32 to index
      %swap3A_710 = arith.constant 144 : index
      %swap3A_711 = tpu.vector_load %arg10[%swap3A_709, %swap3A_710] {strides = array<i32>} : memref<2x256xf32, #tpu.memory_space<vmem>>, vector<16xf32>,
      tpu.vector_store %arg10[%swap3A_709, %swap3A_710], %sub3A_707 {strides = array<i32>} : memref<2x256xf32, #tpu.memory_space<vmem>>, vector<16xf32>,
      %neg3A_712 = arith.constant 0.000000e+00 : f32
      %neg3A_713 = vector.broadcast %neg3A_712 : f32 to vector<16xf32>
      %neg3A_714 = arith.subf %neg3A_713, %parallel_loop3A_681#2 : vector<16xf32>
      %exp3A_715 = math.exp %neg3A_714 : vector<16xf32>
      %add3A_716 = arith.addf %broadcast_in_dim3A_9, %exp3A_715 : vector<16xf32>
      %div3A_717 = arith.divf %broadcast_in_dim3A_9, %add3A_716 : vector<16xf32>
      %swap3A_718 = arith.constant 0 : i32
      %swap3A_719 = arith.index_cast %swap3A_718 : i32 to index
      %swap3A_720 = arith.constant 160 : index
      %swap3A_721 = tpu.vector_load %arg10[%swap3A_719, %swap3A_720] {strides = array<i32>} : memref<2x256xf32, #tpu.memory_space<vmem>>, vector<16xf32>,
      tpu.vector_store %arg10[%swap3A_719, %swap3A_720], %div3A_717 {strides = array<i32>} : memref<2x256xf32, #tpu.memory_space<vmem>>, vector<16xf32>,
      %sub3A_722 = arith.subf %broadcast_in_dim3A_9, %div3A_717 : vector<16xf32>
      %swap3A_723 = arith.constant 1 : i32
      %swap3A_724 = arith.index_cast %swap3A_723 : i32 to index
      %swap3A_725 = arith.constant 160 : index
      %swap3A_726 = tpu.vector_load %arg10[%swap3A_724, %swap3A_725] {strides = array<i32>} : memref<2x256xf32, #tpu.memory_space<vmem>>, vector<16xf32>,
      tpu.vector_store %arg10[%swap3A_724, %swap3A_725], %sub3A_722 {strides = array<i32>} : memref<2x256xf32, #tpu.memory_space<vmem>>, vector<16xf32>,
      %neg3A_727 = arith.constant 0.000000e+00 : f32
      %neg3A_728 = vector.broadcast %neg3A_727 : f32 to vector<16xf32>
      %neg3A_729 = arith.subf %neg3A_728, %parallel_loop3A_681#3 : vector<16xf32>
      %exp3A_730 = math.exp %neg3A_729 : vector<16xf32>
      %add3A_731 = arith.addf %broadcast_in_dim3A_9, %exp3A_730 : vector<16xf32>
      %div3A_732 = arith.divf %broadcast_in_dim3A_9, %add3A_731 : vector<16xf32>
      %swap3A_733 = arith.constant 0 : i32
      %swap3A_734 = arith.index_cast %swap3A_733 : i32 to index
      %swap3A_735 = arith.constant 176 : index
      %swap3A_736 = tpu.vector_load %arg10[%swap3A_734, %swap3A_735] {strides = array<i32>} : memref<2x256xf32, #tpu.memory_space<vmem>>, vector<16xf32>,
      tpu.vector_store %arg10[%swap3A_734, %swap3A_735], %div3A_732 {strides = array<i32>} : memref<2x256xf32, #tpu.memory_space<vmem>>, vector<16xf32>,
      %sub3A_737 = arith.subf %broadcast_in_dim3A_9, %div3A_732 : vector<16xf32>
      %swap3A_738 = arith.constant 1 : i32
      %swap3A_739 = arith.index_cast %swap3A_738 : i32 to index
      %swap3A_740 = arith.constant 176 : index
      %swap3A_741 = tpu.vector_load %arg10[%swap3A_739, %swap3A_740] {strides = array<i32>} : memref<2x256xf32, #tpu.memory_space<vmem>>, vector<16xf32>,
      tpu.vector_store %arg10[%swap3A_739, %swap3A_740], %sub3A_737 {strides = array<i32>} : memref<2x256xf32, #tpu.memory_space<vmem>>, vector<16xf32>,
      %neg3A_742 = arith.constant 0.000000e+00 : f32
      %neg3A_743 = vector.broadcast %neg3A_742 : f32 to vector<16xf32>
      %neg3A_744 = arith.subf %neg3A_743, %parallel_loop3A_681#4 : vector<16xf32>
      %exp3A_745 = math.exp %neg3A_744 : vector<16xf32>
      %add3A_746 = arith.addf %broadcast_in_dim3A_9, %exp3A_745 : vector<16xf32>
      %div3A_747 = arith.divf %broadcast_in_dim3A_9, %add3A_746 : vector<16xf32>
      %swap3A_748 = arith.constant 0 : i32
      %swap3A_749 = arith.index_cast %swap3A_748 : i32 to index
      %swap3A_750 = arith.constant 192 : index
      %swap3A_751 = tpu.vector_load %arg10[%swap3A_749, %swap3A_750] {strides = array<i32>} : memref<2x256xf32, #tpu.memory_space<vmem>>, vector<16xf32>,
      tpu.vector_store %arg10[%swap3A_749, %swap3A_750], %div3A_747 {strides = array<i32>} : memref<2x256xf32, #tpu.memory_space<vmem>>, vector<16xf32>,
      %sub3A_752 = arith.subf %broadcast_in_dim3A_9, %div3A_747 : vector<16xf32>
      %swap3A_753 = arith.constant 1 : i32
      %swap3A_754 = arith.index_cast %swap3A_753 : i32 to index
      %swap3A_755 = arith.constant 192 : index
      %swap3A_756 = tpu.vector_load %arg10[%swap3A_754, %swap3A_755] {strides = array<i32>} : memref<2x256xf32, #tpu.memory_space<vmem>>, vector<16xf32>,
      tpu.vector_store %arg10[%swap3A_754, %swap3A_755], %sub3A_752 {strides = array<i32>} : memref<2x256xf32, #tpu.memory_space<vmem>>, vector<16xf32>,
      %neg3A_757 = arith.constant 0.000000e+00 : f32
      %neg3A_758 = vector.broadcast %neg3A_757 : f32 to vector<16xf32>
      %neg3A_759 = arith.subf %neg3A_758, %parallel_loop3A_681#5 : vector<16xf32>
      %exp3A_760 = math.exp %neg3A_759 : vector<16xf32>
      %add3A_761 = arith.addf %broadcast_in_dim3A_9, %exp3A_760 : vector<16xf32>
      %div3A_762 = arith.divf %broadcast_in_dim3A_9, %add3A_761 : vector<16xf32>
      %swap3A_763 = arith.constant 0 : i32
      %swap3A_764 = arith.index_cast %swap3A_763 : i32 to index
      %swap3A_765 = arith.constant 208 : index
      %swap3A_766 = tpu.vector_load %arg10[%swap3A_764, %swap3A_765] {strides = array<i32>} : memref<2x256xf32, #tpu.memory_space<vmem>>, vector<16xf32>,
      tpu.vector_store %arg10[%swap3A_764, %swap3A_765], %div3A_762 {strides = array<i32>} : memref<2x256xf32, #tpu.memory_space<vmem>>, vector<16xf32>,
      %sub3A_767 = arith.subf %broadcast_in_dim3A_9, %div3A_762 : vector<16xf32>
      %swap3A_768 = arith.constant 1 : i32
      %swap3A_769 = arith.index_cast %swap3A_768 : i32 to index
      %swap3A_770 = arith.constant 208 : index
      %swap3A_771 = tpu.vector_load %arg10[%swap3A_769, %swap3A_770] {strides = array<i32>} : memref<2x256xf32, #tpu.memory_space<vmem>>, vector<16xf32>,
      tpu.vector_store %arg10[%swap3A_769, %swap3A_770], %sub3A_767 {strides = array<i32>} : memref<2x256xf32, #tpu.memory_space<vmem>>, vector<16xf32>,
      %neg3A_772 = arith.constant 0.000000e+00 : f32
      %neg3A_773 = vector.broadcast %neg3A_772 : f32 to vector<16xf32>
      %neg3A_774 = arith.subf %neg3A_773, %parallel_loop3A_681#6 : vector<16xf32>
      %exp3A_775 = math.exp %neg3A_774 : vector<16xf32>
      %add3A_776 = arith.addf %broadcast_in_dim3A_9, %exp3A_775 : vector<16xf32>
      %div3A_777 = arith.divf %broadcast_in_dim3A_9, %add3A_776 : vector<16xf32>
      %swap3A_778 = arith.constant 0 : i32
      %swap3A_779 = arith.index_cast %swap3A_778 : i32 to index
      %swap3A_780 = arith.constant 224 : index
      %swap3A_781 = tpu.vector_load %arg10[%swap3A_779, %swap3A_780] {strides = array<i32>} : memref<2x256xf32, #tpu.memory_space<vmem>>, vector<16xf32>,
      tpu.vector_store %arg10[%swap3A_779, %swap3A_780], %div3A_777 {strides = array<i32>} : memref<2x256xf32, #tpu.memory_space<vmem>>, vector<16xf32>,
      %sub3A_782 = arith.subf %broadcast_in_dim3A_9, %div3A_777 : vector<16xf32>
      %swap3A_783 = arith.constant 1 : i32
      %swap3A_784 = arith.index_cast %swap3A_783 : i32 to index
      %swap3A_785 = arith.constant 224 : index
      %swap3A_786 = tpu.vector_load %arg10[%swap3A_784, %swap3A_785] {strides = array<i32>} : memref<2x256xf32, #tpu.memory_space<vmem>>, vector<16xf32>,
      tpu.vector_store %arg10[%swap3A_784, %swap3A_785], %sub3A_782 {strides = array<i32>} : memref<2x256xf32, #tpu.memory_space<vmem>>, vector<16xf32>,
      %neg3A_787 = arith.constant 0.000000e+00 : f32
      %neg3A_788 = vector.broadcast %neg3A_787 : f32 to vector<16xf32>
      %neg3A_789 = arith.subf %neg3A_788, %parallel_loop3A_681#7 : vector<16xf32>
      %exp3A_790 = math.exp %neg3A_789 : vector<16xf32>
      %add3A_791 = arith.addf %broadcast_in_dim3A_9, %exp3A_790 : vector<16xf32>
      %div3A_792 = arith.divf %broadcast_in_dim3A_9, %add3A_791 : vector<16xf32>
      %swap3A_793 = arith.constant 0 : i32
      %swap3A_794 = arith.index_cast %swap3A_793 : i32 to index
      %swap3A_795 = arith.constant 240 : index
      %swap3A_796 = tpu.vector_load %arg10[%swap3A_794, %swap3A_795] {strides = array<i32>} : memref<2x256xf32, #tpu.memory_space<vmem>>, vector<16xf32>,
      tpu.vector_store %arg10[%swap3A_794, %swap3A_795], %div3A_792 {strides = array<i32>} : memref<2x256xf32, #tpu.memory_space<vmem>>, vector<16xf32>,
      %sub3A_797 = arith.subf %broadcast_in_dim3A_9, %div3A_792 : vector<16xf32>
      %swap3A_798 = arith.constant 1 : i32
      %swap3A_799 = arith.index_cast %swap3A_798 : i32 to index
      %swap3A_800 = arith.constant 240 : index
      %swap3A_801 = tpu.vector_load %arg10[%swap3A_799, %swap3A_800] {strides = array<i32>} : memref<2x256xf32, #tpu.memory_space<vmem>>, vector<16xf32>,
      tpu.vector_store %arg10[%swap3A_799, %swap3A_800], %sub3A_797 {strides = array<i32>} : memref<2x256xf32, #tpu.memory_space<vmem>>, vector<16xf32>,
      %dma_start3A_802 = arith.constant 0 : i32
      %dma_start3A_803 = tpu.memref_slice %arg5[%dma_start3A_802, %mul3A_4] : memref<2x4096xf32, #tpu.memory_space<hbm>> -> memref<2x256xf32, #tpu.memory_space<hbm>>
      %dma_start3A_804 = arith.constant 0 : i32
      %dma_start3A_805 = tpu.memref_slice %arg5[%dma_start3A_804, %mul3A_4] : memref<2x4096xf32, #tpu.memory_space<hbm>> -> memref<2x256xf32, #tpu.memory_space<hbm>>
      tpu.enqueue_dma source(%arg10 : memref<2x256xf32, #tpu.memory_space<vmem>>) target(%dma_start3A_805 : memref<2x256xf32, #tpu.memory_space<hbm>>) target_semaphore(%arg11 : memref<!tpu.dma_semaphore, #tpu.memory_space<semaphore_mem>>)
      %dma_wait3A_806 = arith.constant 0 : i32
      %dma_wait3A_807 = tpu.memref_slice %arg5[%dma_wait3A_806, %mul3A_4] : memref<2x4096xf32, #tpu.memory_space<hbm>> -> memref<2x256xf32, #tpu.memory_space<hbm>>
      %dma_wait3A_808 = arith.constant 0 : i32
      %dma_wait3A_809 = tpu.memref_slice %arg5[%dma_wait3A_808, %mul3A_4] : memref<2x4096xf32, #tpu.memory_space<hbm>> -> memref<2x256xf32, #tpu.memory_space<hbm>>
      tpu.wait_dma2 semaphore(%arg11 : memref<!tpu.dma_semaphore, #tpu.memory_space<semaphore_mem>>) src(%arg10 : memref<2x256xf32, #tpu.memory_space<vmem>>) dst(%dma_wait3A_809 : memref<2x256xf32, #tpu.memory_space<hbm>>)
    } else {
    }
    return
  }
}

</mosaic_0001>

<sc_bundles>
// kernel: _run.3.cloned.1.call-start
scs
__scs_entry_jumppad:
0x0: {  	(pc) =	sbr.rel $0x88, $3  }
0x1: {  	(tag) =	ssettag $0x0;
	lr =	simm.s32 $0x1  }
0x2: {  	[smem:$0x3F9E] =	sst lr;
	_ =	strace $0xD0000000  }
0x3: {  	_ = 	snop  }
0x4: {  	_ = 	snop  }
0x5: {  	_ = 	snop  }
0x6: {  	_ = 	snop  }
0x7: {  	_ = 	snop  }
__scs_overlays_trampoline_lowered:
0x8: {  	[smem:$0x3FAD] =	sst s0  }
0x9: {  	[smem:$0x3FAE] =	sst s1  }
0xa: {  	[smem:$0x3FAF] =	sst s2  }
0xb: {  	[smem:$0x3FB0] =	sst s3  }
0xc: {  	[smem:$0x3FB1] =	sst s4  }
0xd: {  	[smem:$0x3FB2] =	sst s5  }
0xe: {  	[smem:$0x3FB3] =	sst s6  }
0xf: {  	[smem:$0x3FB4] =	sst s7  }
0x10: {  	[smem:$0x3FB5] =	sst s8  }
0x11: {  	[smem:$0x3FB6] =	sst s9;
	s0 =	simm.s32 @!p0 $0x0  }
0x12: {  	s1 =	sld [smem:$0x3F9C];
	s0 =	simm.s32 @p0 $0x1  }
0x13: {  	[smem:$0x3FB7] =	sst s0;
	s0 =	simm.s32 @!p1 $0x0  }
0x14: {  	s2 =	sld [smem:$0x3F9B];
	s0 =	simm.s32 @p1 $0x1  }
0x15: {  	[smem:$0x3FB8] =	sst s0;
	s0 =	simm.s32 @!p2 $0x0  }
0x16: {  	s3 =	sld [smem:$0x3FDB];
	s0 =	simm.s32 @p2 $0x1  }
0x17: {  	s4 =	simm.s32 $0x1BF5;
	[smem:$0x3FBA] =	sst s0  }
0x18: {  	s0 =	sld [smem:$0x3F9D];
	_ =	swait.ge [sflag:s4], $0x0  }
0x19: {  	s7 =	sld [smem:$0x3F9E]  }
0x1a: {  	s8 =	sadd.s32 $0xFFFFE003, lr  }
0x1b: {  	s9 =	sadd.s32 $0xFFFFFEF7, lr;
	s5 =	simm.s32 $0xFFFFFFFF;
	p2 =	slt.u32 s8, $0xFFFFF086  }
0x1c: {  	p1 =	slt.u32 s9, $0xF7A;
	s5 =	simm.s32 @!p2 $0x0  }
0x1d: {  	s5 =	simm.s32 @p1 $0x1;
	p0 =	seq.s32 s7, s2  }
0x1e: {  	s7 =	smul.u32 @!p0 $0xF7A, s2;
	p2 =	seq.s32 @!p0 s5, $0x0  }
0x1f: {  	s9 =	smul.u32 $0xF7A, s1;
	s8 =	simm.s32 @!p0 $0x1BF5;
	p2 =	por !p2, p0  }
0x20: {  	[sflag:s8] =	ssyncset.s32 @!p0 $0xFFFFF086;
	s6 =	sadd.s32 @!p0 s3, s7;
	s7 =	simm.s32 @!p0 $0x108  }
0x21: {  	s3 =	sadd.s32 s3, s9;
	s6 =	sadd.s32 @!p0 $0x88, s6;
	s7 =	simm.s32 @p2 $0x1082  }
0x22: {  	[simem:s7], [sflag:s8] =	dma.local @!p0 [hbm:s6], $0xF7A  }
0x23: {  	s9 =	sor.u32 $0xD0000000, s2;
	s6 =	simm.s32 $0x108;
	_ =	swait.ge @!p0 [sflag:s8], $0x0  }
0x24: {  	s3 =	sadd.s32 $0x88, s3;
	s6 =	simm.s32 @!p1 $0x1082;
	[sflag:s4] =	ssyncset.s32 $0xFFFFF086  }
0x25: {  	[simem:s6], [sflag:s4] =	dma.local [hbm:s3], $0xF7A  }
0x26: {  	[smem:$0x3F9E] =	sst s1;
	(tag) =	ssettag s2;
	_ =	strace s9  }
0x27: {  	s1 =	sld [smem:$0x3FAE]  }
0x28: {  	s2 =	sld [smem:$0x3FAF]  }
0x29: {  	s4 =	sld [smem:$0x3FB1]  }
0x2a: {  	p0 =	seq.s32 s5, $0x0;
	s5 =	sld [smem:$0x3FB2]  }
0x2b: {  	s6 =	sld [smem:$0x3FB3]  }
0x2c: {  	s7 =	sld [smem:$0x3FB4]  }
0x2d: {  	s3 =	simm.s32 $0x108;
	s8 =	sld [smem:$0x3FB5]  }
0x2e: {  	s3 =	simm.s32 @!p0 $0x1082;
	s9 =	sld [smem:$0x3FB6]  }
0x2f: {  	lr =	sadd.s32 s0, s3;
	s0 =	sld [smem:$0x3FAD]  }
0x30: {  	s3 =	sld [smem:$0x3FB0]  }
0x31: {  	[smem:$0x3FB9] =	sst s10  }
0x32: {  	s10 =	sld [smem:$0x3FB7];
	_ =	sdelay $0x3  }
0x33: {  	p0 =	seq.s32 s10, $0x1;
	s10 =	sld [smem:$0x3FB9];
	_ =	sdelay $0x3  }
0x34: {  	[smem:$0x3FB9] =	sst s10  }
0x35: {  	s10 =	sld [smem:$0x3FB8];
	_ =	sdelay $0x3  }
0x36: {  	p1 =	seq.s32 s10, $0x1;
	s10 =	sld [smem:$0x3FB9];
	_ =	sdelay $0x3  }
0x37: {  	[smem:$0x3FB9] =	sst s10  }
0x38: {  	s10 =	sld [smem:$0x3FBA]  }
0x39: {  	_ = 	snop;
	(pc) =	sbr.ind lr, $3  }
0x3a: {  	_ = 	snop  }
0x3b: {  	_ = 	snop  }
0x3c: {  	p2 =	seq.s32 s10, $0x1;
	s10 =	sld [smem:$0x3FB9]  }
0x3d: {  	_ =	shalt  }
0x3e: {  	_ =	shalt  }
0x3f: {  	_ =	shalt  }
0x40: {  	_ =	shalt  }
0x41: {  	_ =	shalt  }
0x42: {  	_ =	shalt  }
0x43: {  	_ =	shalt  }
0x44: {  	_ =	shalt  }
0x45: {  	_ =	shalt  }
0x46: {  	_ =	shalt  }
0x47: {  	_ =	shalt  }
0x48: {  	_ =	shalt  }
0x49: {  	_ =	shalt  }
0x4a: {  	_ =	shalt  }
0x4b: {  	_ =	shalt  }
0x4c: {  	_ =	shalt  }
0x4d: {  	_ =	shalt  }
0x4e: {  	_ =	shalt  }
0x4f: {  	_ =	shalt  }
0x50: {  	_ =	shalt  }
0x51: {  	_ =	shalt  }
0x52: {  	_ =	shalt  }
0x53: {  	_ =	shalt  }
0x54: {  	_ =	shalt  }
0x55: {  	_ =	shalt  }
0x56: {  	_ =	shalt  }
0x57: {  	_ =	shalt  }
0x58: {  	_ =	shalt  }
0x59: {  	_ =	shalt  }
0x5a: {  	_ =	shalt  }
0x5b: {  	_ =	shalt  }
0x5c: {  	_ =	shalt  }
0x5d: {  	_ =	shalt  }
0x5e: {  	_ =	shalt  }
0x5f: {  	_ =	shalt  }
0x60: {  	_ =	shalt  }
0x61: {  	_ =	shalt  }
0x62: {  	_ =	shalt  }
0x63: {  	_ =	shalt  }
0x64: {  	_ =	shalt  }
0x65: {  	_ =	shalt  }
0x66: {  	_ =	shalt  }
0x67: {  	_ =	shalt  }
0x68: {  	_ =	shalt  }
0x69: {  	_ =	shalt  }
0x6a: {  	_ =	shalt  }
0x6b: {  	_ =	shalt  }
0x6c: {  	_ =	shalt  }
0x6d: {  	_ =	shalt  }
0x6e: {  	_ =	shalt  }
0x6f: {  	_ =	shalt  }
0x70: {  	_ =	shalt  }
0x71: {  	_ =	shalt  }
0x72: {  	_ =	shalt  }
0x73: {  	_ =	shalt  }
0x74: {  	_ =	shalt  }
0x75: {  	_ =	shalt  }
0x76: {  	_ =	shalt  }
0x77: {  	_ =	shalt  }
0x78: {  	_ =	shalt  }
0x79: {  	_ =	shalt  }
0x7a: {  	_ =	shalt  }
0x7b: {  	_ =	shalt  }
0x7c: {  	_ =	shalt  }
0x7d: {  	_ =	shalt  }
0x7e: {  	_ =	shalt  }
0x7f: {  	_ =	shalt  }
0x80: {  	_ =	shalt  }
0x81: {  	_ =	shalt  }
0x82: {  	_ =	shalt  }
0x83: {  	_ =	shalt  }
0x84: {  	_ =	shalt  }
0x85: {  	_ =	shalt  }
0x86: {  	_ =	shalt  }
0x87: {  	_ =	shalt  }
.Lfunc_end0:
.L_simem_size_0:
called_computation_lowered:
.L_overlay_start_0:
0x88: {  	s2 =	sld [smem:$0x3FD9]  }
0x89: {  	s3 =	sld [smem:$0x3FFE];
	_ =	sdelay $0x1  }
0x8a: {  	s1 =	srdreg.scid  }
0x8b: {  	s0 =	sand.u32 $0x1, s1  }
0x8c: {  	s17 =	sshll.u32 s0, $0xA;
	s2 =	sadd.s32 s3, s2  }
0x8d: {  	s2 =	sadd.s32 s2, s17  }
0x8e: {  	[smem:$0x3FC5] =	sst s2  }
0x8f: {  	_ = 	snop  }
0x90: {  	s2 =	sld [smem:$0x3FC9]  }
0x91: {  	s18 =	sld [smem:$0x3FC7]  }
0x92: {  	s4 =	sld [smem:$0x3FD0];
	(tm) =	ssettm $0x1  }
0x93: {  	s5 =	sld [smem:$0x3FFB];
	_ =	sdelay $0x3  }
0x94: {  	_ =	strace s5  }
0x95: {  	s5 =	sld [smem:$0x3FFC];
	_ =	sdelay $0x3  }
0x96: {  	_ =	strace s5  }
0x97: {  	s5 =	sld [smem:$0x3FFD];
	_ =	sdelay $0x3  }
0x98: {  	_ =	strace s5  }
0x99: {  	_ =	strace $0x8FFFFFFF  }
0x9a: {  	s19 =	sld [smem:$0x3FDB];
	_ =	sdelay $0x1  }
0x9b: {  	s6 =	simm.s32 $_scs_section_size  }
0x9c: {  	s7 =	simm.s32 $_size__tile_overlayer_lowered;
	s8 =	simm.s32 $_tile_overlayer_lowered  }
0x9d: {  	s22 =	simm.s32 $0x1BFF;
	s21 =	sshll.u32 s8, $0x1;
	s5 =	sadd.s32 s6, s19  }
0x9e: {  	s9 =	simm.s32 $0x0;
	s20 =	sshll.u32 s7, $0x1;
	s7 =	sadd.s32 s21, s5  }
0x9f: {  	[timem:s9], [sflag:s22] =	dma.local [hbm:s7], s20  }
0xa0: {  	_ =	swait.ge [sflag:s22], s20  }
0xa1: {  	s6 =	ssub.s32 $0x0, s20;
	[sflag:s22] =	ssyncset.done $0x0  }
0xa2: {  	[sflag:s22] =	ssyncadd.s32 s6;
	_ =	sdelay $0x1  }
0xa3: {  	s23 =	simm.s32 $0x1B8B  }
0xa4: {  	_ =	swait.ge [sflag:s23], $0x1  }
0xa5: {  	[sflag:s23] =	ssyncset.done $0x0  }
0xa6: {  	s25 =	simm.s32 $0x1B8E;
	s24 =	sld [smem:$0x3FFE];
	[sflag:s23] =	ssyncadd.s32 $0xFFFFFFFF  }
0xa7: {  	s26 =	simm.s32 $execute0_lowered;
	[smem:$0x3FD2] =	sst s25  }
0xa8: {  	s7 =	sshll.u32 s26, $0x1;
	_ =	strace $0x80000046;
	[dreg:$0x1] =	wrdreg $0xFFFFFFFF  }
0xa9: {  	s28 =	simm.s32 $_size_execute0_lowered;
	s5 =	sadd.s32 s5, s7;
	[dreg:$0x0] =	wrdreg $0x0  }
0xaa: {  	s7 =	sshll.u32 s28, $0x1;
	[dreg:$0x2] =	wrdreg s5  }
0xab: {  	[dreg:$0x3] =	wrdreg s7  }
0xac: {  	[dreg:$0x4] =	wrdreg $0xC0  }
0xad: {  	_ =	task [dreg:s9], $0x5FFFF  }
0xae: {  	[dreg:$0x1] =	wrdreg $0xFFFFFFFF  }
0xaf: {  	[dreg:$0x0] =	wrdreg $0x60  }
0xb0: {  	[dreg:$0x2] =	wrdreg s2  }
0xb1: {  	[dreg:$0x3] =	wrdreg s24  }
0xb2: {  	[dreg:$0x4] =	wrdreg s18  }
0xb3: {  	[dreg:$0x5] =	wrdreg s4  }
0xb4: {  	[dreg:$0x6] =	wrdreg $0x9  }
0xb5: {  	_ =	task.clear_ibuf [dreg:s9], $0x7FFFF;
	_ =	strace $0x90000046  }
0xb6: {  	s29 =	simm.s32 $0x9;
	_ =	strace $0x80000048  }
0xb7: {  	_ =	swait.ge [sflag:s29], $0x1  }
0xb8: {  	[sflag:s29] =	ssyncadd.s32 $0xFFFFFFFF  }
0xb9: {  	_ =	strace $0x90000048  }
0xba: {  	_ =	sfence  }
0xbb: {  	s30 =	sld [smem:$0x0];
	_ =	sdelay $0x2  }
0xbc: {  	s31 =	sshll.u32 s1, $0xD;
	s1 =	sshrl.u32 s1, $0x2  }
0xbd: {  	s3 =	sand.u32 $0x4000, s31;
	s1 =	sadd.s32 s1, s30  }
0xbe: {  	s0 =	sor.u32 s3, s0;
	s1 =	sshll.u32 s1, $0x11  }
0xbf: {  	s0 =	sor.u32 s1, s0  }
0xc0: {  	s0 =	sadd.s32 $0x8F2B, s0  }
0xc1: {  	[sflag:s0] =	ssyncadd.remote.s32 $0x1  }
0xc2: {  	_ =	sfence.sel $0xFFFF  }
0xc3: {  	[dreg:$0x0] =	wrdreg $0xFFFFFFFF;
	(pc) =	sbr.abs _section_cstart, $3  }
0xc4: {  	[dreg:$0x1] =	wrdreg $0xFFFFFFFF  }
0xc5: {  	_ =	task.clear_ibuf [dreg:s9], $0x2FFFF;
	_ =	strace $0x9FFFFFFF  }
0xc6: {  	(tm) =	ssettm $0x7FFFFFFF  }
0xc7: {  	_ =	shalt  }
tec
execute0_lowered:
.L_overlay_start_1:
0x0: {  	(tag) =	ssettag $0x1  }
0x1: {  	s2 =	srdreg.scid;
	s3 =	stileid.u32  }
0x2: {  	s2 =	sand.u32 $0x1, s2;
	s5 =	sshll.u32 s3, $0x1  }
0x3: {  	s5 =	sor.u32 s2, s5  }
0x4: {  	p0 =	sgt.s32 s5, $0xF  }
.Ltmp0:
0x5: {  	_ = 	snop;
	(pc) =	sbr.rel @p0 .LBB2_11-.Ltmp0, $4  }
0x6: {  	s1 =	rddreg [dreg:$0x0]  }
0x7: {  	s0 =	rddreg [dreg:$0x1];
	s3 =	simm.s32 $0x0  }
0x8: {  	[smem:$0x7FF] =	sst s3  }
0x9: {  	s4 =	rddreg [dreg:$0x3];
	_ =	strace $0x80000047  }
0xa: {  	s6 =	smulhi.u32 $0x8421085, s5;
	_ =	sdelay $0x1  }
0xb: {  	s7 =	ssub.s32 s5, s6  }
0xc: {  	s7 =	sshrl.u32 s7, $0x1  }
0xd: {  	s6 =	sadd.s32 s6, s7  }
0xe: {  	s6 =	sshrl.u32 s6, $0x4  }
0xf: {  	s6 =	smul.u32 $0x1F, s6;
	_ =	sdelay $0x1  }
0x10: {  	s6 =	ssub.s32 s5, s6  }
0x11: {  	s7 =	simm.s32 $0x2;
	p0 =	slt.u32 s6, $0x1D  }
0x12: {  	s7 =	simm.s32 @!p0 $0xFFFFFFE3  }
0x13: {  	s8 =	simm.s32 $0x3;
	p0 =	slt.u32 s6, $0x1C;
	s7 =	sadd.s32 s6, s7  }
0x14: {  	s8 =	simm.s32 @!p0 $0xFFFFFFE4;
	s7 =	smul.u32 $0xC98, s7  }
0x15: {  	p0 =	slt.u32 s6, $0x1B;
	s14 =	sadd.s32 s6, s8;
	s8 =	simm.s32 $0x4  }
0x16: {  	s8 =	simm.s32 @!p0 $0xFFFFFFE5;
	[smem:$0x7FD] =	sst s7;
	s7 =	smul.u32 $0xC98, s14  }
0x17: {  	p0 =	slt.u32 s6, $0x1A;
	s15 =	sadd.s32 s6, s8;
	s8 =	simm.s32 $0x5  }
0x18: {  	s8 =	simm.s32 @!p0 $0xFFFFFFE6;
	[smem:$0x7FC] =	sst s7;
	s7 =	smul.u32 $0xC98, s15  }
0x19: {  	p0 =	slt.u32 s6, $0x19;
	s16 =	sadd.s32 s6, s8;
	s8 =	simm.s32 $0x6  }
0x1a: {  	s8 =	simm.s32 @!p0 $0xFFFFFFE7;
	[smem:$0x7FB] =	sst s7;
	s7 =	smul.u32 $0xC98, s16  }
0x1b: {  	p0 =	slt.u32 s6, $0x18;
	s17 =	sadd.s32 s6, s8;
	s8 =	simm.s32 $0x7  }
0x1c: {  	s8 =	simm.s32 @!p0 $0xFFFFFFE8;
	[smem:$0x7FA] =	sst s7;
	s7 =	smul.u32 $0xC98, s17  }
0x1d: {  	p0 =	slt.u32 s6, $0x17;
	s18 =	sadd.s32 s6, s8;
	s8 =	simm.s32 $0x8  }
0x1e: {  	s8 =	simm.s32 @!p0 $0xFFFFFFE9;
	[smem:$0x7F9] =	sst s7;
	s7 =	smul.u32 $0xC98, s18  }
0x1f: {  	p0 =	slt.u32 s6, $0x16;
	s19 =	sadd.s32 s6, s8;
	s8 =	simm.s32 $0x9  }
0x20: {  	s8 =	simm.s32 @!p0 $0xFFFFFFEA;
	p0 =	slt.u32 s6, $0x15;
	[smem:$0x7F6] =	sst s7  }
0x21: {  	s7 =	smul.u32 $0xC98, s19;
	s20 =	sadd.s32 s6, s8;
	s8 =	simm.s32 $0xA  }
0x22: {  	s2 =	ssub.s32 $0x2, s2;
	s23 =	smul.u32 $0xC98, s20;
	s8 =	simm.s32 @!p0 $0xFFFFFFEB  }
0x23: {  	p0 =	slt.u32 s6, $0x14;
	s21 =	sadd.s32 s6, s8;
	s8 =	simm.s32 $0xB  }
0x24: {  	p1 =	slt.u32 s6, $0xA;
	s26 =	smul.u32 $0xC98, s21;
	s8 =	simm.s32 @!p0 $0xFFFFFFEC  }
0x25: {  	p0 =	slt.u32 s6, $0x13;
	s22 =	sadd.s32 s6, s8;
	s8 =	simm.s32 $0xC  }
0x26: {  	[smem:$0x7F5] =	sst s7;
	s28 =	smul.u32 $0xC98, s22;
	s8 =	simm.s32 @!p0 $0xFFFFFFED  }
0x27: {  	p0 =	slt.u32 s6, $0x12;
	s24 =	sadd.s32 s6, s8;
	s8 =	simm.s32 $0xD  }
0x28: {  	s22 =	smul.u32 $0xC98, s24;
	s8 =	simm.s32 @!p0 $0xFFFFFFEE;
	p0 =	slt.u32 s6, $0x11  }
0x29: {  	[dreg:$0x1e] =	wrdreg s28;
	s25 =	sadd.s32 s6, s8;
	s8 =	simm.s32 $0xE  }
0x2a: {  	s29 =	smul.u32 $0xC98, s25;
	s8 =	simm.s32 @!p0 $0xFFFFFFEF;
	p0 =	sgt.u32 s6, $0xF  }
0x2b: {  	s25 =	smul.u32 $0xC98, s6;
	s9 =	sadd.s32 s6, s8;
	s8 =	simm.s32 $0xFFFFFFF0  }
0x2c: {  	[dreg:$0x5] =	wrdreg s22;
	s30 =	smul.u32 $0xC98, s9;
	s8 =	simm.s32 @!p0 $0xF  }
0x2d: {  	p0 =	slt.u32 s6, $0xF;
	s9 =	simm.s32 $0x17;
	s10 =	sadd.s32 s6, s8  }
0x2e: {  	[dreg:$0x6] =	wrdreg s29;
	s8 =	simm.s32 $0x10;
	s31 =	smul.u32 $0xC98, s10  }
0x2f: {  	s8 =	simm.s32 @!p0 $0xFFFFFFF1;
	p0 =	slt.u32 s6, $0xE;
	s10 =	simm.s32 $0x19  }
0x30: {  	[dreg:$0x7] =	wrdreg s30;
	s11 =	sadd.s32 s6, s8;
	s8 =	simm.s32 $0x11  }
0x31: {  	s21 =	smul.u32 $0xC98, s11;
	s8 =	simm.s32 @!p0 $0xFFFFFFF2;
	p0 =	slt.u32 s6, $0xD  }
0x32: {  	s11 =	simm.s32 $0x1A;
	s12 =	sadd.s32 s6, s8;
	s8 =	simm.s32 $0x12  }
0x33: {  	[dreg:$0x8] =	wrdreg s31;
	s20 =	smul.u32 $0xC98, s12;
	s8 =	simm.s32 @!p0 $0xFFFFFFF3  }
0x34: {  	p0 =	slt.u32 s6, $0xC;
	s12 =	simm.s32 $0x1B;
	s13 =	sadd.s32 s6, s8  }
0x35: {  	[dreg:$0x9] =	wrdreg s21;
	s8 =	simm.s32 $0x13;
	s19 =	smul.u32 $0xC98, s13  }
0x36: {  	s8 =	simm.s32 @!p0 $0xFFFFFFF4;
	p0 =	slt.u32 s6, $0xB;
	s13 =	simm.s32 $0x1C  }
0x37: {  	[dreg:$0xa] =	wrdreg s20;
	s14 =	sadd.s32 s6, s8;
	s8 =	simm.s32 $0x14  }
0x38: {  	s18 =	smul.u32 $0xC98, s14;
	s8 =	simm.s32 @!p0 $0xFFFFFFF5;
	p0 =	seq.s32 s6, $0x1E  }
0x39: {  	s14 =	simm.s32 $0x1D;
	s15 =	sadd.s32 s6, s8;
	s8 =	simm.s32 $0x15  }
0x3a: {  	[dreg:$0xb] =	wrdreg s19;
	s17 =	smul.u32 $0xC98, s15;
	s8 =	simm.s32 @!p1 $0xFFFFFFF6  }
0x3b: {  	p1 =	slt.u32 s6, $0x9;
	s15 =	sshll.u32 s5, $0x6;
	s5 =	sshll.u32 s5, $0x8  }
0x3c: {  	s16 =	sadd.s32 s6, s8;
	s8 =	simm.s32 $0x16;
	s15 =	sand.u32 $0x1FFFFFC0, s15  }
0x3d: {  	[dreg:$0xc] =	wrdreg s18;
	s7 =	sand.u32 $0x1FFFFF00, s5;
	s8 =	simm.s32 @!p1 $0xFFFFFFF7  }
0x3e: {  	p1 =	slt.u32 s6, $0x8;
	s16 =	smul.u32 $0xC98, s16;
	s4 =	sadd.s32 s4, s15  }
0x3f: {  	s15 =	sadd.s32 s5, s1;
	s5 =	sadd.s32 s1, s5;
	[dreg:$0xd] =	wrdreg s17  }
0x40: {  	s24 =	sadd.s32 s6, s8;
	s9 =	simm.s32 @!p1 $0xFFFFFFF8;
	[dreg:$0x10] =	wrdreg s4  }
0x41: {  	p1 =	slt.u32 s6, $0x7;
	[dreg:$0x15] =	wrdreg s5;
	s15 =	sadd.s32 $0x80, s15  }
0x42: {  	s5 =	sadd.s32 $0xFFFFF368, s25;
	s8 =	sadd.s32 s6, s9;
	[dreg:$0x19] =	wrdreg s15  }
0x43: {  	s9 =	simm.s32 $0x18;
	s24 =	smul.u32 $0xC98, s24;
	[dreg:$0xe] =	wrdreg s16  }
0x44: {  	s9 =	simm.s32 @!p1 $0xFFFFFFF9;
	p1 =	slt.u32 s6, $0x6;
	s8 =	smul.u32 $0xC98, s8  }
0x45: {  	s10 =	simm.s32 @!p1 $0xFFFFFFFA;
	p1 =	slt.u32 s6, $0x5;
	s9 =	sadd.s32 s6, s9  }
0x46: {  	[dreg:$0xf] =	wrdreg s24;
	s10 =	sadd.s32 s6, s10;
	s11 =	simm.s32 @!p1 $0xFFFFFFFB  }
0x47: {  	p1 =	slt.u32 s6, $0x4;
	s9 =	smul.u32 $0xC98, s9;
	[dreg:$0x11] =	wrdreg s8  }
0x48: {  	s11 =	sadd.s32 s6, s11;
	s12 =	simm.s32 @!p1 $0xFFFFFFFC;
	p1 =	slt.u32 s6, $0x3  }
0x49: {  	s10 =	smul.u32 $0xC98, s10;
	s13 =	simm.s32 @!p1 $0xFFFFFFFD;
	p1 =	slt.u32 s6, $0x2  }
0x4a: {  	s12 =	sadd.s32 s6, s12;
	s11 =	smul.u32 $0xC98, s11;
	[dreg:$0x12] =	wrdreg s9  }
0x4b: {  	s13 =	sadd.s32 s6, s13;
	s14 =	simm.s32 @!p1 $0xFFFFFFFE;
	p1 =	seq.s32 s6, $0x0  }
0x4c: {  	s12 =	smul.u32 $0xC98, s12;
	[dreg:$0x13] =	wrdreg s10;
	s14 =	sadd.s32 s6, s14  }
0x4d: {  	s6 =	sshrl.u32 s2, $0x1;
	s13 =	smul.u32 $0xC98, s13;
	[dreg:$0x14] =	wrdreg s11  }
0x4e: {  	s4 =	ssub.s32 s2, s6;
	s6 =	sadd.s32 s1, s7;
	[dreg:$0x16] =	wrdreg s12  }
0x4f: {  	s5 =	simm.s32 @p1 $0x179D0;
	s7 =	sadd.s32 $0xD000, s6;
	[dreg:$0x17] =	wrdreg s13  }
0x50: {  	s14 =	smul.u32 $0xC98, s14;
	s15 =	sadd.s32 $0xD080, s6;
	[dreg:$0x1a] =	wrdreg s7  }
0x51: {  	s6 =	sshrl.u32 s5, $0x3;
	[dreg:$0x1b] =	wrdreg s15  }
0x52: {  	s10 =	sshrl.u32 s10, $0x3;
	s1 =	sadd.s32 s0, s6;
	[dreg:$0x18] =	wrdreg s14  }
0x53: {  	s7 =	sshrl.u32 s14, $0x3;
	s14 =	sshrl.u32 s13, $0x3;
	s6 =	sshrl.u32 s12, $0x3  }
0x54: {  	s12 =	sshrl.u32 s9, $0x3;
	[dreg:$0x1c] =	wrdreg s1;
	s1 =	sadd.s32 s0, s7  }
0x55: {  	s9 =	sshrl.u32 s21, $0x3;
	s15 =	sadd.s32 s0, s14;
	[dreg:$0x1d] =	wrdreg s1  }
0x56: {  	s7 =	sshrl.u32 s11, $0x3;
	s11 =	sadd.s32 s0, s10;
	[dreg:$0x1f] =	wrdreg s15  }
0x57: {  	s10 =	sadd.s32 s0, s9;
	[smem:$0x7E4] =	sst s11  }
0x58: {  	s14 =	sshrl.u32 s24, $0x3;
	s24 =	sshrl.u32 s18, $0x3;
	[smem:$0x7ED] =	sst s10  }
0x59: {  	s1 =	sadd.s32 s0, s6;
	s6 =	sadd.s32 s0, s24;
	s24 =	sld [smem:$0x7F5]  }
0x5a: {  	s15 =	sadd.s32 s0, s14;
	[smem:$0x7E2] =	sst s1  }
0x5b: {  	s13 =	sshrl.u32 s8, $0x3;
	s18 =	sshrl.u32 s28, $0x3;
	[smem:$0x7E7] =	sst s15  }
0x5c: {  	s8 =	sshrl.u32 s20, $0x3;
	s20 =	sadd.s32 s0, s18;
	[smem:$0x7EA] =	sst s6  }
0x5d: {  	s1 =	sadd.s32 s0, s7;
	[smem:$0x7F2] =	sst s20  }
0x5e: {  	s7 =	sshrl.u32 s19, $0x3;
	s19 =	sshrl.u32 s26, $0x3;
	[smem:$0x7E3] =	sst s1  }
0x5f: {  	s1 =	sadd.s32 s0, s12;
	s21 =	sadd.s32 s0, s19;
	s19 =	sld [smem:$0x7FB]  }
0x60: {  	[smem:$0x7E5] =	sst s1  }
0x61: {  	[smem:$0x7F3] =	sst s21  }
0x62: {  	s12 =	sshrl.u32 s30, $0x3;
	s1 =	sadd.s32 s0, s13;
	s21 =	sld [smem:$0x7FC]  }
0x63: {  	s16 =	sshrl.u32 s16, $0x3;
	s14 =	sadd.s32 s0, s12;
	[smem:$0x7E6] =	sst s1  }
0x64: {  	s13 =	sshrl.u32 s29, $0x3;
	s1 =	sadd.s32 s0, s16;
	[smem:$0x7EF] =	sst s14  }
0x65: {  	s15 =	sadd.s32 s0, s13;
	[smem:$0x7E8] =	sst s1  }
0x66: {  	s17 =	sshrl.u32 s17, $0x3;
	s12 =	smov.u32 s23;
	[smem:$0x7F0] =	sst s15  }
0x67: {  	s16 =	sshrl.u32 s22, $0x3;
	s22 =	sshrl.u32 s23, $0x3;
	s15 =	sld [smem:$0x7F9]  }
0x68: {  	s1 =	sadd.s32 s0, s17;
	s23 =	sadd.s32 s0, s22;
	s22 =	sld [smem:$0x7FD]  }
0x69: {  	s2 =	sadd.s32 $0xC98, s25;
	s17 =	sadd.s32 s0, s16;
	[smem:$0x7E9] =	sst s1  }
0x6a: {  	s2 =	simm.s32 @p0 $0x0;
	s11 =	sshrl.u32 s31, $0x3;
	[smem:$0x7F1] =	sst s17  }
0x6b: {  	s13 =	smov.u32 s26;
	s26 =	sshrl.u32 s24, $0x3;
	[smem:$0x7F4] =	sst s23  }
0x6c: {  	s9 =	sadd.s32 s0, s26;
	s1 =	sadd.s32 s0, s7;
	s7 =	sld [smem:$0x7F6]  }
0x6d: {  	s31 =	simm.s32 $0x400;
	s30 =	sadd.s32 $0x30CD, s0;
	[smem:$0x7F7] =	sst s9  }
0x6e: {  	s20 =	sshrl.u32 s19, $0x3;
	s26 =	sshrl.u32 s25, $0x3;
	s17 =	sld [smem:$0x7FA]  }
0x6f: {  	s28 =	sadd.s32 s0, s20;
	[smem:$0x7EB] =	sst s1;
	s1 =	sadd.s32 s0, s8  }
0x70: {  	s6 =	sshrl.u32 s21, $0x3;
	s20 =	simm.s32 $0x8000;
	[smem:$0x7EC] =	sst s1  }
0x71: {  	s1 =	sadd.s32 s0, s11;
	s11 =	smov.u32 s24;
	s9 =	smov.u32 s15  }
0x72: {  	s16 =	sshrl.u32 s15, $0x3;
	s23 =	smov.u32 s22;
	s24 =	sshrl.u32 s2, $0x3  }
0x73: {  	[smem:$0x7EE] =	sst s1;
	s10 =	smov.u32 s7;
	s8 =	sshrl.u32 s7, $0x3  }
0x74: {  	s18 =	sshrl.u32 s17, $0x3;
	s7 =	smov.u32 s19;
	s1 =	smov.u32 s21  }
0x75: {  	s19 =	smax.u32 s4, $0x1;
	s21 =	simm.s32 $0x18700;
	s4 =	simm.s32 $0x0  }
0x76: {  	s14 =	sadd.s32 s0, s8;
	s8 =	smov.u32 s17;
	s15 =	sadd.s32 s0, s18  }
0x77: {  	s17 =	sadd.s32 s0, s24;
	s18 =	sadd.s32 s0, s26;
	[smem:$0x7F8] =	sst s14  }
0x78: {  	s14 =	sadd.s32 s0, s16;
	s16 =	sadd.s32 s0, s6;
	s6 =	sshrl.u32 s22, $0x3  }
0x79: {  	vm0 =	vmmov $0xffff;
	v0 =	vimm.s32 $0x0;
	s22 =	simm.s32 $0x1BB00;
	s29 =	sadd.s32 s0, s6;
	s0 =	simm.s32 $0x1  }
.LBB2_2:
0x7a: {  	_ =	sdelay $0x2  }
0x7b: {  	s6 =	simm.s32 $0x0;
	s26 =	rddreg [dreg:$0x2];
	s24 =	simm.s32 $0x1EF00  }
0x7c: {  	[tilespmem:s24], [sflag:$0x1] =	stream.indirect_vreg.gather [hbm4b:s26+s6], $0x1, v0, vm0, $0xb8;
	[tilespmem:$0x1F180] =	vst v63  }
0x7d: {  	s24 =	rddreg [dreg:$0x15]  }
0x7e: {  	[tilespmem:s21], [sflag:$0x1] =	stream.strided.gather [hbm4b:s24+s31], $0x3400, s20, s31, $0x38;
	[tilespmem:$0x1F180] =	vst v63  }
0x7f: {  	_ = 	snop  }
0x80: {  	[tilespmem:s25], [sflag:$0x1] =	stream.linear.gather [hbm4b:s18+s6], $0xC98, $0x38;
	[tilespmem:$0x1F180] =	vst v63  }
0x81: {  	_ = 	snop  }
0x82: {  	[tilespmem:s2], [sflag:$0x1] =	stream.linear.gather [hbm4b:s17+s6], $0xC98, $0x38;
	[tilespmem:$0x1F180] =	vst v63  }
0x83: {  	_ = 	snop  }
0x84: {  	[tilespmem:s23], [sflag:$0x1] =	stream.linear.gather [hbm4b:s29+s6], $0xC98, $0x38;
	[tilespmem:$0x1F180] =	vst v63  }
0x85: {  	_ = 	snop  }
0x86: {  	[tilespmem:s1], [sflag:$0x1] =	stream.linear.gather [hbm4b:s16+s6], $0xC98, $0x38;
	[tilespmem:$0x1F180] =	vst v63  }
0x87: {  	_ = 	snop  }
0x88: {  	[tilespmem:s7], [sflag:$0x1] =	stream.linear.gather [hbm4b:s28+s6], $0xC98, $0x38;
	[tilespmem:$0x1F180] =	vst v63  }
0x89: {  	_ = 	snop  }
0x8a: {  	[tilespmem:s8], [sflag:$0x1] =	stream.linear.gather [hbm4b:s15+s6], $0xC98, $0x38;
	[tilespmem:$0x1F180] =	vst v63  }
0x8b: {  	s26 =	sld [smem:$0x7F8]  }
0x8c: {  	[tilespmem:s9], [sflag:$0x1] =	stream.linear.gather [hbm4b:s14+s6], $0xC98, $0x38;
	[tilespmem:$0x1F180] =	vst v63  }
0x8d: {  	_ = 	snop  }
0x8e: {  	[tilespmem:s10], [sflag:$0x1] =	stream.linear.gather [hbm4b:s26+s6], $0xC98, $0x38;
	[tilespmem:$0x1F180] =	vst v63  }
0x8f: {  	s26 =	sld [smem:$0x7F7];
	_ =	sdelay $0x2  }
0x90: {  	[tilespmem:s11], [sflag:$0x1] =	stream.linear.gather [hbm4b:s26+s6], $0xC98, $0x38;
	[tilespmem:$0x1F180] =	vst v63  }
0x91: {  	s26 =	sld [smem:$0x7F4];
	_ =	sdelay $0x2  }
0x92: {  	[tilespmem:s12], [sflag:$0x1] =	stream.linear.gather [hbm4b:s26+s6], $0xC98, $0x38;
	[tilespmem:$0x1F180] =	vst v63  }
0x93: {  	s26 =	sld [smem:$0x7F3];
	_ =	sdelay $0x2  }
0x94: {  	[tilespmem:s13], [sflag:$0x1] =	stream.linear.gather [hbm4b:s26+s6], $0xC98, $0x38;
	[tilespmem:$0x1F180] =	vst v63  }
0x95: {  	s26 =	sld [smem:$0x7F2];
	_ =	sdelay $0x1  }
0x96: {  	s24 =	rddreg [dreg:$0x1e]  }
0x97: {  	[tilespmem:s24], [sflag:$0x1] =	stream.linear.gather [hbm4b:s26+s6], $0xC98, $0x38;
	[tilespmem:$0x1F180] =	vst v63  }
0x98: {  	s24 =	sld [smem:$0x7F1];
	_ =	sdelay $0x1  }
0x99: {  	s26 =	rddreg [dreg:$0x5]  }
0x9a: {  	[tilespmem:s26], [sflag:$0x1] =	stream.linear.gather [hbm4b:s24+s6], $0xC98, $0x38;
	[tilespmem:$0x1F180] =	vst v63  }
0x9b: {  	s24 =	sld [smem:$0x7F0];
	_ =	sdelay $0x1  }
0x9c: {  	s26 =	rddreg [dreg:$0x6]  }
0x9d: {  	[tilespmem:s26], [sflag:$0x1] =	stream.linear.gather [hbm4b:s24+s6], $0xC98, $0x38;
	[tilespmem:$0x1F180] =	vst v63  }
0x9e: {  	s24 =	sld [smem:$0x7EF];
	_ =	sdelay $0x1  }
0x9f: {  	s26 =	rddreg [dreg:$0x7]  }
0xa0: {  	[tilespmem:s26], [sflag:$0x1] =	stream.linear.gather [hbm4b:s24+s6], $0xC98, $0x38;
	[tilespmem:$0x1F180] =	vst v63  }
0xa1: {  	s24 =	sld [smem:$0x7EE];
	_ =	sdelay $0x1  }
0xa2: {  	s26 =	rddreg [dreg:$0x8]  }
0xa3: {  	[tilespmem:s26], [sflag:$0x1] =	stream.linear.gather [hbm4b:s24+s6], $0xC98, $0x38;
	[tilespmem:$0x1F180] =	vst v63  }
0xa4: {  	s24 =	sld [smem:$0x7ED];
	_ =	sdelay $0x1  }
0xa5: {  	s26 =	rddreg [dreg:$0x9]  }
0xa6: {  	[tilespmem:s26], [sflag:$0x1] =	stream.linear.gather [hbm4b:s24+s6], $0xC98, $0x38;
	[tilespmem:$0x1F180] =	vst v63  }
0xa7: {  	s24 =	sld [smem:$0x7EC];
	_ =	sdelay $0x1  }
0xa8: {  	s26 =	rddreg [dreg:$0xa]  }
0xa9: {  	[tilespmem:s26], [sflag:$0x1] =	stream.linear.gather [hbm4b:s24+s6], $0xC98, $0x38;
	[tilespmem:$0x1F180] =	vst v63  }
0xaa: {  	s24 =	sld [smem:$0x7EB];
	_ =	sdelay $0x1  }
0xab: {  	s26 =	rddreg [dreg:$0xb]  }
0xac: {  	[tilespmem:s26], [sflag:$0x1] =	stream.linear.gather [hbm4b:s24+s6], $0xC98, $0x38;
	[tilespmem:$0x1F180] =	vst v63  }
0xad: {  	s24 =	sld [smem:$0x7EA];
	_ =	sdelay $0x1  }
0xae: {  	s26 =	rddreg [dreg:$0xc]  }
0xaf: {  	[tilespmem:s26], [sflag:$0x1] =	stream.linear.gather [hbm4b:s24+s6], $0xC98, $0x38;
	[tilespmem:$0x1F180] =	vst v63  }
0xb0: {  	s24 =	sld [smem:$0x7E9];
	_ =	sdelay $0x1  }
0xb1: {  	s26 =	rddreg [dreg:$0xd]  }
0xb2: {  	[tilespmem:s26], [sflag:$0x1] =	stream.linear.gather [hbm4b:s24+s6], $0xC98, $0x38;
	[tilespmem:$0x1F180] =	vst v63  }
0xb3: {  	s24 =	sld [smem:$0x7E8];
	_ =	sdelay $0x1  }
0xb4: {  	s26 =	rddreg [dreg:$0xe]  }
0xb5: {  	[tilespmem:s26], [sflag:$0x1] =	stream.linear.gather [hbm4b:s24+s6], $0xC98, $0x38;
	[tilespmem:$0x1F180] =	vst v63  }
0xb6: {  	s24 =	sld [smem:$0x7E7];
	_ =	sdelay $0x1  }
0xb7: {  	s26 =	rddreg [dreg:$0xf]  }
0xb8: {  	[tilespmem:s26], [sflag:$0x1] =	stream.linear.gather [hbm4b:s24+s6], $0xC98, $0x38;
	[tilespmem:$0x1F180] =	vst v63  }
0xb9: {  	s24 =	sld [smem:$0x7E6];
	_ =	sdelay $0x1  }
0xba: {  	s26 =	rddreg [dreg:$0x11]  }
0xbb: {  	[tilespmem:s26], [sflag:$0x1] =	stream.linear.gather [hbm4b:s24+s6], $0xC98, $0x38;
	[tilespmem:$0x1F180] =	vst v63  }
0xbc: {  	s24 =	sld [smem:$0x7E5];
	_ =	sdelay $0x1  }
0xbd: {  	s26 =	rddreg [dreg:$0x12]  }
0xbe: {  	[tilespmem:s26], [sflag:$0x1] =	stream.linear.gather [hbm4b:s24+s6], $0xC98, $0x38;
	[tilespmem:$0x1F180] =	vst v63  }
0xbf: {  	s24 =	sld [smem:$0x7E4];
	_ =	sdelay $0x1  }
0xc0: {  	s26 =	rddreg [dreg:$0x13]  }
0xc1: {  	[tilespmem:s26], [sflag:$0x1] =	stream.linear.gather [hbm4b:s24+s6], $0xC98, $0x38;
	[tilespmem:$0x1F180] =	vst v63  }
0xc2: {  	s24 =	sld [smem:$0x7E3];
	_ =	sdelay $0x1  }
0xc3: {  	s26 =	rddreg [dreg:$0x14]  }
0xc4: {  	[tilespmem:s26], [sflag:$0x1] =	stream.linear.gather [hbm4b:s24+s6], $0xC98, $0x38;
	[tilespmem:$0x1F180] =	vst v63  }
0xc5: {  	s24 =	sld [smem:$0x7E2];
	_ =	sdelay $0x1  }
0xc6: {  	s26 =	rddreg [dreg:$0x16]  }
0xc7: {  	[tilespmem:s26], [sflag:$0x1] =	stream.linear.gather [hbm4b:s24+s6], $0xC98, $0x38;
	[tilespmem:$0x1F180] =	vst v63  }
0xc8: {  	s26 =	rddreg [dreg:$0x17]  }
0xc9: {  	s24 =	rddreg [dreg:$0x1f]  }
0xca: {  	[tilespmem:s26], [sflag:$0x1] =	stream.linear.gather [hbm4b:s24+s6], $0xC98, $0x38;
	[tilespmem:$0x1F180] =	vst v63  }
0xcb: {  	s26 =	rddreg [dreg:$0x18]  }
0xcc: {  	s24 =	rddreg [dreg:$0x1d]  }
0xcd: {  	[tilespmem:s26], [sflag:$0x1] =	stream.linear.gather [hbm4b:s24+s6], $0xC98, $0x38;
	[tilespmem:$0x1F180] =	vst v63  }
0xce: {  	s24 =	rddreg [dreg:$0x1c]  }
0xcf: {  	[tilespmem:s5], [sflag:$0x1] =	stream.linear.gather [hbm4b:s24+s6], $0xC98, $0x38;
	[tilespmem:$0x1F180] =	vst v63  }
0xd0: {  	s26 =	simm.s32 $0x18668  }
0xd1: {  	[tilespmem:s26], [sflag:$0x1] =	stream.linear.gather [hbm4b:s30+s6], $0x38, $0x38;
	[tilespmem:$0x1F180] =	vst v63  }
0xd2: {  	_ =	swait.ge [sflag:s0], $0x10  }
0xd3: {  	[sflag:s0] =	ssyncset.done $0x0  }
0xd4: {  	[sflag:s0] =	ssyncadd.s32 $0xFFFFFFF0  }
0xd5: {  	_ =	swait.ge [sflag:s0], $0xC98  }
0xd6: {  	[sflag:s0] =	ssyncset.done $0x0  }
0xd7: {  	[sflag:s0] =	ssyncadd.s32 $0xFFFFF368  }
0xd8: {  	_ =	swait.ge [sflag:s0], $0xC98  }
0xd9: {  	[sflag:s0] =	ssyncset.done $0x0  }
0xda: {  	[sflag:s0] =	ssyncadd.s32 $0xFFFFF368  }
0xdb: {  	_ =	swait.ge [sflag:s0], $0xC98  }
0xdc: {  	[sflag:s0] =	ssyncset.done $0x0  }
0xdd: {  	[sflag:s0] =	ssyncadd.s32 $0xFFFFF368  }
0xde: {  	_ =	swait.ge [sflag:s0], $0xC98  }
0xdf: {  	[sflag:s0] =	ssyncset.done $0x0  }
0xe0: {  	[sflag:s0] =	ssyncadd.s32 $0xFFFFF368  }
0xe1: {  	_ =	swait.ge [sflag:s0], $0xC98  }
0xe2: {  	[sflag:s0] =	ssyncset.done $0x0  }
0xe3: {  	[sflag:s0] =	ssyncadd.s32 $0xFFFFF368  }
0xe4: {  	_ =	swait.ge [sflag:s0], $0xC98  }
0xe5: {  	[sflag:s0] =	ssyncset.done $0x0  }
0xe6: {  	[sflag:s0] =	ssyncadd.s32 $0xFFFFF368  }
0xe7: {  	_ =	swait.ge [sflag:s0], $0xC98  }
0xe8: {  	[sflag:s0] =	ssyncset.done $0x0  }
0xe9: {  	[sflag:s0] =	ssyncadd.s32 $0xFFFFF368  }
0xea: {  	_ =	swait.ge [sflag:s0], $0xC98  }
0xeb: {  	[sflag:s0] =	ssyncset.done $0x0  }
0xec: {  	[sflag:s0] =	ssyncadd.s32 $0xFFFFF368  }
0xed: {  	_ =	swait.ge [sflag:s0], $0xC98  }
0xee: {  	[sflag:s0] =	ssyncset.done $0x0  }
0xef: {  	[sflag:s0] =	ssyncadd.s32 $0xFFFFF368  }
0xf0: {  	_ =	swait.ge [sflag:s0], $0xC98  }
0xf1: {  	[sflag:s0] =	ssyncset.done $0x0  }
0xf2: {  	[sflag:s0] =	ssyncadd.s32 $0xFFFFF368  }
0xf3: {  	_ =	swait.ge [sflag:s0], $0xC98  }
0xf4: {  	[sflag:s0] =	ssyncset.done $0x0  }
0xf5: {  	[sflag:s0] =	ssyncadd.s32 $0xFFFFF368  }
0xf6: {  	_ =	swait.ge [sflag:s0], $0xC98  }
0xf7: {  	[sflag:s0] =	ssyncset.done $0x0  }
0xf8: {  	[sflag:s0] =	ssyncadd.s32 $0xFFFFF368  }
0xf9: {  	_ =	swait.ge [sflag:s0], $0xC98  }
0xfa: {  	[sflag:s0] =	ssyncset.done $0x0  }
0xfb: {  	[sflag:s0] =	ssyncadd.s32 $0xFFFFF368  }
0xfc: {  	_ =	swait.ge [sflag:s0], $0xC98  }
0xfd: {  	[sflag:s0] =	ssyncset.done $0x0  }
0xfe: {  	[sflag:s0] =	ssyncadd.s32 $0xFFFFF368  }
0xff: {  	_ =	swait.ge [sflag:s0], $0xC98  }
0x100: {  	[sflag:s0] =	ssyncset.done $0x0  }
0x101: {  	[sflag:s0] =	ssyncadd.s32 $0xFFFFF368  }
0x102: {  	_ =	swait.ge [sflag:s0], $0xC98  }
0x103: {  	[sflag:s0] =	ssyncset.done $0x0  }
0x104: {  	[sflag:s0] =	ssyncadd.s32 $0xFFFFF368  }
0x105: {  	_ =	swait.ge [sflag:s0], $0xC98  }
0x106: {  	[sflag:s0] =	ssyncset.done $0x0  }
0x107: {  	[sflag:s0] =	ssyncadd.s32 $0xFFFFF368  }
0x108: {  	_ =	swait.ge [sflag:s0], $0xC98  }
0x109: {  	[sflag:s0] =	ssyncset.done $0x0  }
0x10a: {  	[sflag:s0] =	ssyncadd.s32 $0xFFFFF368  }
0x10b: {  	_ =	swait.ge [sflag:s0], $0xC98  }
0x10c: {  	[sflag:s0] =	ssyncset.done $0x0  }
0x10d: {  	[sflag:s0] =	ssyncadd.s32 $0xFFFFF368  }
0x10e: {  	_ =	swait.ge [sflag:s0], $0xC98  }
0x10f: {  	[sflag:s0] =	ssyncset.done $0x0  }
0x110: {  	[sflag:s0] =	ssyncadd.s32 $0xFFFFF368  }
0x111: {  	_ =	swait.ge [sflag:s0], $0xC98  }
0x112: {  	[sflag:s0] =	ssyncset.done $0x0  }
0x113: {  	[sflag:s0] =	ssyncadd.s32 $0xFFFFF368  }
0x114: {  	_ =	swait.ge [sflag:s0], $0xC98  }
0x115: {  	[sflag:s0] =	ssyncset.done $0x0  }
0x116: {  	[sflag:s0] =	ssyncadd.s32 $0xFFFFF368  }
0x117: {  	_ =	swait.ge [sflag:s0], $0xC98  }
0x118: {  	[sflag:s0] =	ssyncset.done $0x0  }
0x119: {  	[sflag:s0] =	ssyncadd.s32 $0xFFFFF368  }
0x11a: {  	_ =	swait.ge [sflag:s0], $0xC98  }
0x11b: {  	[sflag:s0] =	ssyncset.done $0x0  }
0x11c: {  	[sflag:s0] =	ssyncadd.s32 $0xFFFFF368  }
0x11d: {  	_ =	swait.ge [sflag:s0], $0xC98  }
0x11e: {  	[sflag:s0] =	ssyncset.done $0x0  }
0x11f: {  	[sflag:s0] =	ssyncadd.s32 $0xFFFFF368  }
0x120: {  	_ =	swait.ge [sflag:s0], $0xC98  }
0x121: {  	[sflag:s0] =	ssyncset.done $0x0  }
0x122: {  	[sflag:s0] =	ssyncadd.s32 $0xFFFFF368  }
0x123: {  	_ =	swait.ge [sflag:s0], $0xC98  }
0x124: {  	[sflag:s0] =	ssyncset.done $0x0  }
0x125: {  	[sflag:s0] =	ssyncadd.s32 $0xFFFFF368  }
0x126: {  	_ =	swait.ge [sflag:s0], $0xC98  }
0x127: {  	[sflag:s0] =	ssyncset.done $0x0  }
0x128: {  	[sflag:s0] =	ssyncadd.s32 $0xFFFFF368  }
0x129: {  	_ =	swait.ge [sflag:s0], $0xC98  }
0x12a: {  	[sflag:s0] =	ssyncset.done $0x0  }
0x12b: {  	[sflag:s0] =	ssyncadd.s32 $0xFFFFF368  }
0x12c: {  	_ =	swait.ge [sflag:s0], $0xC98  }
0x12d: {  	[sflag:s0] =	ssyncset.done $0x0  }
0x12e: {  	[sflag:s0] =	ssyncadd.s32 $0xFFFFF368  }
0x12f: {  	_ =	swait.ge [sflag:s0], $0xC98  }
0x130: {  	[sflag:s0] =	ssyncset.done $0x0  }
0x131: {  	[sflag:s0] =	ssyncadd.s32 $0xFFFFF368  }
0x132: {  	_ =	swait.ge [sflag:s0], $0x38  }
0x133: {  	[sflag:s0] =	ssyncset.done $0x0  }
0x134: {  	[sflag:s0] =	ssyncadd.s32 $0xFFFFFFC8  }
0x135: {  	v1 =	vld [tilespmem:$0x1EF00];
	_ =	swait.ge [sflag:s0], $0x3400  }
0x136: {  	[sflag:s0] =	ssyncset.done $0x0  }
0x137: {  	s26 =	simm.s32 $0x0;
	s24 =	rddreg [dreg:$0x1a];
	[sflag:s0] =	ssyncadd.s32 $0xFFFFCC00  }
0x138: {  	[tilespmem:s22], [sflag:$0x1] =	stream.strided.gather [hbm4b:s24+s31], $0x3000, s20, s31, $0x38;
	[tilespmem:$0x1F180] =	vst v63  }
0x139: {  	v2 =	vld [tilespmem:s26+$0x18770]  }
0x13a: {  	v4 =	vld [tilespmem:s26+$0x18700]  }
0x13b: {  	v5 =	vld [tilespmem:s26+$0x18710]  }
0x13c: {  	v6 =	vld [tilespmem:s26+$0x18720]  }
0x13d: {  	v7 =	vld [tilespmem:s26+$0x18730]  }
0x13e: {  	v8 =	vld [tilespmem:s26+$0x18740]  }
0x13f: {  	v10 =	vld [tilespmem:s26+$0x18750]  }
0x140: {  	v11 =	vld [tilespmem:s26+$0x18760]  }
0x141: {  	v9 =	vld.idx.msk [tilespmem:v2+s3+$0x0], $0xffff  }
0x142: {  	v17 =	vld.idx.msk [tilespmem:v4+s3+$0x0], $0xffff  }
0x143: {  	v3 =	vimm.f32 $0.0e+00;
	vm7 =	veq.s32 v4, $0x0;
	vm6 =	veq.s32 v5, $0x0;
	v15 =	vld.idx.msk [tilespmem:v5+s3+$0x0], $0xffff  }
0x144: {  	vm4 =	veq.s32 v6, $0x0;
	vm5 =	veq.s32 v7, $0x0;
	vm3 =	veq.s32 v8, $0x0;
	v14 =	vld.idx.msk [tilespmem:v6+s3+$0x0], $0xffff  }
0x145: {  	vm2 =	veq.s32 v10, $0x0;
	vm1 =	veq.s32 v11, $0x0;
	vm8 =	veq.s32 v2, $0x0;
	v13 =	vld.idx.msk [tilespmem:v7+s3+$0x0], $0xffff  }
0x146: {  	v12 =	vld.idx.msk [tilespmem:v8+s3+$0x0], $0xffff;
	v8 =	vimm.f32 $0.0e+00;
	v5 =	vimm.f32 $0.0e+00;
	v6 =	vimm.f32 $0.0e+00  }
0x147: {  	v10 =	vld.idx.msk [tilespmem:v10+s3+$0x0], $0xffff;
	v7 =	vimm.f32 $0.0e+00;
	v4 =	vimm.f32 $0.0e+00;
	v16 =	vadd.f32 v9, v1  }
0x148: {  	s6 =	simm.s32 $0x400;
	s26 =	simm.s32 $0x80;
	v11 =	vld.idx.msk [tilespmem:v11+s3+$0x0], $0xffff;
	v2 =	vimm.f32 $0.0e+00;
	v17 =	vadd.f32 v17, v1;
	v9 =	vimm.f32 $0.0e+00  }
.LBB2_3:
0x149: {  	p0 =	sne.s32 s6, $0xCE00;
	v18 =	vld [tilespmem:s26+$0x18770];
	v15 =	vadd.f32 v15, v1;
	v16 =	vsel vm8, $0x0, v16  }
0x14a: {  	v14 =	vadd.f32 v14, v1;
	v19 =	vld [tilespmem:s26+$0x18700];
	v17 =	vsel vm7, $0x0, v17;
	v3 =	vadd.f32 v16, v3  }
0x14b: {  	v13 =	vadd.f32 v13, v1;
	v16 =	vld [tilespmem:s26+$0x18710];
	v9 =	vadd.f32 v17, v9;
	v15 =	vsel vm6, $0x0, v15  }
0x14c: {  	v14 =	vsel vm4, $0x0, v14;
	v12 =	vadd.f32 v12, v1;
	v17 =	vld [tilespmem:s26+$0x18720];
	v8 =	vadd.f32 v15, v8  }
0x14d: {  	v5 =	vadd.f32 v14, v5;
	v13 =	vsel vm5, $0x0, v13;
	v10 =	vadd.f32 v10, v1;
	v20 =	vld [tilespmem:s26+$0x18730]  }
0x14e: {  	v6 =	vadd.f32 v13, v6;
	v12 =	vsel vm3, $0x0, v12;
	v11 =	vadd.f32 v11, v1;
	v21 =	vld [tilespmem:s26+$0x18740]  }
0x14f: {  	v7 =	vadd.f32 v12, v7;
	v10 =	vsel vm2, $0x0, v10;
	vm7 =	veq.s32 v19, $0x0;
	v22 =	vld [tilespmem:s26+$0x18750]  }
0x150: {  	v4 =	vadd.f32 v10, v4;
	v10 =	vsel vm1, $0x0, v11;
	vm6 =	veq.s32 v16, $0x0;
	v23 =	vld [tilespmem:s26+$0x18760]  }
0x151: {  	v2 =	vadd.f32 v10, v2;
	vm4 =	veq.s32 v17, $0x0;
	v11 =	vld.idx.msk [tilespmem:v18+s3+$0x0], $0xffff  }
0x152: {  	v19 =	vld.idx.msk [tilespmem:v19+s3+$0x0], $0xffff;
	vm5 =	veq.s32 v20, $0x0  }
0x153: {  	v15 =	vld.idx.msk [tilespmem:v16+s3+$0x0], $0xffff;
	vm3 =	veq.s32 v21, $0x0  }
.Ltmp1:
0x154: {  	v14 =	vld.idx.msk [tilespmem:v17+s3+$0x0], $0xffff;
	vm2 =	veq.s32 v22, $0x0;
	(pc) =	sbr.rel @p0 .LBB2_3-.Ltmp1, $4  }
0x155: {  	v13 =	vld.idx.msk [tilespmem:v20+s3+$0x0], $0xffff;
	vm1 =	veq.s32 v23, $0x0  }
0x156: {  	v12 =	vld.idx.msk [tilespmem:v21+s3+$0x0], $0xffff  }
0x157: {  	v16 =	vadd.f32 v11, v1;
	v10 =	vld.idx.msk [tilespmem:v22+s3+$0x0], $0xffff  }
0x158: {  	vm8 =	veq.s32 v18, $0x0;
	s26 =	sshra.s32 s6, $0x2;
	s6 =	sadd.s32 $0x200, s6;
	v17 =	vadd.f32 v19, v1;
	v11 =	vld.idx.msk [tilespmem:v23+s3+$0x0], $0xffff  }
0x159: {  	v18 =	vld [tilespmem:s26+$0x18770]  }
0x15a: {  	v19 =	vld [tilespmem:s26+$0x18700]  }
0x15b: {  	v20 =	vld [tilespmem:s26+$0x18710]  }
0x15c: {  	v21 =	vld [tilespmem:s26+$0x18720]  }
0x15d: {  	v22 =	vld [tilespmem:s26+$0x18730]  }
0x15e: {  	v23 =	vld [tilespmem:s26+$0x18740]  }
0x15f: {  	v24 =	vld [tilespmem:s26+$0x18750]  }
0x160: {  	v25 =	vld [tilespmem:s26+$0x18760]  }
0x161: {  	v26 =	vld.idx.msk [tilespmem:v18+s3+$0x0], $0xffff  }
0x162: {  	v27 =	vld.idx.msk [tilespmem:v19+s3+$0x0], $0xffff  }
0x163: {  	v28 =	vld.idx.msk [tilespmem:v20+s3+$0x0], $0xffff  }
0x164: {  	v29 =	vld.idx.msk [tilespmem:v21+s3+$0x0], $0xffff  }
0x165: {  	v30 =	vld.idx.msk [tilespmem:v22+s3+$0x0], $0xffff  }
0x166: {  	v16 =	vsel vm8, $0x0, v16;
	v15 =	vadd.f32 v15, v1;
	v31 =	vld.idx.msk [tilespmem:v23+s3+$0x0], $0xffff  }
0x167: {  	v14 =	vadd.f32 v14, v1;
	v17 =	vsel vm7, $0x0, v17;
	v3 =	vadd.f32 v16, v3;
	v32 =	vld.idx.msk [tilespmem:v24+s3+$0x0], $0xffff  }
0x168: {  	v13 =	vadd.f32 v13, v1;
	v9 =	vadd.f32 v17, v9;
	v33 =	vld.idx.msk [tilespmem:v25+s3+$0x0], $0xffff;
	_ =	swait.ge [sflag:s0], $0x3000  }
0x169: {  	v15 =	vsel vm6, $0x0, v15;
	v12 =	vadd.f32 v12, v1;
	v14 =	vsel vm4, $0x0, v14;
	[sflag:s0] =	ssyncset.done $0x0  }
0x16a: {  	s26 =	simm.s32 $0x0;
	v8 =	vadd.f32 v15, v8;
	v13 =	vsel vm5, $0x0, v13;
	v10 =	vadd.f32 v10, v1;
	s6 =	rddreg [dreg:$0x19];
	[sflag:s0] =	ssyncadd.s32 $0xFFFFD000  }
0x16b: {  	v5 =	vadd.f32 v14, v5;
	v12 =	vsel vm3, $0x0, v12;
	v11 =	vadd.f32 v11, v1;
	[tilespmem:s21], [sflag:$0x1] =	stream.strided.gather [hbm4b:s6+s31], $0x3400, s20, s31, $0x38;
	[tilespmem:$0x1F180] =	vst v63  }
0x16c: {  	v6 =	vadd.f32 v13, v6;
	v7 =	vadd.f32 v12, v7;
	v10 =	vsel vm2, $0x0, v10;
	v34 =	vld [tilespmem:s26+$0x1BB70]  }
0x16d: {  	vm2 =	veq.s32 v19, $0x0;
	vm3 =	veq.s32 v20, $0x0;
	v11 =	vsel vm1, $0x0, v11;
	v12 =	vld [tilespmem:s26+$0x1BB00]  }
0x16e: {  	vm4 =	veq.s32 v23, $0x0;
	v4 =	vadd.f32 v10, v4;
	v14 =	vadd.f32 v11, v2;
	v17 =	vld [tilespmem:s26+$0x1BB10]  }
0x16f: {  	vm1 =	veq.s32 v18, $0x0;
	v18 =	vld [tilespmem:s26+$0x1BB20];
	v10 =	vadd.f32 v26, v1;
	v13 =	vadd.f32 v27, v1  }
0x170: {  	vm5 =	veq.s32 v25, $0x0;
	v19 =	vld [tilespmem:s26+$0x1BB50];
	v15 =	vadd.f32 v30, v1;
	v16 =	vadd.f32 v31, v1  }
0x171: {  	v61 =	vadd.f32 v32, v1;
	v62 =	vadd.f32 v33, v1;
	v11 =	vsel vm2, $0x0, v13;
	v13 =	vld [tilespmem:s26+$0x1BB30]  }
0x172: {  	v2 =	vsel vm1, $0x0, v10;
	v10 =	vadd.f32 v28, v1;
	v11 =	vadd.f32 v11, v9;
	v9 =	vld [tilespmem:s26+$0x1BB40]  }
0x173: {  	v59 =	vld [tilespmem:s26+$0x1BB60];
	vm2 =	veq.s32 v22, $0x0;
	v2 =	vadd.f32 v2, v3;
	v3 =	vadd.f32 v29, v1  }
0x174: {  	vm1 =	veq.s32 v21, $0x0;
	v15 =	vsel vm2, $0x0, v15;
	v10 =	vsel vm3, $0x0, v10;
	v60 =	vld.idx.msk [tilespmem:v34+s3+$0x0], $0xffff  }
0x175: {  	vm3 =	veq.s32 v24, $0x0;
	v6 =	vadd.f32 v15, v6;
	v3 =	vsel vm1, $0x0, v3;
	v63 =	vld.idx.msk [tilespmem:v12+s3+$0x0], $0xffff  }
0x176: {  	v10 =	vadd.f32 v10, v8;
	v8 =	vadd.f32 v3, v5;
	v3 =	vsel vm4, $0x0, v16;
	v16 =	vld.idx.msk [tilespmem:v17+s3+$0x0], $0xffff  }
0x177: {  	vm8 =	veq.s32 v12, $0x0;
	vm7 =	veq.s32 v17, $0x0;
	vm6 =	veq.s32 v18, $0x0;
	v15 =	vld.idx.msk [tilespmem:v18+s3+$0x0], $0xffff  }
0x178: {  	v5 =	vadd.f32 v3, v7;
	v3 =	vsel vm3, $0x0, v61;
	v7 =	vsel vm5, $0x0, v62;
	v12 =	vld.idx.msk [tilespmem:v19+s3+$0x0], $0xffff  }
0x179: {  	vm2 =	veq.s32 v19, $0x0;
	v4 =	vadd.f32 v3, v4;
	v3 =	vadd.f32 v7, v14;
	v14 =	vld.idx.msk [tilespmem:v13+s3+$0x0], $0xffff  }
0x17a: {  	vm1 =	veq.s32 v59, $0x0;
	vm5 =	veq.s32 v13, $0x0;
	v13 =	vld.idx.msk [tilespmem:v9+s3+$0x0], $0xffff;
	v7 =	vadd.f32 v60, v1  }
0x17b: {  	s6 =	simm.s32 $0x80;
	s26 =	simm.s32 $0x400;
	vm4 =	veq.s32 v34, $0x0;
	vm3 =	veq.s32 v9, $0x0;
	v9 =	vld.idx.msk [tilespmem:v59+s3+$0x0], $0xffff;
	v17 =	vadd.f32 v63, v1  }
.LBB2_5:
0x17c: {  	p0 =	sne.s32 s26, $0xBE00;
	v18 =	vld [tilespmem:s6+$0x1BB70];
	v16 =	vadd.f32 v16, v1;
	v7 =	vsel vm4, $0x0, v7  }
0x17d: {  	v15 =	vadd.f32 v15, v1;
	v19 =	vld [tilespmem:s6+$0x1BB00];
	v17 =	vsel vm8, $0x0, v17;
	v2 =	vadd.f32 v7, v2  }
0x17e: {  	v14 =	vadd.f32 v14, v1;
	v7 =	vld [tilespmem:s6+$0x1BB10];
	v11 =	vadd.f32 v17, v11;
	v16 =	vsel vm7, $0x0, v16  }
0x17f: {  	v15 =	vsel vm6, $0x0, v15;
	v13 =	vadd.f32 v13, v1;
	v17 =	vld [tilespmem:s6+$0x1BB20];
	v10 =	vadd.f32 v16, v10  }
0x180: {  	v8 =	vadd.f32 v15, v8;
	v14 =	vsel vm5, $0x0, v14;
	v12 =	vadd.f32 v12, v1;
	v20 =	vld [tilespmem:s6+$0x1BB30]  }
0x181: {  	v6 =	vadd.f32 v14, v6;
	v13 =	vsel vm3, $0x0, v13;
	v9 =	vadd.f32 v9, v1;
	v21 =	vld [tilespmem:s6+$0x1BB40]  }
0x182: {  	v5 =	vadd.f32 v13, v5;
	v12 =	vsel vm2, $0x0, v12;
	vm8 =	veq.s32 v19, $0x0;
	v22 =	vld [tilespmem:s6+$0x1BB50]  }
0x183: {  	v4 =	vadd.f32 v12, v4;
	v9 =	vsel vm1, $0x0, v9;
	vm7 =	veq.s32 v7, $0x0;
	v23 =	vld [tilespmem:s6+$0x1BB60]  }
0x184: {  	v3 =	vadd.f32 v9, v3;
	vm6 =	veq.s32 v17, $0x0;
	v24 =	vld.idx.msk [tilespmem:v18+s3+$0x0], $0xffff  }
0x185: {  	v9 =	vld.idx.msk [tilespmem:v19+s3+$0x0], $0xffff;
	vm5 =	veq.s32 v20, $0x0  }
0x186: {  	v16 =	vld.idx.msk [tilespmem:v7+s3+$0x0], $0xffff;
	vm3 =	veq.s32 v21, $0x0  }
.Ltmp2:
0x187: {  	v15 =	vld.idx.msk [tilespmem:v17+s3+$0x0], $0xffff;
	vm2 =	veq.s32 v22, $0x0;
	(pc) =	sbr.rel @p0 .LBB2_5-.Ltmp2, $4  }
0x188: {  	v14 =	vld.idx.msk [tilespmem:v20+s3+$0x0], $0xffff;
	vm1 =	veq.s32 v23, $0x0  }
0x189: {  	v13 =	vld.idx.msk [tilespmem:v21+s3+$0x0], $0xffff  }
0x18a: {  	v7 =	vadd.f32 v24, v1;
	v12 =	vld.idx.msk [tilespmem:v22+s3+$0x0], $0xffff  }
0x18b: {  	vm4 =	veq.s32 v18, $0x0;
	s6 =	sshra.s32 s26, $0x2;
	s26 =	sadd.s32 $0x200, s26;
	v17 =	vadd.f32 v9, v1;
	v9 =	vld.idx.msk [tilespmem:v23+s3+$0x0], $0xffff  }
0x18c: {  	v18 =	vld [tilespmem:s6+$0x1BB00];
	_ =	sdelay $0x7  }
0x18d: {  	v19 =	vld.idx.msk [tilespmem:v18+s3+$0x0], $0xffff;
	_ =	sdelay $0x4  }
0x18e: {  	v20 =	vld [tilespmem:s6+$0x1BB10];
	v17 =	vsel vm8, $0x0, v17;
	v19 =	vadd.f32 v19, v1  }
0x18f: {  	v11 =	vadd.f32 v17, v11;
	vm8 =	veq.s32 v18, $0x0  }
0x190: {  	v17 =	vsel vm8, $0x0, v19  }
0x191: {  	v11 =	vadd.f32 v17, v11;
	_ =	sdelay $0x1  }
0x192: {  	v11 =	vsub.f32 $0.0e+00, v11;
	_ =	sdelay $0x1  }
0x193: {  	v11 =	vmul.f32 $1.442695020e+00, v11  }
0x194: {  	v17 =	vld.idx.msk [tilespmem:v20+s3+$0x0], $0xffff  }
0x195: {  	(erf) = vpow2.f32 v11;
	_ =	sdelay $0x1  }
0x196: {  	v11 =	vadd.f32 v16, v1  }
0x197: {  	v16 =	vld [tilespmem:s6+$0x1BB20]  }
0x198: {  	v17 =	vadd.f32 v17, v1;
	v11 =	vsel vm7, $0x0, v11  }
0x199: {  	vm7 =	veq.s32 v20, $0x0;
	v10 =	vadd.f32 v11, v10  }
0x19a: {  	v11 =	vsel vm7, $0x0, v17  }
0x19b: {  	v10 =	vadd.f32 v11, v10;
	_ =	sdelay $0x1  }
0x19c: {  	v10 =	vsub.f32 $0.0e+00, v10;
	v11 =	vpop (erf)  }
0x19d: {  	v11 =	vadd.f32 $1.000000000e+00, v11  }
0x19e: {  	v17 =	vld.idx.msk [tilespmem:v16+s3+$0x0], $0xffff;
	v10 =	vmul.f32 $1.442695020e+00, v10  }
0x19f: {  	(erf) = vrcp.f32 v11  }
0x1a0: {  	(erf) = vpow2.f32 v10;
	_ =	sdelay $0x1  }
0x1a1: {  	v10 =	vadd.f32 v15, v1  }
0x1a2: {  	v11 =	vld [tilespmem:s6+$0x1BB30];
	v15 =	vadd.f32 v17, v1  }
0x1a3: {  	v10 =	vsel vm6, $0x0, v10;
	vm6 =	veq.s32 v16, $0x0  }
0x1a4: {  	v8 =	vadd.f32 v10, v8;
	v10 =	vsel vm6, $0x0, v15;
	_ =	sdelay $0x1  }
0x1a5: {  	v8 =	vadd.f32 v10, v8  }
0x1a6: {  	v10 =	vpop (erf)  }
0x1a7: {  	v8 =	vsub.f32 $0.0e+00, v8;
	v15 =	vpop (erf)  }
0x1a8: {  	v15 =	vadd.f32 $1.000000000e+00, v15  }
0x1a9: {  	v16 =	vld.idx.msk [tilespmem:v11+s3+$0x0], $0xffff;
	v8 =	vmul.f32 $1.442695020e+00, v8  }
0x1aa: {  	(erf) = vrcp.f32 v15  }
0x1ab: {  	(erf) = vpow2.f32 v8;
	_ =	sdelay $0x1  }
0x1ac: {  	v8 =	vadd.f32 v14, v1  }
0x1ad: {  	v15 =	vadd.f32 v16, v1;
	v14 =	vld [tilespmem:s6+$0x1BB40]  }
0x1ae: {  	v8 =	vsel vm5, $0x0, v8;
	vm5 =	veq.s32 v11, $0x0  }
0x1af: {  	v6 =	vadd.f32 v8, v6;
	v8 =	vsel vm5, $0x0, v15;
	_ =	sdelay $0x1  }
0x1b0: {  	v6 =	vadd.f32 v8, v6  }
0x1b1: {  	v8 =	vpop (erf)  }
0x1b2: {  	v6 =	vsub.f32 $0.0e+00, v6;
	v11 =	vpop (erf)  }
0x1b3: {  	v11 =	vadd.f32 $1.000000000e+00, v11  }
0x1b4: {  	v15 =	vld.idx.msk [tilespmem:v14+s3+$0x0], $0xffff;
	v6 =	vmul.f32 $1.442695020e+00, v6  }
0x1b5: {  	(erf) = vrcp.f32 v11  }
0x1b6: {  	(erf) = vpow2.f32 v6;
	_ =	sdelay $0x1  }
0x1b7: {  	v6 =	vadd.f32 v13, v1  }
0x1b8: {  	v11 =	vld [tilespmem:s6+$0x1BB50];
	v13 =	vadd.f32 v15, v1  }
0x1b9: {  	v6 =	vsel vm3, $0x0, v6;
	vm3 =	veq.s32 v14, $0x0  }
0x1ba: {  	v5 =	vadd.f32 v6, v5;
	v6 =	vsel vm3, $0x0, v13;
	_ =	sdelay $0x1  }
0x1bb: {  	v5 =	vadd.f32 v6, v5  }
0x1bc: {  	v6 =	vpop (erf)  }
0x1bd: {  	v5 =	vsub.f32 $0.0e+00, v5;
	v13 =	vpop (erf)  }
0x1be: {  	v13 =	vadd.f32 $1.000000000e+00, v13  }
0x1bf: {  	v14 =	vld.idx.msk [tilespmem:v11+s3+$0x0], $0xffff;
	v5 =	vmul.f32 $1.442695020e+00, v5  }
0x1c0: {  	(erf) = vrcp.f32 v13  }
0x1c1: {  	(erf) = vpow2.f32 v5;
	_ =	sdelay $0x1  }
0x1c2: {  	v5 =	vadd.f32 v12, v1  }
0x1c3: {  	v13 =	vadd.f32 v14, v1;
	v12 =	vld [tilespmem:s6+$0x1BB60]  }
0x1c4: {  	v5 =	vsel vm2, $0x0, v5;
	vm2 =	veq.s32 v11, $0x0  }
0x1c5: {  	v4 =	vadd.f32 v5, v4;
	v5 =	vsel vm2, $0x0, v13;
	_ =	sdelay $0x1  }
0x1c6: {  	v4 =	vadd.f32 v5, v4  }
0x1c7: {  	v5 =	vpop (erf)  }
0x1c8: {  	v4 =	vsub.f32 $0.0e+00, v4;
	v11 =	vpop (erf)  }
0x1c9: {  	v11 =	vadd.f32 $1.000000000e+00, v11  }
0x1ca: {  	v13 =	vld.idx.msk [tilespmem:v12+s3+$0x0], $0xffff;
	v4 =	vmul.f32 $1.442695020e+00, v4  }
0x1cb: {  	(erf) = vrcp.f32 v11  }
0x1cc: {  	(erf) = vpow2.f32 v4;
	_ =	sdelay $0x1  }
0x1cd: {  	v4 =	vadd.f32 v9, v1  }
0x1ce: {  	v9 =	vld [tilespmem:s6+$0x1BB70];
	v11 =	vadd.f32 v13, v1  }
0x1cf: {  	v4 =	vsel vm1, $0x0, v4;
	vm1 =	veq.s32 v12, $0x0  }
0x1d0: {  	v3 =	vadd.f32 v4, v3;
	v4 =	vsel vm1, $0x0, v11;
	_ =	sdelay $0x1  }
0x1d1: {  	v3 =	vadd.f32 v4, v3  }
0x1d2: {  	v4 =	vpop (erf)  }
0x1d3: {  	v3 =	vsub.f32 $0.0e+00, v3;
	v11 =	vpop (erf)  }
0x1d4: {  	v11 =	vadd.f32 $1.000000000e+00, v11  }
0x1d5: {  	v12 =	vld.idx.msk [tilespmem:v9+s3+$0x0], $0xffff;
	v3 =	vmul.f32 $1.442695020e+00, v3  }
0x1d6: {  	(erf) = vrcp.f32 v11  }
0x1d7: {  	(erf) = vpow2.f32 v3;
	_ =	sdelay $0x2  }
0x1d8: {  	v3 =	vsel vm4, $0x0, v7;
	v7 =	vadd.f32 v12, v1  }
0x1d9: {  	vm1 =	veq.s32 v9, $0x0  }
0x1da: {  	v2 =	vadd.f32 v3, v2;
	v3 =	vsel vm1, $0x0, v7;
	_ =	sdelay $0x1  }
0x1db: {  	v2 =	vadd.f32 v3, v2  }
0x1dc: {  	v3 =	vpop (erf)  }
0x1dd: {  	v2 =	vsub.f32 $0.0e+00, v2;
	v7 =	vpop (erf)  }
0x1de: {  	v7 =	vadd.f32 $1.000000000e+00, v7  }
0x1df: {  	v2 =	vmul.f32 $1.442695020e+00, v2  }
0x1e0: {  	(erf) = vrcp.f32 v7  }
0x1e1: {  	(erf) = vpow2.f32 v2;
	_ =	sdelay $0x7  }
0x1e2: {  	v2 =	vpop (erf)  }
0x1e3: {  	[tilespmem:$0x1EF80] =	vst v10;
	v9 =	vpop (erf)  }
0x1e4: {  	[tilespmem:$0x1EF90] =	vst v8;
	v9 =	vadd.f32 $1.000000000e+00, v9  }
0x1e5: {  	[tilespmem:$0x1EFA0] =	vst v6;
	v7 =	vsub.f32 $1.000000000e+00, v10  }
0x1e6: {  	[tilespmem:$0x1EFB0] =	vst v5;
	(erf) = vrcp.f32 v9  }
0x1e7: {  	[tilespmem:$0x1F000] =	vst v7;
	v7 =	vsub.f32 $1.000000000e+00, v8  }
0x1e8: {  	[tilespmem:$0x1EFC0] =	vst v4  }
0x1e9: {  	[tilespmem:$0x1F010] =	vst v7;
	v7 =	vsub.f32 $1.000000000e+00, v6  }
0x1ea: {  	[tilespmem:$0x1EFD0] =	vst v3;
	v6 =	vsub.f32 $1.000000000e+00, v5  }
0x1eb: {  	v5 =	vsub.f32 $1.000000000e+00, v4;
	[tilespmem:$0x1F020] =	vst v7  }
0x1ec: {  	v4 =	vsub.f32 $1.000000000e+00, v3;
	[tilespmem:$0x1F030] =	vst v6  }
0x1ed: {  	[tilespmem:$0x1F040] =	vst v5  }
0x1ee: {  	[tilespmem:$0x1F050] =	vst v4;
	v3 =	vsub.f32 $1.000000000e+00, v2  }
0x1ef: {  	[tilespmem:$0x1EFE0] =	vst v2;
	v2 =	vpop (erf)  }
0x1f0: {  	[tilespmem:$0x1F060] =	vst v3;
	v3 =	vsub.f32 $1.000000000e+00, v2  }
0x1f1: {  	[tilespmem:$0x1EFF0] =	vst v2  }
0x1f2: {  	[tilespmem:$0x1F070] =	vst v3  }
0x1f3: {  	_ =	swait.ge [sflag:s0], $0x3400  }
0x1f4: {  	[sflag:s0] =	ssyncset.done $0x0  }
0x1f5: {  	s26 =	simm.s32 $0x0;
	s24 =	rddreg [dreg:$0x1b];
	[sflag:s0] =	ssyncadd.s32 $0xFFFFCC00  }
0x1f6: {  	[tilespmem:s22], [sflag:$0x1] =	stream.strided.gather [hbm4b:s24+s31], $0x3000, s20, s31, $0x38;
	[tilespmem:$0x1F180] =	vst v63  }
0x1f7: {  	v2 =	vld [tilespmem:s26+$0x18770]  }
0x1f8: {  	v4 =	vld [tilespmem:s26+$0x18700]  }
0x1f9: {  	v5 =	vld [tilespmem:s26+$0x18710]  }
0x1fa: {  	v6 =	vld [tilespmem:s26+$0x18720]  }
0x1fb: {  	v7 =	vld [tilespmem:s26+$0x18730]  }
0x1fc: {  	v8 =	vld [tilespmem:s26+$0x18740]  }
0x1fd: {  	v10 =	vld [tilespmem:s26+$0x18750]  }
0x1fe: {  	v18 =	vld [tilespmem:s26+$0x18760]  }
0x1ff: {  	v9 =	vld.idx.msk [tilespmem:v2+s3+$0x0], $0xffff  }
0x200: {  	v11 =	vld.idx.msk [tilespmem:v4+s3+$0x0], $0xffff  }
0x201: {  	v3 =	vimm.f32 $0.0e+00;
	vm7 =	veq.s32 v4, $0x0;
	vm6 =	veq.s32 v5, $0x0;
	v15 =	vld.idx.msk [tilespmem:v5+s3+$0x0], $0xffff  }
0x202: {  	vm4 =	veq.s32 v6, $0x0;
	vm5 =	veq.s32 v7, $0x0;
	vm3 =	veq.s32 v8, $0x0;
	v14 =	vld.idx.msk [tilespmem:v6+s3+$0x0], $0xffff  }
0x203: {  	vm2 =	veq.s32 v10, $0x0;
	vm1 =	veq.s32 v18, $0x0;
	vm8 =	veq.s32 v2, $0x0;
	v13 =	vld.idx.msk [tilespmem:v7+s3+$0x0], $0xffff  }
0x204: {  	v12 =	vld.idx.msk [tilespmem:v8+s3+$0x0], $0xffff;
	v8 =	vimm.f32 $0.0e+00;
	v5 =	vimm.f32 $0.0e+00;
	v6 =	vimm.f32 $0.0e+00  }
0x205: {  	v7 =	vimm.f32 $0.0e+00;
	v16 =	vadd.f32 v9, v1;
	v17 =	vadd.f32 v11, v1;
	v11 =	vld.idx.msk [tilespmem:v10+s3+$0x0], $0xffff  }
0x206: {  	s6 =	simm.s32 $0x400;
	s26 =	simm.s32 $0x80;
	v4 =	vimm.f32 $0.0e+00;
	v2 =	vimm.f32 $0.0e+00;
	v9 =	vimm.f32 $0.0e+00;
	v10 =	vld.idx.msk [tilespmem:v18+s3+$0x0], $0xffff  }
.LBB2_7:
0x207: {  	p0 =	sne.s32 s6, $0xCE00;
	v18 =	vld [tilespmem:s26+$0x18770];
	v15 =	vadd.f32 v15, v1;
	v16 =	vsel vm8, $0x0, v16  }
0x208: {  	v14 =	vadd.f32 v14, v1;
	v19 =	vld [tilespmem:s26+$0x18700];
	v17 =	vsel vm7, $0x0, v17;
	v3 =	vadd.f32 v16, v3  }
0x209: {  	v13 =	vadd.f32 v13, v1;
	v16 =	vld [tilespmem:s26+$0x18710];
	v9 =	vadd.f32 v17, v9;
	v15 =	vsel vm6, $0x0, v15  }
0x20a: {  	v14 =	vsel vm4, $0x0, v14;
	v12 =	vadd.f32 v12, v1;
	v17 =	vld [tilespmem:s26+$0x18720];
	v8 =	vadd.f32 v15, v8  }
0x20b: {  	v5 =	vadd.f32 v14, v5;
	v13 =	vsel vm5, $0x0, v13;
	v11 =	vadd.f32 v11, v1;
	v20 =	vld [tilespmem:s26+$0x18730]  }
0x20c: {  	v6 =	vadd.f32 v13, v6;
	v12 =	vsel vm3, $0x0, v12;
	v10 =	vadd.f32 v10, v1;
	v21 =	vld [tilespmem:s26+$0x18740]  }
0x20d: {  	v7 =	vadd.f32 v12, v7;
	v11 =	vsel vm2, $0x0, v11;
	vm7 =	veq.s32 v19, $0x0;
	v22 =	vld [tilespmem:s26+$0x18750]  }
0x20e: {  	v4 =	vadd.f32 v11, v4;
	v10 =	vsel vm1, $0x0, v10;
	vm6 =	veq.s32 v16, $0x0;
	v23 =	vld [tilespmem:s26+$0x18760]  }
0x20f: {  	v2 =	vadd.f32 v10, v2;
	vm4 =	veq.s32 v17, $0x0;
	v24 =	vld.idx.msk [tilespmem:v18+s3+$0x0], $0xffff  }
0x210: {  	v10 =	vld.idx.msk [tilespmem:v19+s3+$0x0], $0xffff;
	vm5 =	veq.s32 v20, $0x0  }
0x211: {  	v15 =	vld.idx.msk [tilespmem:v16+s3+$0x0], $0xffff;
	vm3 =	veq.s32 v21, $0x0  }
.Ltmp3:
0x212: {  	v14 =	vld.idx.msk [tilespmem:v17+s3+$0x0], $0xffff;
	vm2 =	veq.s32 v22, $0x0;
	(pc) =	sbr.rel @p0 .LBB2_7-.Ltmp3, $4  }
0x213: {  	v13 =	vld.idx.msk [tilespmem:v20+s3+$0x0], $0xffff;
	vm1 =	veq.s32 v23, $0x0  }
0x214: {  	v12 =	vld.idx.msk [tilespmem:v21+s3+$0x0], $0xffff  }
0x215: {  	v16 =	vadd.f32 v24, v1;
	v11 =	vld.idx.msk [tilespmem:v22+s3+$0x0], $0xffff  }
0x216: {  	vm8 =	veq.s32 v18, $0x0;
	s26 =	sshra.s32 s6, $0x2;
	s6 =	sadd.s32 $0x200, s6;
	v17 =	vadd.f32 v10, v1;
	v10 =	vld.idx.msk [tilespmem:v23+s3+$0x0], $0xffff  }
0x217: {  	v18 =	vld [tilespmem:s26+$0x18770]  }
0x218: {  	v19 =	vld [tilespmem:s26+$0x18700]  }
0x219: {  	v20 =	vld [tilespmem:s26+$0x18710]  }
0x21a: {  	v21 =	vld [tilespmem:s26+$0x18720]  }
0x21b: {  	v22 =	vld [tilespmem:s26+$0x18730]  }
0x21c: {  	v23 =	vld [tilespmem:s26+$0x18740]  }
0x21d: {  	v24 =	vld [tilespmem:s26+$0x18750]  }
0x21e: {  	v25 =	vld [tilespmem:s26+$0x18760]  }
0x21f: {  	v26 =	vld.idx.msk [tilespmem:v18+s3+$0x0], $0xffff  }
0x220: {  	v27 =	vld.idx.msk [tilespmem:v19+s3+$0x0], $0xffff  }
0x221: {  	v28 =	vld.idx.msk [tilespmem:v20+s3+$0x0], $0xffff  }
0x222: {  	v29 =	vld.idx.msk [tilespmem:v21+s3+$0x0], $0xffff  }
0x223: {  	v16 =	vsel vm8, $0x0, v16;
	v15 =	vadd.f32 v15, v1;
	v30 =	vld.idx.msk [tilespmem:v22+s3+$0x0], $0xffff  }
0x224: {  	v14 =	vadd.f32 v14, v1;
	v17 =	vsel vm7, $0x0, v17;
	v3 =	vadd.f32 v16, v3;
	v31 =	vld.idx.msk [tilespmem:v23+s3+$0x0], $0xffff  }
0x225: {  	v13 =	vadd.f32 v13, v1;
	v9 =	vadd.f32 v17, v9;
	v16 =	vld.idx.msk [tilespmem:v24+s3+$0x0], $0xffff  }
0x226: {  	v15 =	vsel vm6, $0x0, v15;
	v12 =	vadd.f32 v12, v1;
	v14 =	vsel vm4, $0x0, v14;
	v17 =	vld.idx.msk [tilespmem:v25+s3+$0x0], $0xffff;
	_ =	swait.ge [sflag:s0], $0x3000  }
0x227: {  	v8 =	vadd.f32 v15, v8;
	v13 =	vsel vm5, $0x0, v13;
	v11 =	vadd.f32 v11, v1;
	[sflag:s0] =	ssyncset.done $0x0  }
0x228: {  	s6 =	simm.s32 $0x0;
	v5 =	vadd.f32 v14, v5;
	v12 =	vsel vm3, $0x0, v12;
	v10 =	vadd.f32 v10, v1;
	[sflag:s0] =	ssyncadd.s32 $0xFFFFD000  }
0x229: {  	v6 =	vadd.f32 v13, v6;
	v7 =	vadd.f32 v12, v7;
	v11 =	vsel vm2, $0x0, v11;
	v32 =	vld [tilespmem:s6+$0x1BB70]  }
0x22a: {  	vm2 =	veq.s32 v19, $0x0;
	v4 =	vadd.f32 v11, v4;
	v10 =	vsel vm1, $0x0, v10;
	v12 =	vld [tilespmem:s6+$0x1BB00]  }
0x22b: {  	vm1 =	veq.s32 v18, $0x0;
	v14 =	vadd.f32 v10, v2;
	v18 =	vld [tilespmem:s6+$0x1BB10];
	v11 =	vadd.f32 v26, v1  }
0x22c: {  	vm3 =	veq.s32 v20, $0x0;
	v19 =	vld [tilespmem:s6+$0x1BB20];
	v13 =	vadd.f32 v27, v1;
	v10 =	vadd.f32 v28, v1  }
0x22d: {  	vm4 =	veq.s32 v23, $0x0;
	v58 =	vld [tilespmem:s6+$0x1BB50];
	v15 =	vadd.f32 v30, v1;
	v60 =	vadd.f32 v31, v1  }
0x22e: {  	v62 =	vadd.f32 v16, v1;
	v2 =	vsel vm1, $0x0, v11;
	v11 =	vsel vm2, $0x0, v13;
	v13 =	vld [tilespmem:s6+$0x1BB30]  }
0x22f: {  	vm5 =	veq.s32 v25, $0x0;
	v17 =	vadd.f32 v17, v1;
	v11 =	vadd.f32 v11, v9;
	v9 =	vld [tilespmem:s6+$0x1BB40]  }
0x230: {  	v59 =	vld [tilespmem:s6+$0x1BB60];
	vm1 =	veq.s32 v21, $0x0;
	vm2 =	veq.s32 v22, $0x0;
	v10 =	vsel vm3, $0x0, v10  }
0x231: {  	vm3 =	veq.s32 v24, $0x0;
	v2 =	vadd.f32 v2, v3;
	v3 =	vadd.f32 v29, v1;
	v61 =	vld.idx.msk [tilespmem:v32+s3+$0x0], $0xffff  }
0x232: {  	v10 =	vadd.f32 v10, v8;
	v15 =	vsel vm2, $0x0, v15;
	vm8 =	veq.s32 v12, $0x0;
	v63 =	vld.idx.msk [tilespmem:v12+s3+$0x0], $0xffff  }
0x233: {  	vm7 =	veq.s32 v18, $0x0;
	vm6 =	veq.s32 v19, $0x0;
	v3 =	vsel vm1, $0x0, v3;
	v16 =	vld.idx.msk [tilespmem:v18+s3+$0x0], $0xffff  }
0x234: {  	v6 =	vadd.f32 v15, v6;
	v8 =	vadd.f32 v3, v5;
	v3 =	vsel vm4, $0x0, v60;
	v15 =	vld.idx.msk [tilespmem:v19+s3+$0x0], $0xffff  }
0x235: {  	v12 =	vld.idx.msk [tilespmem:v58+s3+$0x0], $0xffff;
	v5 =	vadd.f32 v3, v7;
	v3 =	vsel vm3, $0x0, v62;
	v7 =	vsel vm5, $0x0, v17  }
0x236: {  	vm2 =	veq.s32 v58, $0x0;
	v4 =	vadd.f32 v3, v4;
	v3 =	vadd.f32 v7, v14;
	v14 =	vld.idx.msk [tilespmem:v13+s3+$0x0], $0xffff  }
0x237: {  	vm1 =	veq.s32 v59, $0x0;
	vm5 =	veq.s32 v13, $0x0;
	v13 =	vld.idx.msk [tilespmem:v9+s3+$0x0], $0xffff;
	v7 =	vadd.f32 v61, v1  }
0x238: {  	s26 =	simm.s32 $0x400;
	s6 =	simm.s32 $0x80;
	vm4 =	veq.s32 v32, $0x0;
	vm3 =	veq.s32 v9, $0x0;
	v17 =	vadd.f32 v63, v1;
	v9 =	vld.idx.msk [tilespmem:v59+s3+$0x0], $0xffff  }
.LBB2_9:
0x239: {  	p0 =	sne.s32 s26, $0xBE00;
	v18 =	vld [tilespmem:s6+$0x1BB70];
	v16 =	vadd.f32 v16, v1;
	v7 =	vsel vm4, $0x0, v7  }
0x23a: {  	v15 =	vadd.f32 v15, v1;
	v19 =	vld [tilespmem:s6+$0x1BB00];
	v17 =	vsel vm8, $0x0, v17;
	v2 =	vadd.f32 v7, v2  }
0x23b: {  	v14 =	vadd.f32 v14, v1;
	v7 =	vld [tilespmem:s6+$0x1BB10];
	v11 =	vadd.f32 v17, v11;
	v16 =	vsel vm7, $0x0, v16  }
0x23c: {  	v15 =	vsel vm6, $0x0, v15;
	v13 =	vadd.f32 v13, v1;
	v17 =	vld [tilespmem:s6+$0x1BB20];
	v10 =	vadd.f32 v16, v10  }
0x23d: {  	v8 =	vadd.f32 v15, v8;
	v14 =	vsel vm5, $0x0, v14;
	v12 =	vadd.f32 v12, v1;
	v20 =	vld [tilespmem:s6+$0x1BB30]  }
0x23e: {  	v6 =	vadd.f32 v14, v6;
	v13 =	vsel vm3, $0x0, v13;
	v9 =	vadd.f32 v9, v1;
	v21 =	vld [tilespmem:s6+$0x1BB40]  }
0x23f: {  	v5 =	vadd.f32 v13, v5;
	v12 =	vsel vm2, $0x0, v12;
	vm8 =	veq.s32 v19, $0x0;
	v22 =	vld [tilespmem:s6+$0x1BB50]  }
0x240: {  	v4 =	vadd.f32 v12, v4;
	v9 =	vsel vm1, $0x0, v9;
	vm7 =	veq.s32 v7, $0x0;
	v23 =	vld [tilespmem:s6+$0x1BB60]  }
0x241: {  	v3 =	vadd.f32 v9, v3;
	vm6 =	veq.s32 v17, $0x0;
	v24 =	vld.idx.msk [tilespmem:v18+s3+$0x0], $0xffff  }
0x242: {  	v9 =	vld.idx.msk [tilespmem:v19+s3+$0x0], $0xffff;
	vm5 =	veq.s32 v20, $0x0  }
0x243: {  	v16 =	vld.idx.msk [tilespmem:v7+s3+$0x0], $0xffff;
	vm3 =	veq.s32 v21, $0x0  }
.Ltmp4:
0x244: {  	v15 =	vld.idx.msk [tilespmem:v17+s3+$0x0], $0xffff;
	vm2 =	veq.s32 v22, $0x0;
	(pc) =	sbr.rel @p0 .LBB2_9-.Ltmp4, $4  }
0x245: {  	v14 =	vld.idx.msk [tilespmem:v20+s3+$0x0], $0xffff;
	vm1 =	veq.s32 v23, $0x0  }
0x246: {  	v13 =	vld.idx.msk [tilespmem:v21+s3+$0x0], $0xffff  }
0x247: {  	v7 =	vadd.f32 v24, v1;
	v12 =	vld.idx.msk [tilespmem:v22+s3+$0x0], $0xffff  }
0x248: {  	vm4 =	veq.s32 v18, $0x0;
	s6 =	sshra.s32 s26, $0x2;
	s26 =	sadd.s32 $0x200, s26;
	v17 =	vadd.f32 v9, v1;
	v9 =	vld.idx.msk [tilespmem:v23+s3+$0x0], $0xffff  }
0x249: {  	v18 =	vld [tilespmem:s6+$0x1BB00];
	_ =	sdelay $0x7  }
0x24a: {  	v19 =	vld.idx.msk [tilespmem:v18+s3+$0x0], $0xffff;
	_ =	sdelay $0x4  }
0x24b: {  	v20 =	vld [tilespmem:s6+$0x1BB10];
	v17 =	vsel vm8, $0x0, v17;
	v19 =	vadd.f32 v19, v1  }
0x24c: {  	v11 =	vadd.f32 v17, v11;
	vm12 =	veq.s32 v18, $0x0  }
0x24d: {  	v21 =	vsel vm12, $0x0, v19  }
0x24e: {  	v11 =	vadd.f32 v21, v11;
	_ =	sdelay $0x1  }
0x24f: {  	v11 =	vsub.f32 $0.0e+00, v11;
	_ =	sdelay $0x1  }
0x250: {  	v11 =	vmul.f32 $1.442695020e+00, v11  }
0x251: {  	v22 =	vld.idx.msk [tilespmem:v20+s3+$0x0], $0xffff  }
0x252: {  	(erf) = vpow2.f32 v11;
	_ =	sdelay $0x1  }
0x253: {  	v23 =	vadd.f32 v16, v1;
	_ =	sdelay $0x1  }
0x254: {  	v24 =	vld [tilespmem:s6+$0x1BB20];
	v17 =	vadd.f32 v22, v1;
	v11 =	vsel vm7, $0x0, v23  }
0x255: {  	vm13 =	veq.s32 v20, $0x0;
	v10 =	vadd.f32 v11, v10  }
0x256: {  	v25 =	vsel vm13, $0x0, v17  }
0x257: {  	v10 =	vadd.f32 v25, v10;
	_ =	sdelay $0x1  }
0x258: {  	v10 =	vsub.f32 $0.0e+00, v10;
	v26 =	vpop (erf)  }
0x259: {  	v11 =	vadd.f32 $1.000000000e+00, v26  }
0x25a: {  	v10 =	vmul.f32 $1.442695020e+00, v10  }
0x25b: {  	v27 =	vld.idx.msk [tilespmem:v24+s3+$0x0], $0xffff;
	(erf) = vrcp.f32 v11  }
0x25c: {  	(erf) = vpow2.f32 v10;
	_ =	sdelay $0x1  }
0x25d: {  	v28 =	vadd.f32 v15, v1;
	_ =	sdelay $0x1  }
0x25e: {  	v29 =	vld [tilespmem:s6+$0x1BB30];
	v30 =	vadd.f32 v27, v1;
	v10 =	vsel vm6, $0x0, v28  }
0x25f: {  	vm14 =	veq.s32 v24, $0x0;
	v8 =	vadd.f32 v10, v8  }
0x260: {  	v31 =	vsel vm14, $0x0, v30  }
0x261: {  	v8 =	vadd.f32 v31, v8  }
0x262: {  	v32 =	vpop (erf)  }
0x263: {  	v8 =	vsub.f32 $0.0e+00, v8;
	v33 =	vpop (erf)  }
0x264: {  	v15 =	vadd.f32 $1.000000000e+00, v33  }
0x265: {  	v8 =	vmul.f32 $1.442695020e+00, v8  }
0x266: {  	v34 =	vld.idx.msk [tilespmem:v29+s3+$0x0], $0xffff;
	(erf) = vrcp.f32 v15  }
0x267: {  	(erf) = vpow2.f32 v8;
	_ =	sdelay $0x1  }
0x268: {  	v35 =	vadd.f32 v14, v1;
	_ =	sdelay $0x1  }
0x269: {  	v36 =	vld [tilespmem:s6+$0x1BB40];
	v37 =	vadd.f32 v34, v1;
	v8 =	vsel vm5, $0x0, v35  }
0x26a: {  	vm15 =	veq.s32 v29, $0x0;
	v6 =	vadd.f32 v8, v6  }
0x26b: {  	v38 =	vsel vm15, $0x0, v37  }
0x26c: {  	v6 =	vadd.f32 v38, v6  }
0x26d: {  	v39 =	vpop (erf)  }
0x26e: {  	v6 =	vsub.f32 $0.0e+00, v6;
	v40 =	vpop (erf)  }
0x26f: {  	v11 =	vadd.f32 $1.000000000e+00, v40  }
0x270: {  	v6 =	vmul.f32 $1.442695020e+00, v6  }
0x271: {  	v41 =	vld.idx.msk [tilespmem:v36+s3+$0x0], $0xffff;
	(erf) = vrcp.f32 v11  }
0x272: {  	(erf) = vpow2.f32 v6;
	_ =	sdelay $0x1  }
0x273: {  	v42 =	vadd.f32 v13, v1;
	_ =	sdelay $0x1  }
0x274: {  	v43 =	vld [tilespmem:s6+$0x1BB50];
	v44 =	vadd.f32 v41, v1;
	v6 =	vsel vm3, $0x0, v42  }
0x275: {  	vm3 =	veq.s32 v36, $0x0;
	v5 =	vadd.f32 v6, v5  }
0x276: {  	v45 =	vsel vm3, $0x0, v44  }
0x277: {  	v5 =	vadd.f32 v45, v5  }
0x278: {  	v46 =	vpop (erf)  }
0x279: {  	v5 =	vsub.f32 $0.0e+00, v5;
	v47 =	vpop (erf)  }
0x27a: {  	v13 =	vadd.f32 $1.000000000e+00, v47  }
0x27b: {  	v5 =	vmul.f32 $1.442695020e+00, v5  }
0x27c: {  	v48 =	vld.idx.msk [tilespmem:v43+s3+$0x0], $0xffff;
	(erf) = vrcp.f32 v13  }
0x27d: {  	(erf) = vpow2.f32 v5;
	_ =	sdelay $0x1  }
0x27e: {  	v49 =	vadd.f32 v12, v1;
	_ =	sdelay $0x1  }
0x27f: {  	v50 =	vld [tilespmem:s6+$0x1BB60];
	v51 =	vadd.f32 v48, v1;
	v5 =	vsel vm2, $0x0, v49  }
0x280: {  	vm2 =	veq.s32 v43, $0x0;
	v4 =	vadd.f32 v5, v4  }
0x281: {  	v52 =	vsel vm2, $0x0, v51  }
0x282: {  	v4 =	vadd.f32 v52, v4  }
0x283: {  	v53 =	vpop (erf)  }
0x284: {  	v4 =	vsub.f32 $0.0e+00, v4;
	v54 =	vpop (erf)  }
0x285: {  	v11 =	vadd.f32 $1.000000000e+00, v54  }
0x286: {  	v4 =	vmul.f32 $1.442695020e+00, v4  }
0x287: {  	v55 =	vld.idx.msk [tilespmem:v50+s3+$0x0], $0xffff;
	(erf) = vrcp.f32 v11  }
0x288: {  	(erf) = vpow2.f32 v4;
	_ =	sdelay $0x1  }
0x289: {  	v56 =	vadd.f32 v9, v1;
	_ =	sdelay $0x1  }
0x28a: {  	v57 =	vld [tilespmem:s6+$0x1BB70];
	v58 =	vadd.f32 v55, v1;
	v4 =	vsel vm1, $0x0, v56  }
0x28b: {  	vm1 =	veq.s32 v50, $0x0;
	v3 =	vadd.f32 v4, v3  }
0x28c: {  	v59 =	vsel vm1, $0x0, v58  }
0x28d: {  	v3 =	vadd.f32 v59, v3  }
0x28e: {  	v60 =	vpop (erf)  }
0x28f: {  	v3 =	vsub.f32 $0.0e+00, v3;
	v61 =	vpop (erf)  }
0x290: {  	v11 =	vadd.f32 $1.000000000e+00, v61  }
0x291: {  	v3 =	vmul.f32 $1.442695020e+00, v3  }
0x292: {  	v62 =	vld.idx.msk [tilespmem:v57+s3+$0x0], $0xffff;
	(erf) = vrcp.f32 v11  }
0x293: {  	(erf) = vpow2.f32 v3;
	_ =	sdelay $0x2  }
0x294: {  	v3 =	vsel vm4, $0x0, v7  }
0x295: {  	v1 =	vadd.f32 v62, v1;
	v2 =	vadd.f32 v3, v2  }
0x296: {  	vm1 =	veq.s32 v57, $0x0  }
0x297: {  	v1 =	vsel vm1, $0x0, v1  }
0x298: {  	v1 =	vadd.f32 v1, v2  }
0x299: {  	v2 =	vpop (erf)  }
0x29a: {  	v1 =	vsub.f32 $0.0e+00, v1;
	v3 =	vpop (erf)  }
0x29b: {  	v3 =	vadd.f32 $1.000000000e+00, v3  }
0x29c: {  	v1 =	vmul.f32 $1.442695020e+00, v1  }
0x29d: {  	(erf) = vrcp.f32 v3  }
0x29e: {  	(erf) = vpow2.f32 v1;
	_ =	sdelay $0x7  }
0x29f: {  	v1 =	vpop (erf)  }
0x2a0: {  	[tilespmem:$0x1F080] =	vst v32;
	v3 =	vsub.f32 $1.000000000e+00, v32;
	v63 =	vpop (erf)  }
0x2a1: {  	[tilespmem:$0x1F090] =	vst v39;
	v7 =	vadd.f32 $1.000000000e+00, v63  }
0x2a2: {  	[tilespmem:$0x1F100] =	vst v3;
	v3 =	vsub.f32 $1.000000000e+00, v39  }
0x2a3: {  	[tilespmem:$0x1F0A0] =	vst v46;
	(erf) = vrcp.f32 v7  }
0x2a4: {  	[tilespmem:$0x1F110] =	vst v3;
	v3 =	vsub.f32 $1.000000000e+00, v46  }
0x2a5: {  	[tilespmem:$0x1F0B0] =	vst v53  }
0x2a6: {  	[tilespmem:$0x1F120] =	vst v3;
	v3 =	vsub.f32 $1.000000000e+00, v53  }
0x2a7: {  	[tilespmem:$0x1F0C0] =	vst v60  }
0x2a8: {  	[tilespmem:$0x1F130] =	vst v3;
	v3 =	vsub.f32 $1.000000000e+00, v60  }
0x2a9: {  	[tilespmem:$0x1F0D0] =	vst v2  }
0x2aa: {  	[tilespmem:$0x1F140] =	vst v3;
	v3 =	vsub.f32 $1.000000000e+00, v2  }
0x2ab: {  	v2 =	vsub.f32 $1.000000000e+00, v1;
	[tilespmem:$0x1F0E0] =	vst v1  }
0x2ac: {  	[tilespmem:$0x1F150] =	vst v3;
	v1 =	vpop (erf)  }
0x2ad: {  	s4 =	sadd.s32 $0x1, s4;
	[tilespmem:$0x1F160] =	vst v2;
	v2 =	vsub.f32 $1.000000000e+00, v1  }
0x2ae: {  	p0 =	sne.s32 s4, s19;
	[tilespmem:$0x1F0F0] =	vst v1  }
.Ltmp5:
0x2af: {  	s26 =	rddreg [dreg:$0x10];
	s24 =	simm.s32 $0x1EF80;
	[tilespmem:$0x1F170] =	vst v2;
	(pc) =	sbr.rel @p0 .LBB2_2-.Ltmp5, $4  }
0x2b0: {  	[hbm4b:s26+s3] =	stream.linear.scatter [tilespmem:s24], [sflag:$0x1], $0x200, $0x38;
	[tilespmem:$0x1F180] =	vst v63  }
0x2b1: {  	_ =	swait.ge [sflag:s0], $0x200  }
0x2b2: {  	[sflag:s0] =	ssyncset.done $0x0  }
0x2b3: {  	[sflag:s0] =	ssyncadd.s32 $0xFFFFFE00  }
.LBB2_11:
0x2b4: {  	_ =	sfence.sel $0x180000  }
0x2b5: {  	[bflag:$0x0] =	sbarrier.arrive $0xFFFF  }
0x2b6: {  	_ =	strace $0x90000047  }
0x2b7: {  	s0 =	stileid.u32;
	[bflag:$0x2] =	sbarrier.arrive $0xFFFF  }
0x2b8: {  	p0 =	sne.s32 s0, $0x0;
	s0 =	rddreg [dreg:$0x4]  }
0x2b9: {  	s0 =	sadd.s32 @!p0 $0x100000, s0  }
0x2ba: {  	[sflag:s0] =	ssyncadd.tile.s32 @!p0 $0x1;
	_ =	shalt  }
.Lfunc_end2:
_tile_overlayer_lowered:
.L_overlay_start_2:
0x2bb: {  	(tag) =	ssettag $0x2  }
0x2bc: {  	s0 =	rddreg [dreg:$0x0];
	s2 =	stileid.u32  }
0x2bd: {  	s1 =	rddreg [dreg:$0x1];
	p0 =	sne.s32 s2, $0x0  }
0x2be: {  	s3 =	rddreg [dreg:$0x2];
	[bflag:$0x3] =	sbarrier.arrive $0xFFFF;
	s2 =	simm.s32 @!p0 $0x1C02  }
0x2bf: {  	[timem:s3], [sflag:s2] =	dma.local @!p0 [hbm:s0], s1  }
0x2c0: {  	s0 =	simm.s32 @!p0 $0x2  }
0x2c1: {  	_ =	swait.ge @!p0 [sflag:s0], s1  }
0x2c2: {  	s1 =	ssub.s32 @!p0 $0x0, s1;
	[sflag:s0] =	ssyncset.done @!p0 $0x0  }
0x2c3: {  	[sflag:s0] =	ssyncadd.s32 @!p0 s1  }
0x2c4: {  	[bflag:$0x3] =	sbarrier.arrive $0xFFFF  }
0x2c5: {  	_ =	shalt  }

</sc_bundles>
